<compile_context>
chip_gen: v7x
topology: tpu7x:2x2x1
jax: 0.10.2.dev20260603
libtpu: 0.0.44.dev20260713+nightly
codegen_flags: <defaults>
</compile_context>

<pallas_src>
import functools

import jax
import jax.numpy as jnp
from jax import lax
from jax.experimental import pallas as pl
from jax.experimental.pallas import tpu as pltpu
from jax.experimental.pallas import tpu_sc as plsc

N = 50000
E = 800000
G = 512
H = 64
T = 12

NC = 2
NS = 16
CH = 128
EP = 819200
ROWS_E = EP // CH
NOP = 50048
NPT = NOP // NS
KB = 16

BE = 4096
BN = 2000

_mesh = plsc.VectorSubcoreMesh(core_axis_name="c", subcore_axis_name="s")
_sc_params = pltpu.CompilerParams(use_tc_tiling_on_sc=False)


BEC = 16384
BQ2 = BEC // 4


def _edge_body(ea0_ref, ea1_ref, ea2_ref, ea3_ref, w_ref, b_ref,
               e1_ref, e2_ref):
    for m, ref in enumerate((ea0_ref, ea1_ref, ea2_ref, ea3_ref)):
        ef = lax.dot_general(ref[...], w_ref[...], (((0,), (0,)), ((), ())),
                             precision=lax.Precision.DEFAULT,
                             preferred_element_type=jnp.float32) + b_ref[...]
        e1_ref[:, 16 * m:16 * m + 16] = ef[:, :16]
        e2_ref[0, :, 32 * m:32 * m + 32] = ef[:, 16:48]
        e2_ref[1, :, 32 * m:32 * m + 32] = ef[:, 48:80]


def _edge_mlp(eat, w_all, b_all):
    nblk = EP // 4 // BQ2
    grid = (nblk,)
    especs = [
        pl.BlockSpec((4, BQ2), lambda i, m=m: (0, m * nblk + i))
        for m in range(4)
    ]
    return pl.pallas_call(
        _edge_body,
        grid=grid,
        in_specs=especs + [
            pl.BlockSpec((4, 16 + H), lambda i: (0, 0)),
            pl.BlockSpec((1, 16 + H), lambda i: (0, 0)),
        ],
        out_specs=[
            pl.BlockSpec((BQ2, 128), lambda i: (i, 0)),
            pl.BlockSpec((2, BQ2, 128), lambda i: (0, i, 0)),
        ],
        out_shape=[
            jax.ShapeDtypeStruct((EP // 4, 128), jnp.float32),
            jax.ShapeDtypeStruct((2, EP // 4, 128), jnp.float32),
        ],
    )(eat, eat, eat, eat, w_all, b_all)


ROWS_T1 = ROWS_E // (NC * NS)


@functools.partial(
    pl.kernel,
    out_type=jax.ShapeDtypeStruct((NC, NOP, 16), jnp.float32),
    mesh=_mesh,
    scratch_types=[
        pltpu.VMEM((ROWS_T1, CH), jnp.int32),
        pltpu.VMEM((ROWS_T1, CH), jnp.int32),
        pltpu.VMEM((CH, 16), jnp.float32),
        pltpu.VMEM((CH, 16), jnp.float32),
        pltpu.VMEM((CH // 4, 128), jnp.float32),
        pltpu.VMEM((CH // 4, 128), jnp.float32),
        pltpu.VMEM_SHARED((NOP, 16), jnp.float32),
        pltpu.SemaphoreType.DMA,
        pltpu.SemaphoreType.DMA,
        pltpu.SemaphoreType.DMA,
        pltpu.SemaphoreType.DMA,
    ],
    compiler_params=_sc_params,
)
def _conv1_sc(xpad, src2d, dst2d, e1, out, srcv, dstv, r0, r1, eb0, eb1, acc,
              gs0, gs1, es0, es1):
    cid = lax.axis_index("c")
    sid = lax.axis_index("s")
    wid = cid * NS + sid
    rbufs = (r0, r1)
    ebufs = (eb0, eb1)
    gsems = (gs0, gs1)
    esems = (es0, es1)

    @pl.loop(0, CH)
    def _zrow(r):
        r0[r, :] = jnp.zeros((16,), jnp.float32)

    @pl.loop(0, NPT // CH)
    def _zacc(j):
        pltpu.sync_copy(r0, acc.at[pl.ds(sid * NPT + j * CH, CH)])

    pltpu.sync_copy(r0.at[pl.ds(0, NPT % CH)],
                    acc.at[pl.ds(sid * NPT + (NPT // CH) * CH, NPT % CH)])

    base = wid * ROWS_T1
    pltpu.sync_copy(src2d.at[pl.ds(base, ROWS_T1)], srcv)
    pltpu.sync_copy(dst2d.at[pl.ds(base, ROWS_T1)], dstv)
    plsc.subcore_barrier()

    def _issue(j, b):
        pltpu.async_copy(xpad.at[srcv.at[j]], rbufs[b], gsems[b])
        pltpu.async_copy(e1.at[pl.ds((base + j) * (CH // 4), CH // 4)],
                         ebufs[b], esems[b])

    _issue(0, 0)

    @pl.loop(0, ROWS_T1 // 2)
    def _pair(p):
        for b in (0, 1):
            j = 2 * p + b
            rb, ebb = rbufs[b], ebufs[b]
            pltpu.make_async_copy(xpad.at[srcv.at[j]], rb, gsems[b]).wait()
            pltpu.make_async_copy(
                e1.at[pl.ds((base + j) * (CH // 4), CH // 4)],
                ebb, esems[b]).wait()

            @pl.when(j < ROWS_T1 - 1)
            def _pre():
                _issue(j + 1, 1 - b)

            @pl.loop(0, CH // 4)
            def _elt(q):
                for m in range(4):
                    rb[q * 4 + m, :] = jnp.maximum(
                        rb[q * 4 + m, :] + ebb[q, m * 16:(m + 1) * 16], 0.0)

            pltpu.sync_copy(rb, acc.at[dstv.at[j]], add=True)

    plsc.subcore_barrier()
    pltpu.sync_copy(acc.at[pl.ds(sid * NPT, NPT)],
                    out.at[cid, pl.ds(sid * NPT, NPT)])


def _mlp1_body(x_ref, agg_ref, w1a_ref, b1a_ref, w1b_ref, b1b_ref, h_ref):
    hpre = x_ref[...] + agg_ref[0] + agg_ref[1]
    t = jnp.dot(hpre, w1a_ref[...], precision=lax.Precision.DEFAULT,
                preferred_element_type=jnp.float32) + b1a_ref[...]
    t = jnp.maximum(t, 0.0)
    h = jnp.dot(t, w1b_ref[...], precision=lax.Precision.DEFAULT,
                preferred_element_type=jnp.float32) + b1b_ref[...]
    h = jnp.maximum(h, 0.0)
    h_ref[0] = h[:, :32]
    h_ref[1] = h[:, 32:]


def _mlp1(xpad, agg1, w1ap, b1a, w1b, b1b):
    grid = (N // BN,)
    return pl.pallas_call(
        _mlp1_body,
        grid=grid,
        in_specs=[
            pl.BlockSpec((BN, 16), lambda i: (i, 0)),
            pl.BlockSpec((2, BN, 16), lambda i: (0, i, 0)),
            pl.BlockSpec((16, H), lambda i: (0, 0)),
            pl.BlockSpec((1, H), lambda i: (0, 0)),
            pl.BlockSpec((H, H), lambda i: (0, 0)),
            pl.BlockSpec((1, H), lambda i: (0, 0)),
        ],
        out_specs=pl.BlockSpec((2, BN, 32), lambda i: (0, i, 0)),
        out_shape=jax.ShapeDtypeStruct((2, N, 32), jnp.float32),
    )(xpad, agg1, w1ap, b1a, w1b, b1b)


ROWS_T2 = ROWS_E // NS


@functools.partial(
    pl.kernel,
    out_type=jax.ShapeDtypeStruct((NC, NOP, 32), jnp.float32),
    mesh=_mesh,
    scratch_types=[
        pltpu.VMEM((KB, CH), jnp.int32),
        pltpu.VMEM((KB, CH), jnp.int32),
        pltpu.VMEM((CH, 32), jnp.float32),
        pltpu.VMEM((CH, 32), jnp.float32),
        pltpu.VMEM((CH // 4, 128), jnp.float32),
        pltpu.VMEM((CH // 4, 128), jnp.float32),
        pltpu.VMEM_SHARED((NOP, 32), jnp.float32),
        pltpu.SemaphoreType.DMA,
        pltpu.SemaphoreType.DMA,
        pltpu.SemaphoreType.DMA,
        pltpu.SemaphoreType.DMA,
    ],
    compiler_params=_sc_params,
)
def _conv2_sc(h2d, srcs2, dst2d, e2, out, srcv, dstv, r0, r1, eb0, eb1, acc,
              gs0, gs1, es0, es1):
    cid = lax.axis_index("c")
    sid = lax.axis_index("s")
    rbufs = (r0, r1)
    ebufs = (eb0, eb1)
    gsems = (gs0, gs1)
    esems = (es0, es1)

    @pl.loop(0, CH)
    def _zrow(r):
        r0[r, 0:16] = jnp.zeros((16,), jnp.float32)
        r0[r, 16:32] = jnp.zeros((16,), jnp.float32)

    @pl.loop(0, NPT // CH)
    def _zacc(j):
        pltpu.sync_copy(r0, acc.at[pl.ds(sid * NPT + j * CH, CH)])

    pltpu.sync_copy(r0.at[pl.ds(0, NPT % CH)],
                    acc.at[pl.ds(sid * NPT + (NPT // CH) * CH, NPT % CH)])

    base = sid * ROWS_T2
    plsc.subcore_barrier()

    def _issue(j, b):
        pltpu.async_copy(h2d.at[srcv.at[j % KB]], rbufs[b], gsems[b])
        pltpu.async_copy(e2.at[cid, pl.ds((base + j) * (CH // 4), CH // 4)],
                         ebufs[b], esems[b])

    def _refresh_idx(blk):
        pltpu.sync_copy(srcs2.at[cid, pl.ds(base + blk * KB, KB)], srcv)
        pltpu.sync_copy(dst2d.at[pl.ds(base + blk * KB, KB)], dstv)

    _refresh_idx(0)
    _issue(0, 0)

    @pl.loop(0, ROWS_T2 // 2)
    def _pair(p):
        for b in (0, 1):
            j = 2 * p + b
            rb, ebb = rbufs[b], ebufs[b]
            pltpu.make_async_copy(h2d.at[srcv.at[j % KB]], rb, gsems[b]).wait()
            pltpu.make_async_copy(
                e2.at[cid, pl.ds((base + j) * (CH // 4), CH // 4)],
                ebb, esems[b]).wait()

            @pl.when(jnp.logical_and(j % KB != KB - 1, j < ROWS_T2 - 1))
            def _pre():
                _issue(j + 1, 1 - b)

            @pl.loop(0, CH // 4)
            def _elt(q):
                for m in range(8):
                    rb[q * 4 + m // 2, (m % 2) * 16:(m % 2 + 1) * 16] = \
                        jnp.maximum(
                            rb[q * 4 + m // 2, (m % 2) * 16:(m % 2 + 1) * 16]
                            + ebb[q, m * 16:(m + 1) * 16], 0.0)

            pltpu.sync_copy(rb, acc.at[dstv.at[j % KB]], add=True)

            @pl.when(jnp.logical_and(j % KB == KB - 1, j < ROWS_T2 - 1))
            def _next_blk():
                _refresh_idx((j + 1) // KB)
                _issue(j + 1, 1 - b)

    plsc.subcore_barrier()
    pltpu.sync_copy(acc.at[pl.ds(sid * NPT, NPT)],
                    out.at[cid, pl.ds(sid * NPT, NPT)])


def _mlp2_body(h_ref, agg_ref, batch_ref, w2a_ref, b2a_ref, w2b_ref, b2b_ref,
               fcw_ref, fcb_ref, out_ref, psum):
    i = pl.program_id(0)

    @pl.when(i == 0)
    def _init():
        psum[...] = jnp.zeros_like(psum)

    hfull = jnp.concatenate([h_ref[0], h_ref[1]], axis=1)
    aggfull = jnp.concatenate([agg_ref[0], agg_ref[1]], axis=1)
    hpre = hfull + aggfull
    t = jnp.dot(hpre, w2a_ref[...], precision=lax.Precision.DEFAULT,
                preferred_element_type=jnp.float32) + b2a_ref[...]
    t = jnp.maximum(t, 0.0)
    h2 = jnp.dot(t, w2b_ref[...], precision=lax.Precision.DEFAULT,
                 preferred_element_type=jnp.float32) + b2b_ref[...]
    h2 = jnp.maximum(h2, 0.0)

    bid = batch_ref[0, 0, :]
    oh = (lax.broadcasted_iota(jnp.int32, (G, BN), 0) == bid[None, :])
    oh = oh.astype(jnp.float32)
    hcat = jnp.concatenate(
        [h2, jnp.ones((BN, 1), jnp.float32)], axis=1)
    psum[...] += jnp.dot(oh, hcat, precision=lax.Precision.DEFAULT,
                         preferred_element_type=jnp.float32)

    @pl.when(i == pl.num_programs(0) - 1)
    def _fin():
        pooled = psum[:, :H] / jnp.maximum(psum[:, H:H + 1], 1.0)
        out_ref[...] = jnp.dot(pooled, fcw_ref[...],
                               precision=lax.Precision.DEFAULT,
                               preferred_element_type=jnp.float32) + fcb_ref[...]


def _mlp2(h, agg2, batch3d, w2a, b2a, w2b, b2b, fcw, fcb):
    grid = (N // BN,)
    return pl.pallas_call(
        _mlp2_body,
        grid=grid,
        in_specs=[
            pl.BlockSpec((2, BN, 32), lambda i: (0, i, 0)),
            pl.BlockSpec((2, BN, 32), lambda i: (0, i, 0)),
            pl.BlockSpec((1, 1, BN), lambda i: (i, 0, 0)),
            pl.BlockSpec((H, H), lambda i: (0, 0)),
            pl.BlockSpec((1, H), lambda i: (0, 0)),
            pl.BlockSpec((H, H), lambda i: (0, 0)),
            pl.BlockSpec((1, H), lambda i: (0, 0)),
            pl.BlockSpec((H, T), lambda i: (0, 0)),
            pl.BlockSpec((1, T), lambda i: (0, 0)),
        ],
        out_specs=pl.BlockSpec((G, T), lambda i: (0, 0)),
        out_shape=jax.ShapeDtypeStruct((G, T), jnp.float32),
        scratch_shapes=[pltpu.VMEM((G, H + 1), jnp.float32)],
    )(h, agg2, batch3d, w2a, b2a, w2b, b2b, fcw, fcb)


def kernel(x, edge_index, edge_attr, batch, ew1, eb1, w1a, b1a, w1b, b1b,
           ew2, eb2, w2a, b2a, w2b, b2b, fcw, fcb):
    srcp = jnp.pad(edge_index[0], (0, EP - E))
    dstp = jnp.pad(edge_index[1], (0, EP - E),
                   constant_values=N)

    def _perm(v):
        return v.reshape(4, ROWS_E, 32).transpose(1, 2, 0).reshape(ROWS_E, CH)

    src2d = _perm(srcp)
    dst2d = _perm(dstp)
    srcs2 = jnp.stack([src2d, src2d + N])
    eat = jnp.pad(edge_attr.T, ((0, 0), (0, EP - E)))

    xpad = jnp.pad(x, ((0, 0), (0, 16 - 7)))
    ew1p = jnp.pad(ew1, ((0, 0), (0, 16 - 7)))
    eb1p = jnp.pad(eb1, (0, 16 - 7)).reshape(1, 16)
    w1ap = jnp.pad(w1a, ((0, 16 - 7), (0, 0)))

    w_all = jnp.concatenate([ew1p, ew2], axis=1)
    b_all = jnp.concatenate([eb1p, eb2.reshape(1, H)], axis=1)
    e1, e2 = _edge_mlp(eat, w_all, b_all)
    agg1 = _conv1_sc(xpad, src2d, dst2d, e1)
    h = _mlp1(xpad, agg1, w1ap, b1a.reshape(1, H), w1b, b1b.reshape(1, H))
    h2d = h.reshape(2 * N, 32)
    agg2 = _conv2_sc(h2d, srcs2, dst2d, e2)

    batch3d = batch.reshape(N // BN, 1, BN)
    return _mlp2(h, agg2, batch3d, w2a, b2a.reshape(1, H), w2b,
                 b2b.reshape(1, H), fcw, fcb.reshape(1, T))

# --- scband reference (transcript-rebuilt; emitter-appended) ---
"""Pipeline reference for scband-gin-edge-12919261627156 (READ-ONLY COPY).

The authoritative reference and input builder live on the scoring server;
editing this copy changes nothing except your own understanding.
"""

import jax, jax.numpy as jnp
import numpy as np

N = 50000
E = 800000
G = 512
H = 64
NUM_TASKS = 12


def setup_inputs(seed: int = 0) -> dict:
    key = jax.random.key(seed)
    ks = jax.random.split(key, 20)
    inp = {}
    inp["x"] = jax.random.normal(ks[0], (N, 7), dtype=jnp.float32)
    inp["edge_index"] = jax.random.randint(ks[1], (2, E), 0, N, dtype=jnp.int32)
    inp["edge_attr"] = jax.random.normal(ks[2], (E, 4), dtype=jnp.float32)
    inp["batch"] = jnp.sort(jax.random.randint(ks[3], (N,), 0, G, dtype=jnp.int32))
    # conv1: GINEConv(nn=Linear(7,64)+ReLU+Linear(64,64), edge_dim=4 -> edge lin Linear(4,7))
    inp["ew1"] = jax.random.normal(ks[4], (4, 7), dtype=jnp.float32) * 0.1
    inp["eb1"] = jnp.zeros((7,), dtype=jnp.float32)
    inp["w1a"] = jax.random.normal(ks[5], (7, H), dtype=jnp.float32) * 0.1
    inp["b1a"] = jnp.zeros((H,), dtype=jnp.float32)
    inp["w1b"] = jax.random.normal(ks[6], (H, H), dtype=jnp.float32) * 0.1
    inp["b1b"] = jnp.zeros((H,), dtype=jnp.float32)
    # conv2: GINEConv(nn=Linear(64,64)+ReLU+Linear(64,64), edge lin Linear(4,64))
    inp["ew2"] = jax.random.normal(ks[7], (4, H), dtype=jnp.float32) * 0.1
    inp["eb2"] = jnp.zeros((H,), dtype=jnp.float32)
    inp["w2a"] = jax.random.normal(ks[8], (H, H), dtype=jnp.float32) * 0.1
    inp["b2a"] = jnp.zeros((H,), dtype=jnp.float32)
    inp["w2b"] = jax.random.normal(ks[9], (H, H), dtype=jnp.float32) * 0.1
    inp["b2b"] = jnp.zeros((H,), dtype=jnp.float32)
    # final fc: Linear(64, num_tasks)
    inp["fcw"] = jax.random.normal(ks[10], (H, NUM_TASKS), dtype=jnp.float32) * 0.1
    inp["fcb"] = jnp.zeros((NUM_TASKS,), dtype=jnp.float32)
    return inp


def _gine_conv(x, edge_index, edge_attr, ew, eb, wa, ba, wb, bb, eps=0.0):
    # PyG GINEConv: out = nn((1+eps)*x + sum_j ReLU(x_j + lin(edge_attr)))
    src = edge_index[0]
    dst = edge_index[1]
    e = edge_attr @ ew + eb
    msg = jax.nn.relu(x[src] + e)
    agg = jax.ops.segment_sum(msg, dst, num_segments=x.shape[0])
    h = (1.0 + eps) * x + agg
    h = jax.nn.relu(h @ wa + ba) @ wb + bb
    return h


def reference(x, edge_index, edge_attr, batch, ew1, eb1, w1a, b1a, w1b, b1b, ew2, eb2, w2a, b2a, w2b, b2b, fcw, fcb):
    h = jax.nn.relu(_gine_conv(x, edge_index, edge_attr, ew1, eb1, w1a, b1a, w1b, b1b))
    h = jax.nn.relu(_gine_conv(h, edge_index, edge_attr, ew2, eb2, w2a, b2a, w2b, b2b))
    # global_mean_pool over graph ids
    counts = jax.ops.segment_sum(jnp.ones((h.shape[0],), dtype=jnp.float32), batch, num_segments=G)
    pooled = jax.ops.segment_sum(h, batch, num_segments=G) / jnp.clip(counts, 1.0)[:, None]
    return pooled @ fcw + fcb


if False:  # reference __main__ guard neutralized (emitter)
    out = reference(**setup_inputs())
    print(out.shape)

if __name__ == "__main__":
    import jax
    _d = setup_inputs()
    print(jax.jit(kernel)(*tuple(_d.values())))

</pallas_src>

<mosaic_0001>
#map = affine_map<(d0, d1) -> (0, 0)>
#map1 = affine_map<(d0, d1) -> (0, 0, 0)>
module attributes {stable_mosaic.version = 14 : i64} {
  func.func @_conv2_sc(%arg0: i32, %arg1: i32, %arg2: memref<100000x32xf32, #tpu.memory_space<hbm>>, %arg3: memref<2x6400x128xi32, #tpu.memory_space<hbm>>, %arg4: memref<6400x128xi32, #tpu.memory_space<hbm>>, %arg5: memref<2x204800x128xf32, #tpu.memory_space<hbm>>, %arg6: memref<2x50048x32xf32, #tpu.memory_space<hbm>>, %arg7: memref<16x128xi32, #tpu.memory_space<vmem>>, %arg8: memref<16x128xi32, #tpu.memory_space<vmem>>, %arg9: memref<128x32xf32, #tpu.memory_space<vmem>>, %arg10: memref<128x32xf32, #tpu.memory_space<vmem>>, %arg11: memref<32x128xf32, #tpu.memory_space<vmem>>, %arg12: memref<32x128xf32, #tpu.memory_space<vmem>>, %arg13: memref<50048x32xf32, #tpu.memory_space<vmem_shared>>, %arg14: memref<!tpu.dma_semaphore, #tpu.memory_space<semaphore_mem>>, %arg15: memref<!tpu.dma_semaphore, #tpu.memory_space<semaphore_mem>>, %arg16: memref<!tpu.dma_semaphore, #tpu.memory_space<semaphore_mem>>, %arg17: memref<!tpu.dma_semaphore, #tpu.memory_space<semaphore_mem>>) attributes {dimension_semantics = [#tpu.dimension_semantics<core_parallel>, #tpu.dimension_semantics<subcore_parallel>], iteration_bounds = array<i64: 2, 16>, scalar_prefetch = 0 : i64, scratch_operands = 11 : i64, tpu.core_type = #tpu.core_type<sc_vector_subcore>, window_params = [{transform_indices = #map}, {transform_indices = #map1}, {transform_indices = #map}, {transform_indices = #map1}, {transform_indices = #map1}]} {
    %scan3A = arith.constant 0 : i32
    %scan3A_0 = arith.constant 128 : i32
    %scan3A_1 = arith.addi %scan3A, %scan3A_0 : i32
    %scan3A_2 = arith.constant 1 : i32
    scf.for %scan3A_43 = %scan3A to %scan3A_1 step %scan3A_2  : i32 {
      %mul3A_44 = arith.constant 1 : i32
      %mul3A_45 = arith.muli %scan3A_43, %mul3A_44 : i32
      %add3A_46 = arith.constant 0 : i32
      %add3A_47 = arith.addi %add3A_46, %mul3A_45 : i32
      %broadcast_in_dim3A = arith.constant 0.000000e+00 : f32
      %broadcast_in_dim3A_48 = vector.broadcast %broadcast_in_dim3A : f32 to vector<16xf32>
      %swap3A = arith.index_cast %add3A_47 : i32 to index
      %swap3A_49 = arith.constant 0 : index
      %swap3A_50 = tpu.vector_load %arg9[%swap3A, %swap3A_49] {strides = array<i32>} : memref<128x32xf32, #tpu.memory_space<vmem>>, vector<1x16xf32>,
      %swap3A_51 = vector.shape_cast %swap3A_50 : vector<1x16xf32> to vector<16xf32>
      %swap3A_52 = vector.shape_cast %broadcast_in_dim3A_48 : vector<16xf32> to vector<1x16xf32>
      tpu.vector_store %arg9[%swap3A, %swap3A_49], %swap3A_52 {strides = array<i32>} : memref<128x32xf32, #tpu.memory_space<vmem>>, vector<1x16xf32>,
      %broadcast_in_dim3A_53 = arith.constant 0.000000e+00 : f32
      %broadcast_in_dim3A_54 = vector.broadcast %broadcast_in_dim3A_53 : f32 to vector<16xf32>
      %swap3A_55 = arith.index_cast %add3A_47 : i32 to index
      %swap3A_56 = arith.constant 16 : index
      %swap3A_57 = tpu.vector_load %arg9[%swap3A_55, %swap3A_56] {strides = array<i32>} : memref<128x32xf32, #tpu.memory_space<vmem>>, vector<1x16xf32>,
      %swap3A_58 = vector.shape_cast %swap3A_57 : vector<1x16xf32> to vector<16xf32>
      %swap3A_59 = vector.shape_cast %broadcast_in_dim3A_54 : vector<16xf32> to vector<1x16xf32>
      tpu.vector_store %arg9[%swap3A_55, %swap3A_56], %swap3A_59 {strides = array<i32>} : memref<128x32xf32, #tpu.memory_space<vmem>>, vector<1x16xf32>,
    }
    %scan3A_3 = arith.constant 128 : i32
    %scan3A_4 = arith.constant 0 : i32
    %scan3A_5 = arith.constant 24 : i32
    %scan3A_6 = arith.addi %scan3A_4, %scan3A_5 : i32
    %scan3A_7 = arith.constant 1 : i32
    scf.for %scan3A_43 = %scan3A_4 to %scan3A_6 step %scan3A_7  : i32 {
      %mul3A_44 = arith.constant 1 : i32
      %mul3A_45 = arith.muli %scan3A_43, %mul3A_44 : i32
      %add3A_46 = arith.constant 0 : i32
      %add3A_47 = arith.addi %add3A_46, %mul3A_45 : i32
      %mul3A_48 = arith.constant 3128 : i32
      %mul3A_49 = arith.muli %arg1, %mul3A_48 : i32
      %mul3A_50 = arith.constant 128 : i32
      %mul3A_51 = arith.muli %add3A_47, %mul3A_50 : i32
      %add3A_52 = arith.addi %mul3A_49, %mul3A_51 : i32
      "tpu.region"() ({
        %run_scoped3A = tpu.sem_alloc : memref<!tpu.dma_semaphore, #tpu.memory_space<semaphore_mem>>
        %dma_start3A_53 = arith.constant 0 : i32
        %dma_start3A_54 = tpu.memref_slice %arg13[%add3A_52, %dma_start3A_53] : memref<50048x32xf32, #tpu.memory_space<vmem_shared>> -> memref<128x32xf32, #tpu.memory_space<vmem_shared>>
        %dma_start3A_55 = arith.constant 0 : i32
        %dma_start3A_56 = tpu.memref_slice %arg13[%add3A_52, %dma_start3A_55] : memref<50048x32xf32, #tpu.memory_space<vmem_shared>> -> memref<128x32xf32, #tpu.memory_space<vmem_shared>>
        tpu.enqueue_dma source(%arg9 : memref<128x32xf32, #tpu.memory_space<vmem>>) target(%dma_start3A_56 : memref<128x32xf32, #tpu.memory_space<vmem_shared>>) target_semaphore(%run_scoped3A : memref<!tpu.dma_semaphore, #tpu.memory_space<semaphore_mem>>)
        %dma_wait3A = arith.constant 0 : i32
        %dma_wait3A_57 = tpu.memref_slice %arg13[%add3A_52, %dma_wait3A] : memref<50048x32xf32, #tpu.memory_space<vmem_shared>> -> memref<128x32xf32, #tpu.memory_space<vmem_shared>>
        %dma_wait3A_58 = arith.constant 0 : i32
        %dma_wait3A_59 = tpu.memref_slice %arg13[%add3A_52, %dma_wait3A_58] : memref<50048x32xf32, #tpu.memory_space<vmem_shared>> -> memref<128x32xf32, #tpu.memory_space<vmem_shared>>
        tpu.wait_dma2 semaphore(%run_scoped3A : memref<!tpu.dma_semaphore, #tpu.memory_space<semaphore_mem>>) src(%arg9 : memref<128x32xf32, #tpu.memory_space<vmem>>) dst(%dma_wait3A_59 : memref<128x32xf32, #tpu.memory_space<vmem_shared>>)
        tpu.yield
      }) : () -> ()
    }
    %scan3A_8 = arith.constant 24 : i32
    %mul3A = arith.constant 3128 : i32
    %mul3A_9 = arith.muli %arg1, %mul3A : i32
    %add3A = arith.constant 3072 : i32
    %add3A_10 = arith.addi %mul3A_9, %add3A : i32
    "tpu.region"() ({
      %run_scoped3A = tpu.sem_alloc : memref<!tpu.dma_semaphore, #tpu.memory_space<semaphore_mem>>
      %dma_start3A_43 = arith.constant 0 : i32
      %dma_start3A_44 = arith.constant 0 : i32
      %dma_start3A_45 = tpu.memref_slice %arg9[%dma_start3A_43, %dma_start3A_44] : memref<128x32xf32, #tpu.memory_space<vmem>> -> memref<56x32xf32, #tpu.memory_space<vmem>>
      %dma_start3A_46 = arith.constant 0 : i32
      %dma_start3A_47 = tpu.memref_slice %arg13[%add3A_10, %dma_start3A_46] : memref<50048x32xf32, #tpu.memory_space<vmem_shared>> -> memref<56x32xf32, #tpu.memory_space<vmem_shared>>
      %dma_start3A_48 = arith.constant 0 : i32
      %dma_start3A_49 = tpu.memref_slice %arg13[%add3A_10, %dma_start3A_48] : memref<50048x32xf32, #tpu.memory_space<vmem_shared>> -> memref<56x32xf32, #tpu.memory_space<vmem_shared>>
      %dma_start3A_50 = arith.constant 0 : i32
      %dma_start3A_51 = arith.constant 0 : i32
      %dma_start3A_52 = tpu.memref_slice %arg9[%dma_start3A_50, %dma_start3A_51] : memref<128x32xf32, #tpu.memory_space<vmem>> -> memref<56x32xf32, #tpu.memory_space<vmem>>
      tpu.enqueue_dma source(%dma_start3A_52 : memref<56x32xf32, #tpu.memory_space<vmem>>) target(%dma_start3A_49 : memref<56x32xf32, #tpu.memory_space<vmem_shared>>) target_semaphore(%run_scoped3A : memref<!tpu.dma_semaphore, #tpu.memory_space<semaphore_mem>>)
      %dma_wait3A = arith.constant 0 : i32
      %dma_wait3A_53 = arith.constant 0 : i32
      %dma_wait3A_54 = tpu.memref_slice %arg9[%dma_wait3A, %dma_wait3A_53] : memref<128x32xf32, #tpu.memory_space<vmem>> -> memref<56x32xf32, #tpu.memory_space<vmem>>
      %dma_wait3A_55 = arith.constant 0 : i32
      %dma_wait3A_56 = tpu.memref_slice %arg13[%add3A_10, %dma_wait3A_55] : memref<50048x32xf32, #tpu.memory_space<vmem_shared>> -> memref<56x32xf32, #tpu.memory_space<vmem_shared>>
      %dma_wait3A_57 = arith.constant 0 : i32
      %dma_wait3A_58 = tpu.memref_slice %arg13[%add3A_10, %dma_wait3A_57] : memref<50048x32xf32, #tpu.memory_space<vmem_shared>> -> memref<56x32xf32, #tpu.memory_space<vmem_shared>>
      %dma_wait3A_59 = arith.constant 0 : i32
      %dma_wait3A_60 = arith.constant 0 : i32
      %dma_wait3A_61 = tpu.memref_slice %arg9[%dma_wait3A_59, %dma_wait3A_60] : memref<128x32xf32, #tpu.memory_space<vmem>> -> memref<56x32xf32, #tpu.memory_space<vmem>>
      tpu.wait_dma2 semaphore(%run_scoped3A : memref<!tpu.dma_semaphore, #tpu.memory_space<semaphore_mem>>) src(%dma_wait3A_61 : memref<56x32xf32, #tpu.memory_space<vmem>>) dst(%dma_wait3A_58 : memref<56x32xf32, #tpu.memory_space<vmem_shared>>)
      tpu.yield
    }) : () -> ()
    %mul3A_11 = arith.constant 400 : i32
    %mul3A_12 = arith.muli %arg1, %mul3A_11 : i32
    %barrier3A = arith.constant 0 : index
    tpu.barrier barrier_id(%barrier3A)
    %add3A_13 = arith.constant 0 : i32
    %add3A_14 = arith.addi %mul3A_12, %add3A_13 : i32
    "tpu.region"() ({
      %run_scoped3A = tpu.sem_alloc : memref<!tpu.dma_semaphore, #tpu.memory_space<semaphore_mem>>
      %dma_start3A_43 = arith.constant 0 : i32
      %dma_start3A_44 = tpu.memref_slice %arg3[%arg0, %add3A_14, %dma_start3A_43] : memref<2x6400x128xi32, #tpu.memory_space<hbm>> -> memref<1x16x128xi32, #tpu.memory_space<hbm>>
      %dma_start3A_45 = tpu.memref_squeeze %dma_start3A_44 : memref<1x16x128xi32, #tpu.memory_space<hbm>> -> memref<16x128xi32, #tpu.memory_space<hbm>>
      %dma_start3A_46 = arith.constant 0 : i32
      %dma_start3A_47 = tpu.memref_slice %arg3[%arg0, %add3A_14, %dma_start3A_46] : memref<2x6400x128xi32, #tpu.memory_space<hbm>> -> memref<1x16x128xi32, #tpu.memory_space<hbm>>
      %dma_start3A_48 = tpu.memref_squeeze %dma_start3A_47 : memref<1x16x128xi32, #tpu.memory_space<hbm>> -> memref<16x128xi32, #tpu.memory_space<hbm>>
      tpu.enqueue_dma source(%dma_start3A_48 : memref<16x128xi32, #tpu.memory_space<hbm>>) target(%arg7 : memref<16x128xi32, #tpu.memory_space<vmem>>) target_semaphore(%run_scoped3A : memref<!tpu.dma_semaphore, #tpu.memory_space<semaphore_mem>>)
      %dma_wait3A = arith.constant 0 : i32
      %dma_wait3A_49 = tpu.memref_slice %arg3[%arg0, %add3A_14, %dma_wait3A] : memref<2x6400x128xi32, #tpu.memory_space<hbm>> -> memref<1x16x128xi32, #tpu.memory_space<hbm>>
      %dma_wait3A_50 = tpu.memref_squeeze %dma_wait3A_49 : memref<1x16x128xi32, #tpu.memory_space<hbm>> -> memref<16x128xi32, #tpu.memory_space<hbm>>
      %dma_wait3A_51 = arith.constant 0 : i32
      %dma_wait3A_52 = tpu.memref_slice %arg3[%arg0, %add3A_14, %dma_wait3A_51] : memref<2x6400x128xi32, #tpu.memory_space<hbm>> -> memref<1x16x128xi32, #tpu.memory_space<hbm>>
      %dma_wait3A_53 = tpu.memref_squeeze %dma_wait3A_52 : memref<1x16x128xi32, #tpu.memory_space<hbm>> -> memref<16x128xi32, #tpu.memory_space<hbm>>
      tpu.wait_dma2 semaphore(%run_scoped3A : memref<!tpu.dma_semaphore, #tpu.memory_space<semaphore_mem>>) src(%dma_wait3A_53 : memref<16x128xi32, #tpu.memory_space<hbm>>) dst(%arg7 : memref<16x128xi32, #tpu.memory_space<vmem>>)
      tpu.yield
    }) : () -> ()
    %add3A_15 = arith.constant 0 : i32
    %add3A_16 = arith.addi %mul3A_12, %add3A_15 : i32
    "tpu.region"() ({
      %run_scoped3A = tpu.sem_alloc : memref<!tpu.dma_semaphore, #tpu.memory_space<semaphore_mem>>
      %dma_start3A_43 = arith.constant 0 : i32
      %dma_start3A_44 = tpu.memref_slice %arg4[%add3A_16, %dma_start3A_43] : memref<6400x128xi32, #tpu.memory_space<hbm>> -> memref<16x128xi32, #tpu.memory_space<hbm>>
      %dma_start3A_45 = arith.constant 0 : i32
      %dma_start3A_46 = tpu.memref_slice %arg4[%add3A_16, %dma_start3A_45] : memref<6400x128xi32, #tpu.memory_space<hbm>> -> memref<16x128xi32, #tpu.memory_space<hbm>>
      tpu.enqueue_dma source(%dma_start3A_46 : memref<16x128xi32, #tpu.memory_space<hbm>>) target(%arg8 : memref<16x128xi32, #tpu.memory_space<vmem>>) target_semaphore(%run_scoped3A : memref<!tpu.dma_semaphore, #tpu.memory_space<semaphore_mem>>)
      %dma_wait3A = arith.constant 0 : i32
      %dma_wait3A_47 = tpu.memref_slice %arg4[%add3A_16, %dma_wait3A] : memref<6400x128xi32, #tpu.memory_space<hbm>> -> memref<16x128xi32, #tpu.memory_space<hbm>>
      %dma_wait3A_48 = arith.constant 0 : i32
      %dma_wait3A_49 = tpu.memref_slice %arg4[%add3A_16, %dma_wait3A_48] : memref<6400x128xi32, #tpu.memory_space<hbm>> -> memref<16x128xi32, #tpu.memory_space<hbm>>
      tpu.wait_dma2 semaphore(%run_scoped3A : memref<!tpu.dma_semaphore, #tpu.memory_space<semaphore_mem>>) src(%dma_wait3A_49 : memref<16x128xi32, #tpu.memory_space<hbm>>) dst(%arg8 : memref<16x128xi32, #tpu.memory_space<vmem>>)
      tpu.yield
    }) : () -> ()
    %dma_start3A = arith.constant 0 : i32
    %dma_start3A_17 = arith.constant 0 : i32
    %dma_start3A_18 = tpu.memref_slice %arg7[%dma_start3A, %dma_start3A_17] : memref<16x128xi32, #tpu.memory_space<vmem>> -> memref<1x128xi32, #tpu.memory_space<vmem>>
    %dma_start3A_19 = tpu.memref_squeeze %dma_start3A_18 : memref<1x128xi32, #tpu.memory_space<vmem>> -> memref<128xi32, #tpu.memory_space<vmem>>
    %dma_start3A_20 = arith.constant 0 : i32
    %dma_start3A_21 = arith.constant 0 : i32
    %dma_start3A_22 = tpu.memref_slice %arg2[%dma_start3A_20, %dma_start3A_21] : memref<100000x32xf32, #tpu.memory_space<hbm>> -> memref<100000x32xf32, #tpu.memory_space<hbm>>
    tpu.enqueue_indirect_dma source(%dma_start3A_22 : memref<100000x32xf32, #tpu.memory_space<hbm>>) target(%arg9 : memref<128x32xf32, #tpu.memory_space<vmem>>) offsets(%dma_start3A_19 : memref<128xi32, #tpu.memory_space<vmem>>) semaphore(%arg14 : memref<!tpu.dma_semaphore, #tpu.memory_space<semaphore_mem>>)
    %add3A_23 = arith.constant 0 : i32
    %add3A_24 = arith.addi %mul3A_12, %add3A_23 : i32
    %mul3A_25 = arith.constant 32 : i32
    %mul3A_26 = arith.muli %add3A_24, %mul3A_25 : i32
    %dma_start3A_27 = arith.constant 0 : i32
    %dma_start3A_28 = tpu.memref_slice %arg5[%arg0, %mul3A_26, %dma_start3A_27] : memref<2x204800x128xf32, #tpu.memory_space<hbm>> -> memref<1x32x128xf32, #tpu.memory_space<hbm>>
    %dma_start3A_29 = tpu.memref_squeeze %dma_start3A_28 : memref<1x32x128xf32, #tpu.memory_space<hbm>> -> memref<32x128xf32, #tpu.memory_space<hbm>>
    %dma_start3A_30 = arith.constant 0 : i32
    %dma_start3A_31 = tpu.memref_slice %arg5[%arg0, %mul3A_26, %dma_start3A_30] : memref<2x204800x128xf32, #tpu.memory_space<hbm>> -> memref<1x32x128xf32, #tpu.memory_space<hbm>>
    %dma_start3A_32 = tpu.memref_squeeze %dma_start3A_31 : memref<1x32x128xf32, #tpu.memory_space<hbm>> -> memref<32x128xf32, #tpu.memory_space<hbm>>
    tpu.enqueue_dma source(%dma_start3A_32 : memref<32x128xf32, #tpu.memory_space<hbm>>) target(%arg11 : memref<32x128xf32, #tpu.memory_space<vmem>>) target_semaphore(%arg16 : memref<!tpu.dma_semaphore, #tpu.memory_space<semaphore_mem>>)
    %scan3A_33 = arith.constant 0 : i32
    %scan3A_34 = arith.constant 200 : i32
    %scan3A_35 = arith.addi %scan3A_33, %scan3A_34 : i32
    %scan3A_36 = arith.constant 1 : i32
    scf.for %scan3A_43 = %scan3A_33 to %scan3A_35 step %scan3A_36  : i32 {
      %mul3A_44 = arith.constant 1 : i32
      %mul3A_45 = arith.muli %scan3A_43, %mul3A_44 : i32
      %add3A_46 = arith.constant 0 : i32
      %add3A_47 = arith.addi %add3A_46, %mul3A_45 : i32
      %mul3A_48 = arith.constant 2 : i32
      %mul3A_49 = arith.muli %mul3A_48, %add3A_47 : i32
      %add3A_50 = arith.constant 0 : i32
      %add3A_51 = arith.addi %mul3A_49, %add3A_50 : i32
      %jit3A = arith.constant 16 : i32
      %eq3A = arith.constant 0 : i32
      %eq3A_52 = arith.cmpi eq, %jit3A, %eq3A : i32
      %jit3A_53 = arith.constant 1 : i32
      %select_n3A = arith.select %eq3A_52, %jit3A_53, %jit3A : i32
      %rem3A = arith.remsi %add3A_51, %select_n3A : i32
      %ne3A = arith.constant 0 : i32
      %ne3A_54 = arith.cmpi ne, %rem3A, %ne3A : i32
      %lt3A = arith.constant 0 : i32
      %lt3A_55 = arith.cmpi slt, %rem3A, %lt3A : i32
      %lt3A_56 = arith.constant 0 : i32
      %lt3A_57 = arith.cmpi slt, %select_n3A, %lt3A_56 : i32
      %ne3A_58 = arith.xori %lt3A_55, %lt3A_57 : i1
      %and3A = arith.andi %ne3A_58, %ne3A_54 : i1
      %add3A_59 = arith.addi %rem3A, %select_n3A : i32
      %select_n3A_60 = arith.select %and3A, %add3A_59, %rem3A : i32
      %dma_wait3A = arith.constant 0 : i32
      %dma_wait3A_61 = tpu.memref_slice %arg7[%select_n3A_60, %dma_wait3A] : memref<16x128xi32, #tpu.memory_space<vmem>> -> memref<1x128xi32, #tpu.memory_space<vmem>>
      %dma_wait3A_62 = tpu.memref_squeeze %dma_wait3A_61 : memref<1x128xi32, #tpu.memory_space<vmem>> -> memref<128xi32, #tpu.memory_space<vmem>>
      %dma_wait3A_63 = arith.constant 0 : i32
      %dma_wait3A_64 = arith.constant 0 : i32
      %dma_wait3A_65 = tpu.memref_slice %arg2[%dma_wait3A_63, %dma_wait3A_64] : memref<100000x32xf32, #tpu.memory_space<hbm>> -> memref<100000x32xf32, #tpu.memory_space<hbm>>
      tpu.wait_indirect_dma semaphore(%arg14 : memref<!tpu.dma_semaphore, #tpu.memory_space<semaphore_mem>>) src(%dma_wait3A_65 : memref<100000x32xf32, #tpu.memory_space<hbm>>) dst(%arg9 : memref<128x32xf32, #tpu.memory_space<vmem>>)
      %add3A_66 = arith.addi %mul3A_12, %add3A_51 : i32
      %mul3A_67 = arith.constant 32 : i32
      %mul3A_68 = arith.muli %add3A_66, %mul3A_67 : i32
      %dma_wait3A_69 = arith.constant 0 : i32
      %dma_wait3A_70 = tpu.memref_slice %arg5[%arg0, %mul3A_68, %dma_wait3A_69] : memref<2x204800x128xf32, #tpu.memory_space<hbm>> -> memref<1x32x128xf32, #tpu.memory_space<hbm>>
      %dma_wait3A_71 = tpu.memref_squeeze %dma_wait3A_70 : memref<1x32x128xf32, #tpu.memory_space<hbm>> -> memref<32x128xf32, #tpu.memory_space<hbm>>
      %dma_wait3A_72 = arith.constant 0 : i32
      %dma_wait3A_73 = tpu.memref_slice %arg5[%arg0, %mul3A_68, %dma_wait3A_72] : memref<2x204800x128xf32, #tpu.memory_space<hbm>> -> memref<1x32x128xf32, #tpu.memory_space<hbm>>
      %dma_wait3A_74 = tpu.memref_squeeze %dma_wait3A_73 : memref<1x32x128xf32, #tpu.memory_space<hbm>> -> memref<32x128xf32, #tpu.memory_space<hbm>>
      tpu.wait_dma2 semaphore(%arg16 : memref<!tpu.dma_semaphore, #tpu.memory_space<semaphore_mem>>) src(%dma_wait3A_74 : memref<32x128xf32, #tpu.memory_space<hbm>>) dst(%arg11 : memref<32x128xf32, #tpu.memory_space<vmem>>)
      %jit3A_75 = arith.constant 16 : i32
      %eq3A_76 = arith.constant 0 : i32
      %eq3A_77 = arith.cmpi eq, %jit3A_75, %eq3A_76 : i32
      %jit3A_78 = arith.constant 1 : i32
      %select_n3A_79 = arith.select %eq3A_77, %jit3A_78, %jit3A_75 : i32
      %rem3A_80 = arith.remsi %add3A_51, %select_n3A_79 : i32
      %ne3A_81 = arith.constant 0 : i32
      %ne3A_82 = arith.cmpi ne, %rem3A_80, %ne3A_81 : i32
      %lt3A_83 = arith.constant 0 : i32
      %lt3A_84 = arith.cmpi slt, %rem3A_80, %lt3A_83 : i32
      %lt3A_85 = arith.constant 0 : i32
      %lt3A_86 = arith.cmpi slt, %select_n3A_79, %lt3A_85 : i32
      %ne3A_87 = arith.xori %lt3A_84, %lt3A_86 : i1
      %and3A_88 = arith.andi %ne3A_87, %ne3A_82 : i1
      %add3A_89 = arith.addi %rem3A_80, %select_n3A_79 : i32
      %select_n3A_90 = arith.select %and3A_88, %add3A_89, %rem3A_80 : i32
      %ne3A_91 = arith.constant 15 : i32
      %ne3A_92 = arith.cmpi ne, %select_n3A_90, %ne3A_91 : i32
      %lt3A_93 = arith.constant 399 : i32
      %lt3A_94 = arith.cmpi slt, %add3A_51, %lt3A_93 : i32
      %and3A_95 = arith.andi %ne3A_92, %lt3A_94 : i1
      %convert_element_type3A = arith.extui %and3A_95 : i1 to i32
      %cond3A = arith.constant 0 : i32
      %cond3A_96 = arith.cmpi ne, %convert_element_type3A, %cond3A : i32
      scf.if %cond3A_96 {
        %add3A_246 = arith.constant 1 : i32
        %add3A_247 = arith.addi %add3A_51, %add3A_246 : i32
        %jit3A_248 = arith.constant 16 : i32
        %eq3A_249 = arith.constant 0 : i32
        %eq3A_250 = arith.cmpi eq, %jit3A_248, %eq3A_249 : i32
        %jit3A_251 = arith.constant 1 : i32
        %select_n3A_252 = arith.select %eq3A_250, %jit3A_251, %jit3A_248 : i32
        %rem3A_253 = arith.remsi %add3A_247, %select_n3A_252 : i32
        %ne3A_254 = arith.constant 0 : i32
        %ne3A_255 = arith.cmpi ne, %rem3A_253, %ne3A_254 : i32
        %lt3A_256 = arith.constant 0 : i32
        %lt3A_257 = arith.cmpi slt, %rem3A_253, %lt3A_256 : i32
        %lt3A_258 = arith.constant 0 : i32
        %lt3A_259 = arith.cmpi slt, %select_n3A_252, %lt3A_258 : i32
        %ne3A_260 = arith.xori %lt3A_257, %lt3A_259 : i1
        %and3A_261 = arith.andi %ne3A_260, %ne3A_255 : i1
        %add3A_262 = arith.addi %rem3A_253, %select_n3A_252 : i32
        %select_n3A_263 = arith.select %and3A_261, %add3A_262, %rem3A_253 : i32
        %dma_start3A_264 = arith.constant 0 : i32
        %dma_start3A_265 = tpu.memref_slice %arg7[%select_n3A_263, %dma_start3A_264] : memref<16x128xi32, #tpu.memory_space<vmem>> -> memref<1x128xi32, #tpu.memory_space<vmem>>
        %dma_start3A_266 = tpu.memref_squeeze %dma_start3A_265 : memref<1x128xi32, #tpu.memory_space<vmem>> -> memref<128xi32, #tpu.memory_space<vmem>>
        %dma_start3A_267 = arith.constant 0 : i32
        %dma_start3A_268 = arith.constant 0 : i32
        %dma_start3A_269 = tpu.memref_slice %arg2[%dma_start3A_267, %dma_start3A_268] : memref<100000x32xf32, #tpu.memory_space<hbm>> -> memref<100000x32xf32, #tpu.memory_space<hbm>>
        tpu.enqueue_indirect_dma source(%dma_start3A_269 : memref<100000x32xf32, #tpu.memory_space<hbm>>) target(%arg10 : memref<128x32xf32, #tpu.memory_space<vmem>>) offsets(%dma_start3A_266 : memref<128xi32, #tpu.memory_space<vmem>>) semaphore(%arg15 : memref<!tpu.dma_semaphore, #tpu.memory_space<semaphore_mem>>)
        %add3A_270 = arith.addi %mul3A_12, %add3A_247 : i32
        %mul3A_271 = arith.constant 32 : i32
        %mul3A_272 = arith.muli %add3A_270, %mul3A_271 : i32
        %dma_start3A_273 = arith.constant 0 : i32
        %dma_start3A_274 = tpu.memref_slice %arg5[%arg0, %mul3A_272, %dma_start3A_273] : memref<2x204800x128xf32, #tpu.memory_space<hbm>> -> memref<1x32x128xf32, #tpu.memory_space<hbm>>
        %dma_start3A_275 = tpu.memref_squeeze %dma_start3A_274 : memref<1x32x128xf32, #tpu.memory_space<hbm>> -> memref<32x128xf32, #tpu.memory_space<hbm>>
        %dma_start3A_276 = arith.constant 0 : i32
        %dma_start3A_277 = tpu.memref_slice %arg5[%arg0, %mul3A_272, %dma_start3A_276] : memref<2x204800x128xf32, #tpu.memory_space<hbm>> -> memref<1x32x128xf32, #tpu.memory_space<hbm>>
        %dma_start3A_278 = tpu.memref_squeeze %dma_start3A_277 : memref<1x32x128xf32, #tpu.memory_space<hbm>> -> memref<32x128xf32, #tpu.memory_space<hbm>>
        tpu.enqueue_dma source(%dma_start3A_278 : memref<32x128xf32, #tpu.memory_space<hbm>>) target(%arg12 : memref<32x128xf32, #tpu.memory_space<vmem>>) target_semaphore(%arg17 : memref<!tpu.dma_semaphore, #tpu.memory_space<semaphore_mem>>)
      } else {
      }
      %scan3A_97 = arith.constant 0 : i32
      %scan3A_98 = arith.constant 32 : i32
      %scan3A_99 = arith.addi %scan3A_97, %scan3A_98 : i32
      %scan3A_100 = arith.constant 1 : i32
      scf.for %scan3A_246 = %scan3A_97 to %scan3A_99 step %scan3A_100  : i32 {
        %mul3A_247 = arith.constant 1 : i32
        %mul3A_248 = arith.muli %scan3A_246, %mul3A_247 : i32
        %add3A_249 = arith.constant 0 : i32
        %add3A_250 = arith.addi %add3A_249, %mul3A_248 : i32
        %mul3A_251 = arith.constant 4 : i32
        %mul3A_252 = arith.muli %add3A_250, %mul3A_251 : i32
        %add3A_253 = arith.constant 0 : i32
        %add3A_254 = arith.addi %mul3A_252, %add3A_253 : i32
        %get3A = arith.index_cast %add3A_254 : i32 to index
        %get3A_255 = arith.constant 0 : index
        %get3A_256 = tpu.vector_load %arg9[%get3A, %get3A_255] {strides = array<i32>} : memref<128x32xf32, #tpu.memory_space<vmem>>, vector<1x16xf32>,
        %get3A_257 = vector.shape_cast %get3A_256 : vector<1x16xf32> to vector<16xf32>
        %get3A_258 = arith.index_cast %add3A_250 : i32 to index
        %get3A_259 = arith.constant 0 : index
        %get3A_260 = tpu.vector_load %arg11[%get3A_258, %get3A_259] {strides = array<i32>} : memref<32x128xf32, #tpu.memory_space<vmem>>, vector<1x16xf32>,
        %get3A_261 = vector.shape_cast %get3A_260 : vector<1x16xf32> to vector<16xf32>
        %add3A_262 = arith.addf %get3A_257, %get3A_261 : vector<16xf32>
        %max3A = arith.constant 0.000000e+00 : f32
        %max3A_263 = vector.broadcast %max3A : f32 to vector<16xf32>
        %max3A_264 = arith.maximumf %add3A_262, %max3A_263 : vector<16xf32>
        %mul3A_265 = arith.constant 4 : i32
        %mul3A_266 = arith.muli %add3A_250, %mul3A_265 : i32
        %add3A_267 = arith.constant 0 : i32
        %add3A_268 = arith.addi %mul3A_266, %add3A_267 : i32
        %swap3A = arith.index_cast %add3A_268 : i32 to index
        %swap3A_269 = arith.constant 0 : index
        %swap3A_270 = tpu.vector_load %arg9[%swap3A, %swap3A_269] {strides = array<i32>} : memref<128x32xf32, #tpu.memory_space<vmem>>, vector<1x16xf32>,
        %swap3A_271 = vector.shape_cast %swap3A_270 : vector<1x16xf32> to vector<16xf32>
        %swap3A_272 = vector.shape_cast %max3A_264 : vector<16xf32> to vector<1x16xf32>
        tpu.vector_store %arg9[%swap3A, %swap3A_269], %swap3A_272 {strides = array<i32>} : memref<128x32xf32, #tpu.memory_space<vmem>>, vector<1x16xf32>,
        %mul3A_273 = arith.constant 4 : i32
        %mul3A_274 = arith.muli %add3A_250, %mul3A_273 : i32
        %add3A_275 = arith.constant 0 : i32
        %add3A_276 = arith.addi %mul3A_274, %add3A_275 : i32
        %get3A_277 = arith.index_cast %add3A_276 : i32 to index
        %get3A_278 = arith.constant 16 : index
        %get3A_279 = tpu.vector_load %arg9[%get3A_277, %get3A_278] {strides = array<i32>} : memref<128x32xf32, #tpu.memory_space<vmem>>, vector<1x16xf32>,
        %get3A_280 = vector.shape_cast %get3A_279 : vector<1x16xf32> to vector<16xf32>
        %get3A_281 = arith.index_cast %add3A_250 : i32 to index
        %get3A_282 = arith.constant 16 : index
        %get3A_283 = tpu.vector_load %arg11[%get3A_281, %get3A_282] {strides = array<i32>} : memref<32x128xf32, #tpu.memory_space<vmem>>, vector<1x16xf32>,
        %get3A_284 = vector.shape_cast %get3A_283 : vector<1x16xf32> to vector<16xf32>
        %add3A_285 = arith.addf %get3A_280, %get3A_284 : vector<16xf32>
        %max3A_286 = arith.constant 0.000000e+00 : f32
        %max3A_287 = vector.broadcast %max3A_286 : f32 to vector<16xf32>
        %max3A_288 = arith.maximumf %add3A_285, %max3A_287 : vector<16xf32>
        %mul3A_289 = arith.constant 4 : i32
        %mul3A_290 = arith.muli %add3A_250, %mul3A_289 : i32
        %add3A_291 = arith.constant 0 : i32
        %add3A_292 = arith.addi %mul3A_290, %add3A_291 : i32
        %swap3A_293 = arith.index_cast %add3A_292 : i32 to index
        %swap3A_294 = arith.constant 16 : index
        %swap3A_295 = tpu.vector_load %arg9[%swap3A_293, %swap3A_294] {strides = array<i32>} : memref<128x32xf32, #tpu.memory_space<vmem>>, vector<1x16xf32>,
        %swap3A_296 = vector.shape_cast %swap3A_295 : vector<1x16xf32> to vector<16xf32>
        %swap3A_297 = vector.shape_cast %max3A_288 : vector<16xf32> to vector<1x16xf32>
        tpu.vector_store %arg9[%swap3A_293, %swap3A_294], %swap3A_297 {strides = array<i32>} : memref<128x32xf32, #tpu.memory_space<vmem>>, vector<1x16xf32>,
        %mul3A_298 = arith.constant 4 : i32
        %mul3A_299 = arith.muli %add3A_250, %mul3A_298 : i32
        %add3A_300 = arith.constant 1 : i32
        %add3A_301 = arith.addi %mul3A_299, %add3A_300 : i32
        %get3A_302 = arith.index_cast %add3A_301 : i32 to index
        %get3A_303 = arith.constant 0 : index
        %get3A_304 = tpu.vector_load %arg9[%get3A_302, %get3A_303] {strides = array<i32>} : memref<128x32xf32, #tpu.memory_space<vmem>>, vector<1x16xf32>,
        %get3A_305 = vector.shape_cast %get3A_304 : vector<1x16xf32> to vector<16xf32>
        %get3A_306 = arith.index_cast %add3A_250 : i32 to index
        %get3A_307 = arith.constant 32 : index
        %get3A_308 = tpu.vector_load %arg11[%get3A_306, %get3A_307] {strides = array<i32>} : memref<32x128xf32, #tpu.memory_space<vmem>>, vector<1x16xf32>,
        %get3A_309 = vector.shape_cast %get3A_308 : vector<1x16xf32> to vector<16xf32>
        %add3A_310 = arith.addf %get3A_305, %get3A_309 : vector<16xf32>
        %max3A_311 = arith.constant 0.000000e+00 : f32
        %max3A_312 = vector.broadcast %max3A_311 : f32 to vector<16xf32>
        %max3A_313 = arith.maximumf %add3A_310, %max3A_312 : vector<16xf32>
        %mul3A_314 = arith.constant 4 : i32
        %mul3A_315 = arith.muli %add3A_250, %mul3A_314 : i32
        %add3A_316 = arith.constant 1 : i32
        %add3A_317 = arith.addi %mul3A_315, %add3A_316 : i32
        %swap3A_318 = arith.index_cast %add3A_317 : i32 to index
        %swap3A_319 = arith.constant 0 : index
        %swap3A_320 = tpu.vector_load %arg9[%swap3A_318, %swap3A_319] {strides = array<i32>} : memref<128x32xf32, #tpu.memory_space<vmem>>, vector<1x16xf32>,
        %swap3A_321 = vector.shape_cast %swap3A_320 : vector<1x16xf32> to vector<16xf32>
        %swap3A_322 = vector.shape_cast %max3A_313 : vector<16xf32> to vector<1x16xf32>
        tpu.vector_store %arg9[%swap3A_318, %swap3A_319], %swap3A_322 {strides = array<i32>} : memref<128x32xf32, #tpu.memory_space<vmem>>, vector<1x16xf32>,
        %mul3A_323 = arith.constant 4 : i32
        %mul3A_324 = arith.muli %add3A_250, %mul3A_323 : i32
        %add3A_325 = arith.constant 1 : i32
        %add3A_326 = arith.addi %mul3A_324, %add3A_325 : i32
        %get3A_327 = arith.index_cast %add3A_326 : i32 to index
        %get3A_328 = arith.constant 16 : index
        %get3A_329 = tpu.vector_load %arg9[%get3A_327, %get3A_328] {strides = array<i32>} : memref<128x32xf32, #tpu.memory_space<vmem>>, vector<1x16xf32>,
        %get3A_330 = vector.shape_cast %get3A_329 : vector<1x16xf32> to vector<16xf32>
        %get3A_331 = arith.index_cast %add3A_250 : i32 to index
        %get3A_332 = arith.constant 48 : index
        %get3A_333 = tpu.vector_load %arg11[%get3A_331, %get3A_332] {strides = array<i32>} : memref<32x128xf32, #tpu.memory_space<vmem>>, vector<1x16xf32>,
        %get3A_334 = vector.shape_cast %get3A_333 : vector<1x16xf32> to vector<16xf32>
        %add3A_335 = arith.addf %get3A_330, %get3A_334 : vector<16xf32>
        %max3A_336 = arith.constant 0.000000e+00 : f32
        %max3A_337 = vector.broadcast %max3A_336 : f32 to vector<16xf32>
        %max3A_338 = arith.maximumf %add3A_335, %max3A_337 : vector<16xf32>
        %mul3A_339 = arith.constant 4 : i32
        %mul3A_340 = arith.muli %add3A_250, %mul3A_339 : i32
        %add3A_341 = arith.constant 1 : i32
        %add3A_342 = arith.addi %mul3A_340, %add3A_341 : i32
        %swap3A_343 = arith.index_cast %add3A_342 : i32 to index
        %swap3A_344 = arith.constant 16 : index
        %swap3A_345 = tpu.vector_load %arg9[%swap3A_343, %swap3A_344] {strides = array<i32>} : memref<128x32xf32, #tpu.memory_space<vmem>>, vector<1x16xf32>,
        %swap3A_346 = vector.shape_cast %swap3A_345 : vector<1x16xf32> to vector<16xf32>
        %swap3A_347 = vector.shape_cast %max3A_338 : vector<16xf32> to vector<1x16xf32>
        tpu.vector_store %arg9[%swap3A_343, %swap3A_344], %swap3A_347 {strides = array<i32>} : memref<128x32xf32, #tpu.memory_space<vmem>>, vector<1x16xf32>,
        %mul3A_348 = arith.constant 4 : i32
        %mul3A_349 = arith.muli %add3A_250, %mul3A_348 : i32
        %add3A_350 = arith.constant 2 : i32
        %add3A_351 = arith.addi %mul3A_349, %add3A_350 : i32
        %get3A_352 = arith.index_cast %add3A_351 : i32 to index
        %get3A_353 = arith.constant 0 : index
        %get3A_354 = tpu.vector_load %arg9[%get3A_352, %get3A_353] {strides = array<i32>} : memref<128x32xf32, #tpu.memory_space<vmem>>, vector<1x16xf32>,
        %get3A_355 = vector.shape_cast %get3A_354 : vector<1x16xf32> to vector<16xf32>
        %get3A_356 = arith.index_cast %add3A_250 : i32 to index
        %get3A_357 = arith.constant 64 : index
        %get3A_358 = tpu.vector_load %arg11[%get3A_356, %get3A_357] {strides = array<i32>} : memref<32x128xf32, #tpu.memory_space<vmem>>, vector<1x16xf32>,
        %get3A_359 = vector.shape_cast %get3A_358 : vector<1x16xf32> to vector<16xf32>
        %add3A_360 = arith.addf %get3A_355, %get3A_359 : vector<16xf32>
        %max3A_361 = arith.constant 0.000000e+00 : f32
        %max3A_362 = vector.broadcast %max3A_361 : f32 to vector<16xf32>
        %max3A_363 = arith.maximumf %add3A_360, %max3A_362 : vector<16xf32>
        %mul3A_364 = arith.constant 4 : i32
        %mul3A_365 = arith.muli %add3A_250, %mul3A_364 : i32
        %add3A_366 = arith.constant 2 : i32
        %add3A_367 = arith.addi %mul3A_365, %add3A_366 : i32
        %swap3A_368 = arith.index_cast %add3A_367 : i32 to index
        %swap3A_369 = arith.constant 0 : index
        %swap3A_370 = tpu.vector_load %arg9[%swap3A_368, %swap3A_369] {strides = array<i32>} : memref<128x32xf32, #tpu.memory_space<vmem>>, vector<1x16xf32>,
        %swap3A_371 = vector.shape_cast %swap3A_370 : vector<1x16xf32> to vector<16xf32>
        %swap3A_372 = vector.shape_cast %max3A_363 : vector<16xf32> to vector<1x16xf32>
        tpu.vector_store %arg9[%swap3A_368, %swap3A_369], %swap3A_372 {strides = array<i32>} : memref<128x32xf32, #tpu.memory_space<vmem>>, vector<1x16xf32>,
        %mul3A_373 = arith.constant 4 : i32
        %mul3A_374 = arith.muli %add3A_250, %mul3A_373 : i32
        %add3A_375 = arith.constant 2 : i32
        %add3A_376 = arith.addi %mul3A_374, %add3A_375 : i32
        %get3A_377 = arith.index_cast %add3A_376 : i32 to index
        %get3A_378 = arith.constant 16 : index
        %get3A_379 = tpu.vector_load %arg9[%get3A_377, %get3A_378] {strides = array<i32>} : memref<128x32xf32, #tpu.memory_space<vmem>>, vector<1x16xf32>,
        %get3A_380 = vector.shape_cast %get3A_379 : vector<1x16xf32> to vector<16xf32>
        %get3A_381 = arith.index_cast %add3A_250 : i32 to index
        %get3A_382 = arith.constant 80 : index
        %get3A_383 = tpu.vector_load %arg11[%get3A_381, %get3A_382] {strides = array<i32>} : memref<32x128xf32, #tpu.memory_space<vmem>>, vector<1x16xf32>,
        %get3A_384 = vector.shape_cast %get3A_383 : vector<1x16xf32> to vector<16xf32>
        %add3A_385 = arith.addf %get3A_380, %get3A_384 : vector<16xf32>
        %max3A_386 = arith.constant 0.000000e+00 : f32
        %max3A_387 = vector.broadcast %max3A_386 : f32 to vector<16xf32>
        %max3A_388 = arith.maximumf %add3A_385, %max3A_387 : vector<16xf32>
        %mul3A_389 = arith.constant 4 : i32
        %mul3A_390 = arith.muli %add3A_250, %mul3A_389 : i32
        %add3A_391 = arith.constant 2 : i32
        %add3A_392 = arith.addi %mul3A_390, %add3A_391 : i32
        %swap3A_393 = arith.index_cast %add3A_392 : i32 to index
        %swap3A_394 = arith.constant 16 : index
        %swap3A_395 = tpu.vector_load %arg9[%swap3A_393, %swap3A_394] {strides = array<i32>} : memref<128x32xf32, #tpu.memory_space<vmem>>, vector<1x16xf32>,
        %swap3A_396 = vector.shape_cast %swap3A_395 : vector<1x16xf32> to vector<16xf32>
        %swap3A_397 = vector.shape_cast %max3A_388 : vector<16xf32> to vector<1x16xf32>
        tpu.vector_store %arg9[%swap3A_393, %swap3A_394], %swap3A_397 {strides = array<i32>} : memref<128x32xf32, #tpu.memory_space<vmem>>, vector<1x16xf32>,
        %mul3A_398 = arith.constant 4 : i32
        %mul3A_399 = arith.muli %add3A_250, %mul3A_398 : i32
        %add3A_400 = arith.constant 3 : i32
        %add3A_401 = arith.addi %mul3A_399, %add3A_400 : i32
        %get3A_402 = arith.index_cast %add3A_401 : i32 to index
        %get3A_403 = arith.constant 0 : index
        %get3A_404 = tpu.vector_load %arg9[%get3A_402, %get3A_403] {strides = array<i32>} : memref<128x32xf32, #tpu.memory_space<vmem>>, vector<1x16xf32>,
        %get3A_405 = vector.shape_cast %get3A_404 : vector<1x16xf32> to vector<16xf32>
        %get3A_406 = arith.index_cast %add3A_250 : i32 to index
        %get3A_407 = arith.constant 96 : index
        %get3A_408 = tpu.vector_load %arg11[%get3A_406, %get3A_407] {strides = array<i32>} : memref<32x128xf32, #tpu.memory_space<vmem>>, vector<1x16xf32>,
        %get3A_409 = vector.shape_cast %get3A_408 : vector<1x16xf32> to vector<16xf32>
        %add3A_410 = arith.addf %get3A_405, %get3A_409 : vector<16xf32>
        %max3A_411 = arith.constant 0.000000e+00 : f32
        %max3A_412 = vector.broadcast %max3A_411 : f32 to vector<16xf32>
        %max3A_413 = arith.maximumf %add3A_410, %max3A_412 : vector<16xf32>
        %mul3A_414 = arith.constant 4 : i32
        %mul3A_415 = arith.muli %add3A_250, %mul3A_414 : i32
        %add3A_416 = arith.constant 3 : i32
        %add3A_417 = arith.addi %mul3A_415, %add3A_416 : i32
        %swap3A_418 = arith.index_cast %add3A_417 : i32 to index
        %swap3A_419 = arith.constant 0 : index
        %swap3A_420 = tpu.vector_load %arg9[%swap3A_418, %swap3A_419] {strides = array<i32>} : memref<128x32xf32, #tpu.memory_space<vmem>>, vector<1x16xf32>,
        %swap3A_421 = vector.shape_cast %swap3A_420 : vector<1x16xf32> to vector<16xf32>
        %swap3A_422 = vector.shape_cast %max3A_413 : vector<16xf32> to vector<1x16xf32>
        tpu.vector_store %arg9[%swap3A_418, %swap3A_419], %swap3A_422 {strides = array<i32>} : memref<128x32xf32, #tpu.memory_space<vmem>>, vector<1x16xf32>,
        %mul3A_423 = arith.constant 4 : i32
        %mul3A_424 = arith.muli %add3A_250, %mul3A_423 : i32
        %add3A_425 = arith.constant 3 : i32
        %add3A_426 = arith.addi %mul3A_424, %add3A_425 : i32
        %get3A_427 = arith.index_cast %add3A_426 : i32 to index
        %get3A_428 = arith.constant 16 : index
        %get3A_429 = tpu.vector_load %arg9[%get3A_427, %get3A_428] {strides = array<i32>} : memref<128x32xf32, #tpu.memory_space<vmem>>, vector<1x16xf32>,
        %get3A_430 = vector.shape_cast %get3A_429 : vector<1x16xf32> to vector<16xf32>
        %get3A_431 = arith.index_cast %add3A_250 : i32 to index
        %get3A_432 = arith.constant 112 : index
        %get3A_433 = tpu.vector_load %arg11[%get3A_431, %get3A_432] {strides = array<i32>} : memref<32x128xf32, #tpu.memory_space<vmem>>, vector<1x16xf32>,
        %get3A_434 = vector.shape_cast %get3A_433 : vector<1x16xf32> to vector<16xf32>
        %add3A_435 = arith.addf %get3A_430, %get3A_434 : vector<16xf32>
        %max3A_436 = arith.constant 0.000000e+00 : f32
        %max3A_437 = vector.broadcast %max3A_436 : f32 to vector<16xf32>
        %max3A_438 = arith.maximumf %add3A_435, %max3A_437 : vector<16xf32>
        %mul3A_439 = arith.constant 4 : i32
        %mul3A_440 = arith.muli %add3A_250, %mul3A_439 : i32
        %add3A_441 = arith.constant 3 : i32
        %add3A_442 = arith.addi %mul3A_440, %add3A_441 : i32
        %swap3A_443 = arith.index_cast %add3A_442 : i32 to index
        %swap3A_444 = arith.constant 16 : index
        %swap3A_445 = tpu.vector_load %arg9[%swap3A_443, %swap3A_444] {strides = array<i32>} : memref<128x32xf32, #tpu.memory_space<vmem>>, vector<1x16xf32>,
        %swap3A_446 = vector.shape_cast %swap3A_445 : vector<1x16xf32> to vector<16xf32>
        %swap3A_447 = vector.shape_cast %max3A_438 : vector<16xf32> to vector<1x16xf32>
        tpu.vector_store %arg9[%swap3A_443, %swap3A_444], %swap3A_447 {strides = array<i32>} : memref<128x32xf32, #tpu.memory_space<vmem>>, vector<1x16xf32>,
      }
      %scan3A_101 = arith.constant 32 : i32
      %jit3A_102 = arith.constant 16 : i32
      %eq3A_103 = arith.constant 0 : i32
      %eq3A_104 = arith.cmpi eq, %jit3A_102, %eq3A_103 : i32
      %jit3A_105 = arith.constant 1 : i32
      %select_n3A_106 = arith.select %eq3A_104, %jit3A_105, %jit3A_102 : i32
      %rem3A_107 = arith.remsi %add3A_51, %select_n3A_106 : i32
      %ne3A_108 = arith.constant 0 : i32
      %ne3A_109 = arith.cmpi ne, %rem3A_107, %ne3A_108 : i32
      %lt3A_110 = arith.constant 0 : i32
      %lt3A_111 = arith.cmpi slt, %rem3A_107, %lt3A_110 : i32
      %lt3A_112 = arith.constant 0 : i32
      %lt3A_113 = arith.cmpi slt, %select_n3A_106, %lt3A_112 : i32
      %ne3A_114 = arith.xori %lt3A_111, %lt3A_113 : i1
      %and3A_115 = arith.andi %ne3A_114, %ne3A_109 : i1
      %add3A_116 = arith.addi %rem3A_107, %select_n3A_106 : i32
      %select_n3A_117 = arith.select %and3A_115, %add3A_116, %rem3A_107 : i32
      "tpu.region"() ({
        %run_scoped3A = tpu.sem_alloc : memref<!tpu.dma_semaphore, #tpu.memory_space<semaphore_mem>>
        %dma_start3A_246 = arith.constant 0 : i32
        %dma_start3A_247 = tpu.memref_slice %arg8[%select_n3A_117, %dma_start3A_246] : memref<16x128xi32, #tpu.memory_space<vmem>> -> memref<1x128xi32, #tpu.memory_space<vmem>>
        %dma_start3A_248 = tpu.memref_squeeze %dma_start3A_247 : memref<1x128xi32, #tpu.memory_space<vmem>> -> memref<128xi32, #tpu.memory_space<vmem>>
        %dma_start3A_249 = arith.constant 0 : i32
        %dma_start3A_250 = arith.constant 0 : i32
        %dma_start3A_251 = tpu.memref_slice %arg13[%dma_start3A_249, %dma_start3A_250] : memref<50048x32xf32, #tpu.memory_space<vmem_shared>> -> memref<50048x32xf32, #tpu.memory_space<vmem_shared>>
        tpu.enqueue_indirect_dma source(%arg9 : memref<128x32xf32, #tpu.memory_space<vmem>>) target(%dma_start3A_251 : memref<50048x32xf32, #tpu.memory_space<vmem_shared>>) offsets(%dma_start3A_248 : memref<128xi32, #tpu.memory_space<vmem>>) semaphore(%run_scoped3A : memref<!tpu.dma_semaphore, #tpu.memory_space<semaphore_mem>>) {add = true}
        %dma_wait3A_252 = arith.constant 0 : i32
        %dma_wait3A_253 = tpu.memref_slice %arg8[%select_n3A_117, %dma_wait3A_252] : memref<16x128xi32, #tpu.memory_space<vmem>> -> memref<1x128xi32, #tpu.memory_space<vmem>>
        %dma_wait3A_254 = tpu.memref_squeeze %dma_wait3A_253 : memref<1x128xi32, #tpu.memory_space<vmem>> -> memref<128xi32, #tpu.memory_space<vmem>>
        %dma_wait3A_255 = arith.constant 0 : i32
        %dma_wait3A_256 = arith.constant 0 : i32
        %dma_wait3A_257 = tpu.memref_slice %arg13[%dma_wait3A_255, %dma_wait3A_256] : memref<50048x32xf32, #tpu.memory_space<vmem_shared>> -> memref<50048x32xf32, #tpu.memory_space<vmem_shared>>
        tpu.wait_indirect_dma semaphore(%run_scoped3A : memref<!tpu.dma_semaphore, #tpu.memory_space<semaphore_mem>>) src(%arg9 : memref<128x32xf32, #tpu.memory_space<vmem>>) dst(%dma_wait3A_257 : memref<50048x32xf32, #tpu.memory_space<vmem_shared>>)
        tpu.yield
      }) : () -> ()
      %jit3A_118 = arith.constant 16 : i32
      %eq3A_119 = arith.constant 0 : i32
      %eq3A_120 = arith.cmpi eq, %jit3A_118, %eq3A_119 : i32
      %jit3A_121 = arith.constant 1 : i32
      %select_n3A_122 = arith.select %eq3A_120, %jit3A_121, %jit3A_118 : i32
      %rem3A_123 = arith.remsi %add3A_51, %select_n3A_122 : i32
      %ne3A_124 = arith.constant 0 : i32
      %ne3A_125 = arith.cmpi ne, %rem3A_123, %ne3A_124 : i32
      %lt3A_126 = arith.constant 0 : i32
      %lt3A_127 = arith.cmpi slt, %rem3A_123, %lt3A_126 : i32
      %lt3A_128 = arith.constant 0 : i32
      %lt3A_129 = arith.cmpi slt, %select_n3A_122, %lt3A_128 : i32
      %ne3A_130 = arith.xori %lt3A_127, %lt3A_129 : i1
      %and3A_131 = arith.andi %ne3A_130, %ne3A_125 : i1
      %add3A_132 = arith.addi %rem3A_123, %select_n3A_122 : i32
      %select_n3A_133 = arith.select %and3A_131, %add3A_132, %rem3A_123 : i32
      %eq3A_134 = arith.constant 15 : i32
      %eq3A_135 = arith.cmpi eq, %select_n3A_133, %eq3A_134 : i32
      %lt3A_136 = arith.constant 399 : i32
      %lt3A_137 = arith.cmpi slt, %add3A_51, %lt3A_136 : i32
      %and3A_138 = arith.andi %eq3A_135, %lt3A_137 : i1
      %convert_element_type3A_139 = arith.extui %and3A_138 : i1 to i32
      %cond3A_140 = arith.constant 0 : i32
      %cond3A_141 = arith.cmpi ne, %convert_element_type3A_139, %cond3A_140 : i32
      scf.if %cond3A_141 {
        %add3A_246 = arith.constant 1 : i32
        %add3A_247 = arith.addi %add3A_51, %add3A_246 : i32
        %jit3A_248 = arith.constant 16 : i32
        %div3A = arith.divsi %add3A_247, %jit3A_248 : i32
        %sign3A = arith.constant 0 : i32
        %sign3A_249 = arith.cmpi sgt, %add3A_247, %sign3A : i32
        %sign3A_250 = arith.extui %sign3A_249 : i1 to i32
        %sign3A_251 = arith.constant 0 : i32
        %sign3A_252 = arith.cmpi slt, %add3A_247, %sign3A_251 : i32
        %sign3A_253 = arith.extui %sign3A_252 : i1 to i32
        %sign3A_254 = arith.subi %sign3A_250, %sign3A_253 : i32
        %sign3A_255 = arith.constant 0 : i32
        %sign3A_256 = arith.cmpi sgt, %jit3A_248, %sign3A_255 : i32
        %sign3A_257 = arith.extui %sign3A_256 : i1 to i32
        %sign3A_258 = arith.constant 0 : i32
        %sign3A_259 = arith.cmpi slt, %jit3A_248, %sign3A_258 : i32
        %sign3A_260 = arith.extui %sign3A_259 : i1 to i32
        %sign3A_261 = arith.subi %sign3A_257, %sign3A_260 : i32
        %ne3A_262 = arith.cmpi ne, %sign3A_254, %sign3A_261 : i32
        %rem3A_263 = arith.remsi %add3A_247, %jit3A_248 : i32
        %ne3A_264 = arith.constant 0 : i32
        %ne3A_265 = arith.cmpi ne, %rem3A_263, %ne3A_264 : i32
        %and3A_266 = arith.andi %ne3A_262, %ne3A_265 : i1
        %sub3A = arith.constant 1 : i32
        %sub3A_267 = arith.subi %div3A, %sub3A : i32
        %select_n3A_268 = arith.select %and3A_266, %sub3A_267, %div3A : i32
        %mul3A_269 = arith.constant 16 : i32
        %mul3A_270 = arith.muli %select_n3A_268, %mul3A_269 : i32
        %add3A_271 = arith.addi %mul3A_12, %mul3A_270 : i32
        "tpu.region"() ({
          %run_scoped3A = tpu.sem_alloc : memref<!tpu.dma_semaphore, #tpu.memory_space<semaphore_mem>>
          %dma_start3A_308 = arith.constant 0 : i32
          %dma_start3A_309 = tpu.memref_slice %arg3[%arg0, %add3A_271, %dma_start3A_308] : memref<2x6400x128xi32, #tpu.memory_space<hbm>> -> memref<1x16x128xi32, #tpu.memory_space<hbm>>
          %dma_start3A_310 = tpu.memref_squeeze %dma_start3A_309 : memref<1x16x128xi32, #tpu.memory_space<hbm>> -> memref<16x128xi32, #tpu.memory_space<hbm>>
          %dma_start3A_311 = arith.constant 0 : i32
          %dma_start3A_312 = tpu.memref_slice %arg3[%arg0, %add3A_271, %dma_start3A_311] : memref<2x6400x128xi32, #tpu.memory_space<hbm>> -> memref<1x16x128xi32, #tpu.memory_space<hbm>>
          %dma_start3A_313 = tpu.memref_squeeze %dma_start3A_312 : memref<1x16x128xi32, #tpu.memory_space<hbm>> -> memref<16x128xi32, #tpu.memory_space<hbm>>
          tpu.enqueue_dma source(%dma_start3A_313 : memref<16x128xi32, #tpu.memory_space<hbm>>) target(%arg7 : memref<16x128xi32, #tpu.memory_space<vmem>>) target_semaphore(%run_scoped3A : memref<!tpu.dma_semaphore, #tpu.memory_space<semaphore_mem>>)
          %dma_wait3A_314 = arith.constant 0 : i32
          %dma_wait3A_315 = tpu.memref_slice %arg3[%arg0, %add3A_271, %dma_wait3A_314] : memref<2x6400x128xi32, #tpu.memory_space<hbm>> -> memref<1x16x128xi32, #tpu.memory_space<hbm>>
          %dma_wait3A_316 = tpu.memref_squeeze %dma_wait3A_315 : memref<1x16x128xi32, #tpu.memory_space<hbm>> -> memref<16x128xi32, #tpu.memory_space<hbm>>
          %dma_wait3A_317 = arith.constant 0 : i32
          %dma_wait3A_318 = tpu.memref_slice %arg3[%arg0, %add3A_271, %dma_wait3A_317] : memref<2x6400x128xi32, #tpu.memory_space<hbm>> -> memref<1x16x128xi32, #tpu.memory_space<hbm>>
          %dma_wait3A_319 = tpu.memref_squeeze %dma_wait3A_318 : memref<1x16x128xi32, #tpu.memory_space<hbm>> -> memref<16x128xi32, #tpu.memory_space<hbm>>
          tpu.wait_dma2 semaphore(%run_scoped3A : memref<!tpu.dma_semaphore, #tpu.memory_space<semaphore_mem>>) src(%dma_wait3A_319 : memref<16x128xi32, #tpu.memory_space<hbm>>) dst(%arg7 : memref<16x128xi32, #tpu.memory_space<vmem>>)
          tpu.yield
        }) : () -> ()
        %mul3A_272 = arith.constant 16 : i32
        %mul3A_273 = arith.muli %select_n3A_268, %mul3A_272 : i32
        %add3A_274 = arith.addi %mul3A_12, %mul3A_273 : i32
        "tpu.region"() ({
          %run_scoped3A = tpu.sem_alloc : memref<!tpu.dma_semaphore, #tpu.memory_space<semaphore_mem>>
          %dma_start3A_308 = arith.constant 0 : i32
          %dma_start3A_309 = tpu.memref_slice %arg4[%add3A_274, %dma_start3A_308] : memref<6400x128xi32, #tpu.memory_space<hbm>> -> memref<16x128xi32, #tpu.memory_space<hbm>>
          %dma_start3A_310 = arith.constant 0 : i32
          %dma_start3A_311 = tpu.memref_slice %arg4[%add3A_274, %dma_start3A_310] : memref<6400x128xi32, #tpu.memory_space<hbm>> -> memref<16x128xi32, #tpu.memory_space<hbm>>
          tpu.enqueue_dma source(%dma_start3A_311 : memref<16x128xi32, #tpu.memory_space<hbm>>) target(%arg8 : memref<16x128xi32, #tpu.memory_space<vmem>>) target_semaphore(%run_scoped3A : memref<!tpu.dma_semaphore, #tpu.memory_space<semaphore_mem>>)
          %dma_wait3A_312 = arith.constant 0 : i32
          %dma_wait3A_313 = tpu.memref_slice %arg4[%add3A_274, %dma_wait3A_312] : memref<6400x128xi32, #tpu.memory_space<hbm>> -> memref<16x128xi32, #tpu.memory_space<hbm>>
          %dma_wait3A_314 = arith.constant 0 : i32
          %dma_wait3A_315 = tpu.memref_slice %arg4[%add3A_274, %dma_wait3A_314] : memref<6400x128xi32, #tpu.memory_space<hbm>> -> memref<16x128xi32, #tpu.memory_space<hbm>>
          tpu.wait_dma2 semaphore(%run_scoped3A : memref<!tpu.dma_semaphore, #tpu.memory_space<semaphore_mem>>) src(%dma_wait3A_315 : memref<16x128xi32, #tpu.memory_space<hbm>>) dst(%arg8 : memref<16x128xi32, #tpu.memory_space<vmem>>)
          tpu.yield
        }) : () -> ()
        %add3A_275 = arith.constant 1 : i32
        %add3A_276 = arith.addi %add3A_51, %add3A_275 : i32
        %jit3A_277 = arith.constant 16 : i32
        %eq3A_278 = arith.constant 0 : i32
        %eq3A_279 = arith.cmpi eq, %jit3A_277, %eq3A_278 : i32
        %jit3A_280 = arith.constant 1 : i32
        %select_n3A_281 = arith.select %eq3A_279, %jit3A_280, %jit3A_277 : i32
        %rem3A_282 = arith.remsi %add3A_276, %select_n3A_281 : i32
        %ne3A_283 = arith.constant 0 : i32
        %ne3A_284 = arith.cmpi ne, %rem3A_282, %ne3A_283 : i32
        %lt3A_285 = arith.constant 0 : i32
        %lt3A_286 = arith.cmpi slt, %rem3A_282, %lt3A_285 : i32
        %lt3A_287 = arith.constant 0 : i32
        %lt3A_288 = arith.cmpi slt, %select_n3A_281, %lt3A_287 : i32
        %ne3A_289 = arith.xori %lt3A_286, %lt3A_288 : i1
        %and3A_290 = arith.andi %ne3A_289, %ne3A_284 : i1
        %add3A_291 = arith.addi %rem3A_282, %select_n3A_281 : i32
        %select_n3A_292 = arith.select %and3A_290, %add3A_291, %rem3A_282 : i32
        %dma_start3A_293 = arith.constant 0 : i32
        %dma_start3A_294 = tpu.memref_slice %arg7[%select_n3A_292, %dma_start3A_293] : memref<16x128xi32, #tpu.memory_space<vmem>> -> memref<1x128xi32, #tpu.memory_space<vmem>>
        %dma_start3A_295 = tpu.memref_squeeze %dma_start3A_294 : memref<1x128xi32, #tpu.memory_space<vmem>> -> memref<128xi32, #tpu.memory_space<vmem>>
        %dma_start3A_296 = arith.constant 0 : i32
        %dma_start3A_297 = arith.constant 0 : i32
        %dma_start3A_298 = tpu.memref_slice %arg2[%dma_start3A_296, %dma_start3A_297] : memref<100000x32xf32, #tpu.memory_space<hbm>> -> memref<100000x32xf32, #tpu.memory_space<hbm>>
        tpu.enqueue_indirect_dma source(%dma_start3A_298 : memref<100000x32xf32, #tpu.memory_space<hbm>>) target(%arg10 : memref<128x32xf32, #tpu.memory_space<vmem>>) offsets(%dma_start3A_295 : memref<128xi32, #tpu.memory_space<vmem>>) semaphore(%arg15 : memref<!tpu.dma_semaphore, #tpu.memory_space<semaphore_mem>>)
        %add3A_299 = arith.addi %mul3A_12, %add3A_276 : i32
        %mul3A_300 = arith.constant 32 : i32
        %mul3A_301 = arith.muli %add3A_299, %mul3A_300 : i32
        %dma_start3A_302 = arith.constant 0 : i32
        %dma_start3A_303 = tpu.memref_slice %arg5[%arg0, %mul3A_301, %dma_start3A_302] : memref<2x204800x128xf32, #tpu.memory_space<hbm>> -> memref<1x32x128xf32, #tpu.memory_space<hbm>>
        %dma_start3A_304 = tpu.memref_squeeze %dma_start3A_303 : memref<1x32x128xf32, #tpu.memory_space<hbm>> -> memref<32x128xf32, #tpu.memory_space<hbm>>
        %dma_start3A_305 = arith.constant 0 : i32
        %dma_start3A_306 = tpu.memref_slice %arg5[%arg0, %mul3A_301, %dma_start3A_305] : memref<2x204800x128xf32, #tpu.memory_space<hbm>> -> memref<1x32x128xf32, #tpu.memory_space<hbm>>
        %dma_start3A_307 = tpu.memref_squeeze %dma_start3A_306 : memref<1x32x128xf32, #tpu.memory_space<hbm>> -> memref<32x128xf32, #tpu.memory_space<hbm>>
        tpu.enqueue_dma source(%dma_start3A_307 : memref<32x128xf32, #tpu.memory_space<hbm>>) target(%arg12 : memref<32x128xf32, #tpu.memory_space<vmem>>) target_semaphore(%arg17 : memref<!tpu.dma_semaphore, #tpu.memory_space<semaphore_mem>>)
      } else {
      }
      %mul3A_142 = arith.constant 2 : i32
      %mul3A_143 = arith.muli %mul3A_142, %add3A_47 : i32
      %add3A_144 = arith.constant 1 : i32
      %add3A_145 = arith.addi %mul3A_143, %add3A_144 : i32
      %jit3A_146 = arith.constant 16 : i32
      %eq3A_147 = arith.constant 0 : i32
      %eq3A_148 = arith.cmpi eq, %jit3A_146, %eq3A_147 : i32
      %jit3A_149 = arith.constant 1 : i32
      %select_n3A_150 = arith.select %eq3A_148, %jit3A_149, %jit3A_146 : i32
      %rem3A_151 = arith.remsi %add3A_145, %select_n3A_150 : i32
      %ne3A_152 = arith.constant 0 : i32
      %ne3A_153 = arith.cmpi ne, %rem3A_151, %ne3A_152 : i32
      %lt3A_154 = arith.constant 0 : i32
      %lt3A_155 = arith.cmpi slt, %rem3A_151, %lt3A_154 : i32
      %lt3A_156 = arith.constant 0 : i32
      %lt3A_157 = arith.cmpi slt, %select_n3A_150, %lt3A_156 : i32
      %ne3A_158 = arith.xori %lt3A_155, %lt3A_157 : i1
      %and3A_159 = arith.andi %ne3A_158, %ne3A_153 : i1
      %add3A_160 = arith.addi %rem3A_151, %select_n3A_150 : i32
      %select_n3A_161 = arith.select %and3A_159, %add3A_160, %rem3A_151 : i32
      %dma_wait3A_162 = arith.constant 0 : i32
      %dma_wait3A_163 = tpu.memref_slice %arg7[%select_n3A_161, %dma_wait3A_162] : memref<16x128xi32, #tpu.memory_space<vmem>> -> memref<1x128xi32, #tpu.memory_space<vmem>>
      %dma_wait3A_164 = tpu.memref_squeeze %dma_wait3A_163 : memref<1x128xi32, #tpu.memory_space<vmem>> -> memref<128xi32, #tpu.memory_space<vmem>>
      %dma_wait3A_165 = arith.constant 0 : i32
      %dma_wait3A_166 = arith.constant 0 : i32
      %dma_wait3A_167 = tpu.memref_slice %arg2[%dma_wait3A_165, %dma_wait3A_166] : memref<100000x32xf32, #tpu.memory_space<hbm>> -> memref<100000x32xf32, #tpu.memory_space<hbm>>
      tpu.wait_indirect_dma semaphore(%arg15 : memref<!tpu.dma_semaphore, #tpu.memory_space<semaphore_mem>>) src(%dma_wait3A_167 : memref<100000x32xf32, #tpu.memory_space<hbm>>) dst(%arg10 : memref<128x32xf32, #tpu.memory_space<vmem>>)
      %add3A_168 = arith.addi %mul3A_12, %add3A_145 : i32
      %mul3A_169 = arith.constant 32 : i32
      %mul3A_170 = arith.muli %add3A_168, %mul3A_169 : i32
      %dma_wait3A_171 = arith.constant 0 : i32
      %dma_wait3A_172 = tpu.memref_slice %arg5[%arg0, %mul3A_170, %dma_wait3A_171] : memref<2x204800x128xf32, #tpu.memory_space<hbm>> -> memref<1x32x128xf32, #tpu.memory_space<hbm>>
      %dma_wait3A_173 = tpu.memref_squeeze %dma_wait3A_172 : memref<1x32x128xf32, #tpu.memory_space<hbm>> -> memref<32x128xf32, #tpu.memory_space<hbm>>
      %dma_wait3A_174 = arith.constant 0 : i32
      %dma_wait3A_175 = tpu.memref_slice %arg5[%arg0, %mul3A_170, %dma_wait3A_174] : memref<2x204800x128xf32, #tpu.memory_space<hbm>> -> memref<1x32x128xf32, #tpu.memory_space<hbm>>
      %dma_wait3A_176 = tpu.memref_squeeze %dma_wait3A_175 : memref<1x32x128xf32, #tpu.memory_space<hbm>> -> memref<32x128xf32, #tpu.memory_space<hbm>>
      tpu.wait_dma2 semaphore(%arg17 : memref<!tpu.dma_semaphore, #tpu.memory_space<semaphore_mem>>) src(%dma_wait3A_176 : memref<32x128xf32, #tpu.memory_space<hbm>>) dst(%arg12 : memref<32x128xf32, #tpu.memory_space<vmem>>)
      %jit3A_177 = arith.constant 16 : i32
      %eq3A_178 = arith.constant 0 : i32
      %eq3A_179 = arith.cmpi eq, %jit3A_177, %eq3A_178 : i32
      %jit3A_180 = arith.constant 1 : i32
      %select_n3A_181 = arith.select %eq3A_179, %jit3A_180, %jit3A_177 : i32
      %rem3A_182 = arith.remsi %add3A_145, %select_n3A_181 : i32
      %ne3A_183 = arith.constant 0 : i32
      %ne3A_184 = arith.cmpi ne, %rem3A_182, %ne3A_183 : i32
      %lt3A_185 = arith.constant 0 : i32
      %lt3A_186 = arith.cmpi slt, %rem3A_182, %lt3A_185 : i32
      %lt3A_187 = arith.constant 0 : i32
      %lt3A_188 = arith.cmpi slt, %select_n3A_181, %lt3A_187 : i32
      %ne3A_189 = arith.xori %lt3A_186, %lt3A_188 : i1
      %and3A_190 = arith.andi %ne3A_189, %ne3A_184 : i1
      %add3A_191 = arith.addi %rem3A_182, %select_n3A_181 : i32
      %select_n3A_192 = arith.select %and3A_190, %add3A_191, %rem3A_182 : i32
      %ne3A_193 = arith.constant 15 : i32
      %ne3A_194 = arith.cmpi ne, %select_n3A_192, %ne3A_193 : i32
      %lt3A_195 = arith.constant 399 : i32
      %lt3A_196 = arith.cmpi slt, %add3A_145, %lt3A_195 : i32
      %and3A_197 = arith.andi %ne3A_194, %lt3A_196 : i1
      %convert_element_type3A_198 = arith.extui %and3A_197 : i1 to i32
      %cond3A_199 = arith.constant 0 : i32
      %cond3A_200 = arith.cmpi ne, %convert_element_type3A_198, %cond3A_199 : i32
      scf.if %cond3A_200 {
        %add3A_246 = arith.constant 1 : i32
        %add3A_247 = arith.addi %add3A_145, %add3A_246 : i32
        %jit3A_248 = arith.constant 16 : i32
        %eq3A_249 = arith.constant 0 : i32
        %eq3A_250 = arith.cmpi eq, %jit3A_248, %eq3A_249 : i32
        %jit3A_251 = arith.constant 1 : i32
        %select_n3A_252 = arith.select %eq3A_250, %jit3A_251, %jit3A_248 : i32
        %rem3A_253 = arith.remsi %add3A_247, %select_n3A_252 : i32
        %ne3A_254 = arith.constant 0 : i32
        %ne3A_255 = arith.cmpi ne, %rem3A_253, %ne3A_254 : i32
        %lt3A_256 = arith.constant 0 : i32
        %lt3A_257 = arith.cmpi slt, %rem3A_253, %lt3A_256 : i32
        %lt3A_258 = arith.constant 0 : i32
        %lt3A_259 = arith.cmpi slt, %select_n3A_252, %lt3A_258 : i32
        %ne3A_260 = arith.xori %lt3A_257, %lt3A_259 : i1
        %and3A_261 = arith.andi %ne3A_260, %ne3A_255 : i1
        %add3A_262 = arith.addi %rem3A_253, %select_n3A_252 : i32
        %select_n3A_263 = arith.select %and3A_261, %add3A_262, %rem3A_253 : i32
        %dma_start3A_264 = arith.constant 0 : i32
        %dma_start3A_265 = tpu.memref_slice %arg7[%select_n3A_263, %dma_start3A_264] : memref<16x128xi32, #tpu.memory_space<vmem>> -> memref<1x128xi32, #tpu.memory_space<vmem>>
        %dma_start3A_266 = tpu.memref_squeeze %dma_start3A_265 : memref<1x128xi32, #tpu.memory_space<vmem>> -> memref<128xi32, #tpu.memory_space<vmem>>
        %dma_start3A_267 = arith.constant 0 : i32
        %dma_start3A_268 = arith.constant 0 : i32
        %dma_start3A_269 = tpu.memref_slice %arg2[%dma_start3A_267, %dma_start3A_268] : memref<100000x32xf32, #tpu.memory_space<hbm>> -> memref<100000x32xf32, #tpu.memory_space<hbm>>
        tpu.enqueue_indirect_dma source(%dma_start3A_269 : memref<100000x32xf32, #tpu.memory_space<hbm>>) target(%arg9 : memref<128x32xf32, #tpu.memory_space<vmem>>) offsets(%dma_start3A_266 : memref<128xi32, #tpu.memory_space<vmem>>) semaphore(%arg14 : memref<!tpu.dma_semaphore, #tpu.memory_space<semaphore_mem>>)
        %add3A_270 = arith.addi %mul3A_12, %add3A_247 : i32
        %mul3A_271 = arith.constant 32 : i32
        %mul3A_272 = arith.muli %add3A_270, %mul3A_271 : i32
        %dma_start3A_273 = arith.constant 0 : i32
        %dma_start3A_274 = tpu.memref_slice %arg5[%arg0, %mul3A_272, %dma_start3A_273] : memref<2x204800x128xf32, #tpu.memory_space<hbm>> -> memref<1x32x128xf32, #tpu.memory_space<hbm>>
        %dma_start3A_275 = tpu.memref_squeeze %dma_start3A_274 : memref<1x32x128xf32, #tpu.memory_space<hbm>> -> memref<32x128xf32, #tpu.memory_space<hbm>>
        %dma_start3A_276 = arith.constant 0 : i32
        %dma_start3A_277 = tpu.memref_slice %arg5[%arg0, %mul3A_272, %dma_start3A_276] : memref<2x204800x128xf32, #tpu.memory_space<hbm>> -> memref<1x32x128xf32, #tpu.memory_space<hbm>>
        %dma_start3A_278 = tpu.memref_squeeze %dma_start3A_277 : memref<1x32x128xf32, #tpu.memory_space<hbm>> -> memref<32x128xf32, #tpu.memory_space<hbm>>
        tpu.enqueue_dma source(%dma_start3A_278 : memref<32x128xf32, #tpu.memory_space<hbm>>) target(%arg11 : memref<32x128xf32, #tpu.memory_space<vmem>>) target_semaphore(%arg16 : memref<!tpu.dma_semaphore, #tpu.memory_space<semaphore_mem>>)
      } else {
      }
      %scan3A_201 = arith.constant 0 : i32
      %scan3A_202 = arith.constant 32 : i32
      %scan3A_203 = arith.addi %scan3A_201, %scan3A_202 : i32
      %scan3A_204 = arith.constant 1 : i32
      scf.for %scan3A_246 = %scan3A_201 to %scan3A_203 step %scan3A_204  : i32 {
        %mul3A_247 = arith.constant 1 : i32
        %mul3A_248 = arith.muli %scan3A_246, %mul3A_247 : i32
        %add3A_249 = arith.constant 0 : i32
        %add3A_250 = arith.addi %add3A_249, %mul3A_248 : i32
        %mul3A_251 = arith.constant 4 : i32
        %mul3A_252 = arith.muli %add3A_250, %mul3A_251 : i32
        %add3A_253 = arith.constant 0 : i32
        %add3A_254 = arith.addi %mul3A_252, %add3A_253 : i32
        %get3A = arith.index_cast %add3A_254 : i32 to index
        %get3A_255 = arith.constant 0 : index
        %get3A_256 = tpu.vector_load %arg10[%get3A, %get3A_255] {strides = array<i32>} : memref<128x32xf32, #tpu.memory_space<vmem>>, vector<1x16xf32>,
        %get3A_257 = vector.shape_cast %get3A_256 : vector<1x16xf32> to vector<16xf32>
        %get3A_258 = arith.index_cast %add3A_250 : i32 to index
        %get3A_259 = arith.constant 0 : index
        %get3A_260 = tpu.vector_load %arg12[%get3A_258, %get3A_259] {strides = array<i32>} : memref<32x128xf32, #tpu.memory_space<vmem>>, vector<1x16xf32>,
        %get3A_261 = vector.shape_cast %get3A_260 : vector<1x16xf32> to vector<16xf32>
        %add3A_262 = arith.addf %get3A_257, %get3A_261 : vector<16xf32>
        %max3A = arith.constant 0.000000e+00 : f32
        %max3A_263 = vector.broadcast %max3A : f32 to vector<16xf32>
        %max3A_264 = arith.maximumf %add3A_262, %max3A_263 : vector<16xf32>
        %mul3A_265 = arith.constant 4 : i32
        %mul3A_266 = arith.muli %add3A_250, %mul3A_265 : i32
        %add3A_267 = arith.constant 0 : i32
        %add3A_268 = arith.addi %mul3A_266, %add3A_267 : i32
        %swap3A = arith.index_cast %add3A_268 : i32 to index
        %swap3A_269 = arith.constant 0 : index
        %swap3A_270 = tpu.vector_load %arg10[%swap3A, %swap3A_269] {strides = array<i32>} : memref<128x32xf32, #tpu.memory_space<vmem>>, vector<1x16xf32>,
        %swap3A_271 = vector.shape_cast %swap3A_270 : vector<1x16xf32> to vector<16xf32>
        %swap3A_272 = vector.shape_cast %max3A_264 : vector<16xf32> to vector<1x16xf32>
        tpu.vector_store %arg10[%swap3A, %swap3A_269], %swap3A_272 {strides = array<i32>} : memref<128x32xf32, #tpu.memory_space<vmem>>, vector<1x16xf32>,
        %mul3A_273 = arith.constant 4 : i32
        %mul3A_274 = arith.muli %add3A_250, %mul3A_273 : i32
        %add3A_275 = arith.constant 0 : i32
        %add3A_276 = arith.addi %mul3A_274, %add3A_275 : i32
        %get3A_277 = arith.index_cast %add3A_276 : i32 to index
        %get3A_278 = arith.constant 16 : index
        %get3A_279 = tpu.vector_load %arg10[%get3A_277, %get3A_278] {strides = array<i32>} : memref<128x32xf32, #tpu.memory_space<vmem>>, vector<1x16xf32>,
        %get3A_280 = vector.shape_cast %get3A_279 : vector<1x16xf32> to vector<16xf32>
        %get3A_281 = arith.index_cast %add3A_250 : i32 to index
        %get3A_282 = arith.constant 16 : index
        %get3A_283 = tpu.vector_load %arg12[%get3A_281, %get3A_282] {strides = array<i32>} : memref<32x128xf32, #tpu.memory_space<vmem>>, vector<1x16xf32>,
        %get3A_284 = vector.shape_cast %get3A_283 : vector<1x16xf32> to vector<16xf32>
        %add3A_285 = arith.addf %get3A_280, %get3A_284 : vector<16xf32>
        %max3A_286 = arith.constant 0.000000e+00 : f32
        %max3A_287 = vector.broadcast %max3A_286 : f32 to vector<16xf32>
        %max3A_288 = arith.maximumf %add3A_285, %max3A_287 : vector<16xf32>
        %mul3A_289 = arith.constant 4 : i32
        %mul3A_290 = arith.muli %add3A_250, %mul3A_289 : i32
        %add3A_291 = arith.constant 0 : i32
        %add3A_292 = arith.addi %mul3A_290, %add3A_291 : i32
        %swap3A_293 = arith.index_cast %add3A_292 : i32 to index
        %swap3A_294 = arith.constant 16 : index
        %swap3A_295 = tpu.vector_load %arg10[%swap3A_293, %swap3A_294] {strides = array<i32>} : memref<128x32xf32, #tpu.memory_space<vmem>>, vector<1x16xf32>,
        %swap3A_296 = vector.shape_cast %swap3A_295 : vector<1x16xf32> to vector<16xf32>
        %swap3A_297 = vector.shape_cast %max3A_288 : vector<16xf32> to vector<1x16xf32>
        tpu.vector_store %arg10[%swap3A_293, %swap3A_294], %swap3A_297 {strides = array<i32>} : memref<128x32xf32, #tpu.memory_space<vmem>>, vector<1x16xf32>,
        %mul3A_298 = arith.constant 4 : i32
        %mul3A_299 = arith.muli %add3A_250, %mul3A_298 : i32
        %add3A_300 = arith.constant 1 : i32
        %add3A_301 = arith.addi %mul3A_299, %add3A_300 : i32
        %get3A_302 = arith.index_cast %add3A_301 : i32 to index
        %get3A_303 = arith.constant 0 : index
        %get3A_304 = tpu.vector_load %arg10[%get3A_302, %get3A_303] {strides = array<i32>} : memref<128x32xf32, #tpu.memory_space<vmem>>, vector<1x16xf32>,
        %get3A_305 = vector.shape_cast %get3A_304 : vector<1x16xf32> to vector<16xf32>
        %get3A_306 = arith.index_cast %add3A_250 : i32 to index
        %get3A_307 = arith.constant 32 : index
        %get3A_308 = tpu.vector_load %arg12[%get3A_306, %get3A_307] {strides = array<i32>} : memref<32x128xf32, #tpu.memory_space<vmem>>, vector<1x16xf32>,
        %get3A_309 = vector.shape_cast %get3A_308 : vector<1x16xf32> to vector<16xf32>
        %add3A_310 = arith.addf %get3A_305, %get3A_309 : vector<16xf32>
        %max3A_311 = arith.constant 0.000000e+00 : f32
        %max3A_312 = vector.broadcast %max3A_311 : f32 to vector<16xf32>
        %max3A_313 = arith.maximumf %add3A_310, %max3A_312 : vector<16xf32>
        %mul3A_314 = arith.constant 4 : i32
        %mul3A_315 = arith.muli %add3A_250, %mul3A_314 : i32
        %add3A_316 = arith.constant 1 : i32
        %add3A_317 = arith.addi %mul3A_315, %add3A_316 : i32
        %swap3A_318 = arith.index_cast %add3A_317 : i32 to index
        %swap3A_319 = arith.constant 0 : index
        %swap3A_320 = tpu.vector_load %arg10[%swap3A_318, %swap3A_319] {strides = array<i32>} : memref<128x32xf32, #tpu.memory_space<vmem>>, vector<1x16xf32>,
        %swap3A_321 = vector.shape_cast %swap3A_320 : vector<1x16xf32> to vector<16xf32>
        %swap3A_322 = vector.shape_cast %max3A_313 : vector<16xf32> to vector<1x16xf32>
        tpu.vector_store %arg10[%swap3A_318, %swap3A_319], %swap3A_322 {strides = array<i32>} : memref<128x32xf32, #tpu.memory_space<vmem>>, vector<1x16xf32>,
        %mul3A_323 = arith.constant 4 : i32
        %mul3A_324 = arith.muli %add3A_250, %mul3A_323 : i32
        %add3A_325 = arith.constant 1 : i32
        %add3A_326 = arith.addi %mul3A_324, %add3A_325 : i32
        %get3A_327 = arith.index_cast %add3A_326 : i32 to index
        %get3A_328 = arith.constant 16 : index
        %get3A_329 = tpu.vector_load %arg10[%get3A_327, %get3A_328] {strides = array<i32>} : memref<128x32xf32, #tpu.memory_space<vmem>>, vector<1x16xf32>,
        %get3A_330 = vector.shape_cast %get3A_329 : vector<1x16xf32> to vector<16xf32>
        %get3A_331 = arith.index_cast %add3A_250 : i32 to index
        %get3A_332 = arith.constant 48 : index
        %get3A_333 = tpu.vector_load %arg12[%get3A_331, %get3A_332] {strides = array<i32>} : memref<32x128xf32, #tpu.memory_space<vmem>>, vector<1x16xf32>,
        %get3A_334 = vector.shape_cast %get3A_333 : vector<1x16xf32> to vector<16xf32>
        %add3A_335 = arith.addf %get3A_330, %get3A_334 : vector<16xf32>
        %max3A_336 = arith.constant 0.000000e+00 : f32
        %max3A_337 = vector.broadcast %max3A_336 : f32 to vector<16xf32>
        %max3A_338 = arith.maximumf %add3A_335, %max3A_337 : vector<16xf32>
        %mul3A_339 = arith.constant 4 : i32
        %mul3A_340 = arith.muli %add3A_250, %mul3A_339 : i32
        %add3A_341 = arith.constant 1 : i32
        %add3A_342 = arith.addi %mul3A_340, %add3A_341 : i32
        %swap3A_343 = arith.index_cast %add3A_342 : i32 to index
        %swap3A_344 = arith.constant 16 : index
        %swap3A_345 = tpu.vector_load %arg10[%swap3A_343, %swap3A_344] {strides = array<i32>} : memref<128x32xf32, #tpu.memory_space<vmem>>, vector<1x16xf32>,
        %swap3A_346 = vector.shape_cast %swap3A_345 : vector<1x16xf32> to vector<16xf32>
        %swap3A_347 = vector.shape_cast %max3A_338 : vector<16xf32> to vector<1x16xf32>
        tpu.vector_store %arg10[%swap3A_343, %swap3A_344], %swap3A_347 {strides = array<i32>} : memref<128x32xf32, #tpu.memory_space<vmem>>, vector<1x16xf32>,
        %mul3A_348 = arith.constant 4 : i32
        %mul3A_349 = arith.muli %add3A_250, %mul3A_348 : i32
        %add3A_350 = arith.constant 2 : i32
        %add3A_351 = arith.addi %mul3A_349, %add3A_350 : i32
        %get3A_352 = arith.index_cast %add3A_351 : i32 to index
        %get3A_353 = arith.constant 0 : index
        %get3A_354 = tpu.vector_load %arg10[%get3A_352, %get3A_353] {strides = array<i32>} : memref<128x32xf32, #tpu.memory_space<vmem>>, vector<1x16xf32>,
        %get3A_355 = vector.shape_cast %get3A_354 : vector<1x16xf32> to vector<16xf32>
        %get3A_356 = arith.index_cast %add3A_250 : i32 to index
        %get3A_357 = arith.constant 64 : index
        %get3A_358 = tpu.vector_load %arg12[%get3A_356, %get3A_357] {strides = array<i32>} : memref<32x128xf32, #tpu.memory_space<vmem>>, vector<1x16xf32>,
        %get3A_359 = vector.shape_cast %get3A_358 : vector<1x16xf32> to vector<16xf32>
        %add3A_360 = arith.addf %get3A_355, %get3A_359 : vector<16xf32>
        %max3A_361 = arith.constant 0.000000e+00 : f32
        %max3A_362 = vector.broadcast %max3A_361 : f32 to vector<16xf32>
        %max3A_363 = arith.maximumf %add3A_360, %max3A_362 : vector<16xf32>
        %mul3A_364 = arith.constant 4 : i32
        %mul3A_365 = arith.muli %add3A_250, %mul3A_364 : i32
        %add3A_366 = arith.constant 2 : i32
        %add3A_367 = arith.addi %mul3A_365, %add3A_366 : i32
        %swap3A_368 = arith.index_cast %add3A_367 : i32 to index
        %swap3A_369 = arith.constant 0 : index
        %swap3A_370 = tpu.vector_load %arg10[%swap3A_368, %swap3A_369] {strides = array<i32>} : memref<128x32xf32, #tpu.memory_space<vmem>>, vector<1x16xf32>,
        %swap3A_371 = vector.shape_cast %swap3A_370 : vector<1x16xf32> to vector<16xf32>
        %swap3A_372 = vector.shape_cast %max3A_363 : vector<16xf32> to vector<1x16xf32>
        tpu.vector_store %arg10[%swap3A_368, %swap3A_369], %swap3A_372 {strides = array<i32>} : memref<128x32xf32, #tpu.memory_space<vmem>>, vector<1x16xf32>,
        %mul3A_373 = arith.constant 4 : i32
        %mul3A_374 = arith.muli %add3A_250, %mul3A_373 : i32
        %add3A_375 = arith.constant 2 : i32
        %add3A_376 = arith.addi %mul3A_374, %add3A_375 : i32
        %get3A_377 = arith.index_cast %add3A_376 : i32 to index
        %get3A_378 = arith.constant 16 : index
        %get3A_379 = tpu.vector_load %arg10[%get3A_377, %get3A_378] {strides = array<i32>} : memref<128x32xf32, #tpu.memory_space<vmem>>, vector<1x16xf32>,
        %get3A_380 = vector.shape_cast %get3A_379 : vector<1x16xf32> to vector<16xf32>
        %get3A_381 = arith.index_cast %add3A_250 : i32 to index
        %get3A_382 = arith.constant 80 : index
        %get3A_383 = tpu.vector_load %arg12[%get3A_381, %get3A_382] {strides = array<i32>} : memref<32x128xf32, #tpu.memory_space<vmem>>, vector<1x16xf32>,
        %get3A_384 = vector.shape_cast %get3A_383 : vector<1x16xf32> to vector<16xf32>
        %add3A_385 = arith.addf %get3A_380, %get3A_384 : vector<16xf32>
        %max3A_386 = arith.constant 0.000000e+00 : f32
        %max3A_387 = vector.broadcast %max3A_386 : f32 to vector<16xf32>
        %max3A_388 = arith.maximumf %add3A_385, %max3A_387 : vector<16xf32>
        %mul3A_389 = arith.constant 4 : i32
        %mul3A_390 = arith.muli %add3A_250, %mul3A_389 : i32
        %add3A_391 = arith.constant 2 : i32
        %add3A_392 = arith.addi %mul3A_390, %add3A_391 : i32
        %swap3A_393 = arith.index_cast %add3A_392 : i32 to index
        %swap3A_394 = arith.constant 16 : index
        %swap3A_395 = tpu.vector_load %arg10[%swap3A_393, %swap3A_394] {strides = array<i32>} : memref<128x32xf32, #tpu.memory_space<vmem>>, vector<1x16xf32>,
        %swap3A_396 = vector.shape_cast %swap3A_395 : vector<1x16xf32> to vector<16xf32>
        %swap3A_397 = vector.shape_cast %max3A_388 : vector<16xf32> to vector<1x16xf32>
        tpu.vector_store %arg10[%swap3A_393, %swap3A_394], %swap3A_397 {strides = array<i32>} : memref<128x32xf32, #tpu.memory_space<vmem>>, vector<1x16xf32>,
        %mul3A_398 = arith.constant 4 : i32
        %mul3A_399 = arith.muli %add3A_250, %mul3A_398 : i32
        %add3A_400 = arith.constant 3 : i32
        %add3A_401 = arith.addi %mul3A_399, %add3A_400 : i32
        %get3A_402 = arith.index_cast %add3A_401 : i32 to index
        %get3A_403 = arith.constant 0 : index
        %get3A_404 = tpu.vector_load %arg10[%get3A_402, %get3A_403] {strides = array<i32>} : memref<128x32xf32, #tpu.memory_space<vmem>>, vector<1x16xf32>,
        %get3A_405 = vector.shape_cast %get3A_404 : vector<1x16xf32> to vector<16xf32>
        %get3A_406 = arith.index_cast %add3A_250 : i32 to index
        %get3A_407 = arith.constant 96 : index
        %get3A_408 = tpu.vector_load %arg12[%get3A_406, %get3A_407] {strides = array<i32>} : memref<32x128xf32, #tpu.memory_space<vmem>>, vector<1x16xf32>,
        %get3A_409 = vector.shape_cast %get3A_408 : vector<1x16xf32> to vector<16xf32>
        %add3A_410 = arith.addf %get3A_405, %get3A_409 : vector<16xf32>
        %max3A_411 = arith.constant 0.000000e+00 : f32
        %max3A_412 = vector.broadcast %max3A_411 : f32 to vector<16xf32>
        %max3A_413 = arith.maximumf %add3A_410, %max3A_412 : vector<16xf32>
        %mul3A_414 = arith.constant 4 : i32
        %mul3A_415 = arith.muli %add3A_250, %mul3A_414 : i32
        %add3A_416 = arith.constant 3 : i32
        %add3A_417 = arith.addi %mul3A_415, %add3A_416 : i32
        %swap3A_418 = arith.index_cast %add3A_417 : i32 to index
        %swap3A_419 = arith.constant 0 : index
        %swap3A_420 = tpu.vector_load %arg10[%swap3A_418, %swap3A_419] {strides = array<i32>} : memref<128x32xf32, #tpu.memory_space<vmem>>, vector<1x16xf32>,
        %swap3A_421 = vector.shape_cast %swap3A_420 : vector<1x16xf32> to vector<16xf32>
        %swap3A_422 = vector.shape_cast %max3A_413 : vector<16xf32> to vector<1x16xf32>
        tpu.vector_store %arg10[%swap3A_418, %swap3A_419], %swap3A_422 {strides = array<i32>} : memref<128x32xf32, #tpu.memory_space<vmem>>, vector<1x16xf32>,
        %mul3A_423 = arith.constant 4 : i32
        %mul3A_424 = arith.muli %add3A_250, %mul3A_423 : i32
        %add3A_425 = arith.constant 3 : i32
        %add3A_426 = arith.addi %mul3A_424, %add3A_425 : i32
        %get3A_427 = arith.index_cast %add3A_426 : i32 to index
        %get3A_428 = arith.constant 16 : index
        %get3A_429 = tpu.vector_load %arg10[%get3A_427, %get3A_428] {strides = array<i32>} : memref<128x32xf32, #tpu.memory_space<vmem>>, vector<1x16xf32>,
        %get3A_430 = vector.shape_cast %get3A_429 : vector<1x16xf32> to vector<16xf32>
        %get3A_431 = arith.index_cast %add3A_250 : i32 to index
        %get3A_432 = arith.constant 112 : index
        %get3A_433 = tpu.vector_load %arg12[%get3A_431, %get3A_432] {strides = array<i32>} : memref<32x128xf32, #tpu.memory_space<vmem>>, vector<1x16xf32>,
        %get3A_434 = vector.shape_cast %get3A_433 : vector<1x16xf32> to vector<16xf32>
        %add3A_435 = arith.addf %get3A_430, %get3A_434 : vector<16xf32>
        %max3A_436 = arith.constant 0.000000e+00 : f32
        %max3A_437 = vector.broadcast %max3A_436 : f32 to vector<16xf32>
        %max3A_438 = arith.maximumf %add3A_435, %max3A_437 : vector<16xf32>
        %mul3A_439 = arith.constant 4 : i32
        %mul3A_440 = arith.muli %add3A_250, %mul3A_439 : i32
        %add3A_441 = arith.constant 3 : i32
        %add3A_442 = arith.addi %mul3A_440, %add3A_441 : i32
        %swap3A_443 = arith.index_cast %add3A_442 : i32 to index
        %swap3A_444 = arith.constant 16 : index
        %swap3A_445 = tpu.vector_load %arg10[%swap3A_443, %swap3A_444] {strides = array<i32>} : memref<128x32xf32, #tpu.memory_space<vmem>>, vector<1x16xf32>,
        %swap3A_446 = vector.shape_cast %swap3A_445 : vector<1x16xf32> to vector<16xf32>
        %swap3A_447 = vector.shape_cast %max3A_438 : vector<16xf32> to vector<1x16xf32>
        tpu.vector_store %arg10[%swap3A_443, %swap3A_444], %swap3A_447 {strides = array<i32>} : memref<128x32xf32, #tpu.memory_space<vmem>>, vector<1x16xf32>,
      }
      %scan3A_205 = arith.constant 32 : i32
      %jit3A_206 = arith.constant 16 : i32
      %eq3A_207 = arith.constant 0 : i32
      %eq3A_208 = arith.cmpi eq, %jit3A_206, %eq3A_207 : i32
      %jit3A_209 = arith.constant 1 : i32
      %select_n3A_210 = arith.select %eq3A_208, %jit3A_209, %jit3A_206 : i32
      %rem3A_211 = arith.remsi %add3A_145, %select_n3A_210 : i32
      %ne3A_212 = arith.constant 0 : i32
      %ne3A_213 = arith.cmpi ne, %rem3A_211, %ne3A_212 : i32
      %lt3A_214 = arith.constant 0 : i32
      %lt3A_215 = arith.cmpi slt, %rem3A_211, %lt3A_214 : i32
      %lt3A_216 = arith.constant 0 : i32
      %lt3A_217 = arith.cmpi slt, %select_n3A_210, %lt3A_216 : i32
      %ne3A_218 = arith.xori %lt3A_215, %lt3A_217 : i1
      %and3A_219 = arith.andi %ne3A_218, %ne3A_213 : i1
      %add3A_220 = arith.addi %rem3A_211, %select_n3A_210 : i32
      %select_n3A_221 = arith.select %and3A_219, %add3A_220, %rem3A_211 : i32
      "tpu.region"() ({
        %run_scoped3A = tpu.sem_alloc : memref<!tpu.dma_semaphore, #tpu.memory_space<semaphore_mem>>
        %dma_start3A_246 = arith.constant 0 : i32
        %dma_start3A_247 = tpu.memref_slice %arg8[%select_n3A_221, %dma_start3A_246] : memref<16x128xi32, #tpu.memory_space<vmem>> -> memref<1x128xi32, #tpu.memory_space<vmem>>
        %dma_start3A_248 = tpu.memref_squeeze %dma_start3A_247 : memref<1x128xi32, #tpu.memory_space<vmem>> -> memref<128xi32, #tpu.memory_space<vmem>>
        %dma_start3A_249 = arith.constant 0 : i32
        %dma_start3A_250 = arith.constant 0 : i32
        %dma_start3A_251 = tpu.memref_slice %arg13[%dma_start3A_249, %dma_start3A_250] : memref<50048x32xf32, #tpu.memory_space<vmem_shared>> -> memref<50048x32xf32, #tpu.memory_space<vmem_shared>>
        tpu.enqueue_indirect_dma source(%arg10 : memref<128x32xf32, #tpu.memory_space<vmem>>) target(%dma_start3A_251 : memref<50048x32xf32, #tpu.memory_space<vmem_shared>>) offsets(%dma_start3A_248 : memref<128xi32, #tpu.memory_space<vmem>>) semaphore(%run_scoped3A : memref<!tpu.dma_semaphore, #tpu.memory_space<semaphore_mem>>) {add = true}
        %dma_wait3A_252 = arith.constant 0 : i32
        %dma_wait3A_253 = tpu.memref_slice %arg8[%select_n3A_221, %dma_wait3A_252] : memref<16x128xi32, #tpu.memory_space<vmem>> -> memref<1x128xi32, #tpu.memory_space<vmem>>
        %dma_wait3A_254 = tpu.memref_squeeze %dma_wait3A_253 : memref<1x128xi32, #tpu.memory_space<vmem>> -> memref<128xi32, #tpu.memory_space<vmem>>
        %dma_wait3A_255 = arith.constant 0 : i32
        %dma_wait3A_256 = arith.constant 0 : i32
        %dma_wait3A_257 = tpu.memref_slice %arg13[%dma_wait3A_255, %dma_wait3A_256] : memref<50048x32xf32, #tpu.memory_space<vmem_shared>> -> memref<50048x32xf32, #tpu.memory_space<vmem_shared>>
        tpu.wait_indirect_dma semaphore(%run_scoped3A : memref<!tpu.dma_semaphore, #tpu.memory_space<semaphore_mem>>) src(%arg10 : memref<128x32xf32, #tpu.memory_space<vmem>>) dst(%dma_wait3A_257 : memref<50048x32xf32, #tpu.memory_space<vmem_shared>>)
        tpu.yield
      }) : () -> ()
      %jit3A_222 = arith.constant 16 : i32
      %eq3A_223 = arith.constant 0 : i32
      %eq3A_224 = arith.cmpi eq, %jit3A_222, %eq3A_223 : i32
      %jit3A_225 = arith.constant 1 : i32
      %select_n3A_226 = arith.select %eq3A_224, %jit3A_225, %jit3A_222 : i32
      %rem3A_227 = arith.remsi %add3A_145, %select_n3A_226 : i32
      %ne3A_228 = arith.constant 0 : i32
      %ne3A_229 = arith.cmpi ne, %rem3A_227, %ne3A_228 : i32
      %lt3A_230 = arith.constant 0 : i32
      %lt3A_231 = arith.cmpi slt, %rem3A_227, %lt3A_230 : i32
      %lt3A_232 = arith.constant 0 : i32
      %lt3A_233 = arith.cmpi slt, %select_n3A_226, %lt3A_232 : i32
      %ne3A_234 = arith.xori %lt3A_231, %lt3A_233 : i1
      %and3A_235 = arith.andi %ne3A_234, %ne3A_229 : i1
      %add3A_236 = arith.addi %rem3A_227, %select_n3A_226 : i32
      %select_n3A_237 = arith.select %and3A_235, %add3A_236, %rem3A_227 : i32
      %eq3A_238 = arith.constant 15 : i32
      %eq3A_239 = arith.cmpi eq, %select_n3A_237, %eq3A_238 : i32
      %lt3A_240 = arith.constant 399 : i32
      %lt3A_241 = arith.cmpi slt, %add3A_145, %lt3A_240 : i32
      %and3A_242 = arith.andi %eq3A_239, %lt3A_241 : i1
      %convert_element_type3A_243 = arith.extui %and3A_242 : i1 to i32
      %cond3A_244 = arith.constant 0 : i32
      %cond3A_245 = arith.cmpi ne, %convert_element_type3A_243, %cond3A_244 : i32
      scf.if %cond3A_245 {
        %add3A_246 = arith.constant 1 : i32
        %add3A_247 = arith.addi %add3A_145, %add3A_246 : i32
        %jit3A_248 = arith.constant 16 : i32
        %div3A = arith.divsi %add3A_247, %jit3A_248 : i32
        %sign3A = arith.constant 0 : i32
        %sign3A_249 = arith.cmpi sgt, %add3A_247, %sign3A : i32
        %sign3A_250 = arith.extui %sign3A_249 : i1 to i32
        %sign3A_251 = arith.constant 0 : i32
        %sign3A_252 = arith.cmpi slt, %add3A_247, %sign3A_251 : i32
        %sign3A_253 = arith.extui %sign3A_252 : i1 to i32
        %sign3A_254 = arith.subi %sign3A_250, %sign3A_253 : i32
        %sign3A_255 = arith.constant 0 : i32
        %sign3A_256 = arith.cmpi sgt, %jit3A_248, %sign3A_255 : i32
        %sign3A_257 = arith.extui %sign3A_256 : i1 to i32
        %sign3A_258 = arith.constant 0 : i32
        %sign3A_259 = arith.cmpi slt, %jit3A_248, %sign3A_258 : i32
        %sign3A_260 = arith.extui %sign3A_259 : i1 to i32
        %sign3A_261 = arith.subi %sign3A_257, %sign3A_260 : i32
        %ne3A_262 = arith.cmpi ne, %sign3A_254, %sign3A_261 : i32
        %rem3A_263 = arith.remsi %add3A_247, %jit3A_248 : i32
        %ne3A_264 = arith.constant 0 : i32
        %ne3A_265 = arith.cmpi ne, %rem3A_263, %ne3A_264 : i32
        %and3A_266 = arith.andi %ne3A_262, %ne3A_265 : i1
        %sub3A = arith.constant 1 : i32
        %sub3A_267 = arith.subi %div3A, %sub3A : i32
        %select_n3A_268 = arith.select %and3A_266, %sub3A_267, %div3A : i32
        %mul3A_269 = arith.constant 16 : i32
        %mul3A_270 = arith.muli %select_n3A_268, %mul3A_269 : i32
        %add3A_271 = arith.addi %mul3A_12, %mul3A_270 : i32
        "tpu.region"() ({
          %run_scoped3A = tpu.sem_alloc : memref<!tpu.dma_semaphore, #tpu.memory_space<semaphore_mem>>
          %dma_start3A_308 = arith.constant 0 : i32
          %dma_start3A_309 = tpu.memref_slice %arg3[%arg0, %add3A_271, %dma_start3A_308] : memref<2x6400x128xi32, #tpu.memory_space<hbm>> -> memref<1x16x128xi32, #tpu.memory_space<hbm>>
          %dma_start3A_310 = tpu.memref_squeeze %dma_start3A_309 : memref<1x16x128xi32, #tpu.memory_space<hbm>> -> memref<16x128xi32, #tpu.memory_space<hbm>>
          %dma_start3A_311 = arith.constant 0 : i32
          %dma_start3A_312 = tpu.memref_slice %arg3[%arg0, %add3A_271, %dma_start3A_311] : memref<2x6400x128xi32, #tpu.memory_space<hbm>> -> memref<1x16x128xi32, #tpu.memory_space<hbm>>
          %dma_start3A_313 = tpu.memref_squeeze %dma_start3A_312 : memref<1x16x128xi32, #tpu.memory_space<hbm>> -> memref<16x128xi32, #tpu.memory_space<hbm>>
          tpu.enqueue_dma source(%dma_start3A_313 : memref<16x128xi32, #tpu.memory_space<hbm>>) target(%arg7 : memref<16x128xi32, #tpu.memory_space<vmem>>) target_semaphore(%run_scoped3A : memref<!tpu.dma_semaphore, #tpu.memory_space<semaphore_mem>>)
          %dma_wait3A_314 = arith.constant 0 : i32
          %dma_wait3A_315 = tpu.memref_slice %arg3[%arg0, %add3A_271, %dma_wait3A_314] : memref<2x6400x128xi32, #tpu.memory_space<hbm>> -> memref<1x16x128xi32, #tpu.memory_space<hbm>>
          %dma_wait3A_316 = tpu.memref_squeeze %dma_wait3A_315 : memref<1x16x128xi32, #tpu.memory_space<hbm>> -> memref<16x128xi32, #tpu.memory_space<hbm>>
          %dma_wait3A_317 = arith.constant 0 : i32
          %dma_wait3A_318 = tpu.memref_slice %arg3[%arg0, %add3A_271, %dma_wait3A_317] : memref<2x6400x128xi32, #tpu.memory_space<hbm>> -> memref<1x16x128xi32, #tpu.memory_space<hbm>>
          %dma_wait3A_319 = tpu.memref_squeeze %dma_wait3A_318 : memref<1x16x128xi32, #tpu.memory_space<hbm>> -> memref<16x128xi32, #tpu.memory_space<hbm>>
          tpu.wait_dma2 semaphore(%run_scoped3A : memref<!tpu.dma_semaphore, #tpu.memory_space<semaphore_mem>>) src(%dma_wait3A_319 : memref<16x128xi32, #tpu.memory_space<hbm>>) dst(%arg7 : memref<16x128xi32, #tpu.memory_space<vmem>>)
          tpu.yield
        }) : () -> ()
        %mul3A_272 = arith.constant 16 : i32
        %mul3A_273 = arith.muli %select_n3A_268, %mul3A_272 : i32
        %add3A_274 = arith.addi %mul3A_12, %mul3A_273 : i32
        "tpu.region"() ({
          %run_scoped3A = tpu.sem_alloc : memref<!tpu.dma_semaphore, #tpu.memory_space<semaphore_mem>>
          %dma_start3A_308 = arith.constant 0 : i32
          %dma_start3A_309 = tpu.memref_slice %arg4[%add3A_274, %dma_start3A_308] : memref<6400x128xi32, #tpu.memory_space<hbm>> -> memref<16x128xi32, #tpu.memory_space<hbm>>
          %dma_start3A_310 = arith.constant 0 : i32
          %dma_start3A_311 = tpu.memref_slice %arg4[%add3A_274, %dma_start3A_310] : memref<6400x128xi32, #tpu.memory_space<hbm>> -> memref<16x128xi32, #tpu.memory_space<hbm>>
          tpu.enqueue_dma source(%dma_start3A_311 : memref<16x128xi32, #tpu.memory_space<hbm>>) target(%arg8 : memref<16x128xi32, #tpu.memory_space<vmem>>) target_semaphore(%run_scoped3A : memref<!tpu.dma_semaphore, #tpu.memory_space<semaphore_mem>>)
          %dma_wait3A_312 = arith.constant 0 : i32
          %dma_wait3A_313 = tpu.memref_slice %arg4[%add3A_274, %dma_wait3A_312] : memref<6400x128xi32, #tpu.memory_space<hbm>> -> memref<16x128xi32, #tpu.memory_space<hbm>>
          %dma_wait3A_314 = arith.constant 0 : i32
          %dma_wait3A_315 = tpu.memref_slice %arg4[%add3A_274, %dma_wait3A_314] : memref<6400x128xi32, #tpu.memory_space<hbm>> -> memref<16x128xi32, #tpu.memory_space<hbm>>
          tpu.wait_dma2 semaphore(%run_scoped3A : memref<!tpu.dma_semaphore, #tpu.memory_space<semaphore_mem>>) src(%dma_wait3A_315 : memref<16x128xi32, #tpu.memory_space<hbm>>) dst(%arg8 : memref<16x128xi32, #tpu.memory_space<vmem>>)
          tpu.yield
        }) : () -> ()
        %add3A_275 = arith.constant 1 : i32
        %add3A_276 = arith.addi %add3A_145, %add3A_275 : i32
        %jit3A_277 = arith.constant 16 : i32
        %eq3A_278 = arith.constant 0 : i32
        %eq3A_279 = arith.cmpi eq, %jit3A_277, %eq3A_278 : i32
        %jit3A_280 = arith.constant 1 : i32
        %select_n3A_281 = arith.select %eq3A_279, %jit3A_280, %jit3A_277 : i32
        %rem3A_282 = arith.remsi %add3A_276, %select_n3A_281 : i32
        %ne3A_283 = arith.constant 0 : i32
        %ne3A_284 = arith.cmpi ne, %rem3A_282, %ne3A_283 : i32
        %lt3A_285 = arith.constant 0 : i32
        %lt3A_286 = arith.cmpi slt, %rem3A_282, %lt3A_285 : i32
        %lt3A_287 = arith.constant 0 : i32
        %lt3A_288 = arith.cmpi slt, %select_n3A_281, %lt3A_287 : i32
        %ne3A_289 = arith.xori %lt3A_286, %lt3A_288 : i1
        %and3A_290 = arith.andi %ne3A_289, %ne3A_284 : i1
        %add3A_291 = arith.addi %rem3A_282, %select_n3A_281 : i32
        %select_n3A_292 = arith.select %and3A_290, %add3A_291, %rem3A_282 : i32
        %dma_start3A_293 = arith.constant 0 : i32
        %dma_start3A_294 = tpu.memref_slice %arg7[%select_n3A_292, %dma_start3A_293] : memref<16x128xi32, #tpu.memory_space<vmem>> -> memref<1x128xi32, #tpu.memory_space<vmem>>
        %dma_start3A_295 = tpu.memref_squeeze %dma_start3A_294 : memref<1x128xi32, #tpu.memory_space<vmem>> -> memref<128xi32, #tpu.memory_space<vmem>>
        %dma_start3A_296 = arith.constant 0 : i32
        %dma_start3A_297 = arith.constant 0 : i32
        %dma_start3A_298 = tpu.memref_slice %arg2[%dma_start3A_296, %dma_start3A_297] : memref<100000x32xf32, #tpu.memory_space<hbm>> -> memref<100000x32xf32, #tpu.memory_space<hbm>>
        tpu.enqueue_indirect_dma source(%dma_start3A_298 : memref<100000x32xf32, #tpu.memory_space<hbm>>) target(%arg9 : memref<128x32xf32, #tpu.memory_space<vmem>>) offsets(%dma_start3A_295 : memref<128xi32, #tpu.memory_space<vmem>>) semaphore(%arg14 : memref<!tpu.dma_semaphore, #tpu.memory_space<semaphore_mem>>)
        %add3A_299 = arith.addi %mul3A_12, %add3A_276 : i32
        %mul3A_300 = arith.constant 32 : i32
        %mul3A_301 = arith.muli %add3A_299, %mul3A_300 : i32
        %dma_start3A_302 = arith.constant 0 : i32
        %dma_start3A_303 = tpu.memref_slice %arg5[%arg0, %mul3A_301, %dma_start3A_302] : memref<2x204800x128xf32, #tpu.memory_space<hbm>> -> memref<1x32x128xf32, #tpu.memory_space<hbm>>
        %dma_start3A_304 = tpu.memref_squeeze %dma_start3A_303 : memref<1x32x128xf32, #tpu.memory_space<hbm>> -> memref<32x128xf32, #tpu.memory_space<hbm>>
        %dma_start3A_305 = arith.constant 0 : i32
        %dma_start3A_306 = tpu.memref_slice %arg5[%arg0, %mul3A_301, %dma_start3A_305] : memref<2x204800x128xf32, #tpu.memory_space<hbm>> -> memref<1x32x128xf32, #tpu.memory_space<hbm>>
        %dma_start3A_307 = tpu.memref_squeeze %dma_start3A_306 : memref<1x32x128xf32, #tpu.memory_space<hbm>> -> memref<32x128xf32, #tpu.memory_space<hbm>>
        tpu.enqueue_dma source(%dma_start3A_307 : memref<32x128xf32, #tpu.memory_space<hbm>>) target(%arg11 : memref<32x128xf32, #tpu.memory_space<vmem>>) target_semaphore(%arg16 : memref<!tpu.dma_semaphore, #tpu.memory_space<semaphore_mem>>)
      } else {
      }
    }
    %scan3A_37 = arith.constant 200 : i32
    %barrier3A_38 = arith.constant 0 : index
    tpu.barrier barrier_id(%barrier3A_38)
    %mul3A_39 = arith.constant 3128 : i32
    %mul3A_40 = arith.muli %arg1, %mul3A_39 : i32
    %mul3A_41 = arith.constant 3128 : i32
    %mul3A_42 = arith.muli %arg1, %mul3A_41 : i32
    "tpu.region"() ({
      %run_scoped3A = tpu.sem_alloc : memref<!tpu.dma_semaphore, #tpu.memory_space<semaphore_mem>>
      %dma_start3A_43 = arith.constant 0 : i32
      %dma_start3A_44 = tpu.memref_slice %arg6[%arg0, %mul3A_42, %dma_start3A_43] : memref<2x50048x32xf32, #tpu.memory_space<hbm>> -> memref<1x3128x32xf32, #tpu.memory_space<hbm>>
      %dma_start3A_45 = tpu.memref_squeeze %dma_start3A_44 : memref<1x3128x32xf32, #tpu.memory_space<hbm>> -> memref<3128x32xf32, #tpu.memory_space<hbm>>
      %dma_start3A_46 = arith.constant 0 : i32
      %dma_start3A_47 = tpu.memref_slice %arg13[%mul3A_40, %dma_start3A_46] : memref<50048x32xf32, #tpu.memory_space<vmem_shared>> -> memref<3128x32xf32, #tpu.memory_space<vmem_shared>>
      tpu.enqueue_dma source(%dma_start3A_47 : memref<3128x32xf32, #tpu.memory_space<vmem_shared>>) target(%dma_start3A_45 : memref<3128x32xf32, #tpu.memory_space<hbm>>) target_semaphore(%run_scoped3A : memref<!tpu.dma_semaphore, #tpu.memory_space<semaphore_mem>>)
      %dma_wait3A = arith.constant 0 : i32
      %dma_wait3A_48 = tpu.memref_slice %arg6[%arg0, %mul3A_42, %dma_wait3A] : memref<2x50048x32xf32, #tpu.memory_space<hbm>> -> memref<1x3128x32xf32, #tpu.memory_space<hbm>>
      %dma_wait3A_49 = tpu.memref_squeeze %dma_wait3A_48 : memref<1x3128x32xf32, #tpu.memory_space<hbm>> -> memref<3128x32xf32, #tpu.memory_space<hbm>>
      %dma_wait3A_50 = arith.constant 0 : i32
      %dma_wait3A_51 = tpu.memref_slice %arg13[%mul3A_40, %dma_wait3A_50] : memref<50048x32xf32, #tpu.memory_space<vmem_shared>> -> memref<3128x32xf32, #tpu.memory_space<vmem_shared>>
      tpu.wait_dma2 semaphore(%run_scoped3A : memref<!tpu.dma_semaphore, #tpu.memory_space<semaphore_mem>>) src(%dma_wait3A_51 : memref<3128x32xf32, #tpu.memory_space<vmem_shared>>) dst(%dma_wait3A_49 : memref<3128x32xf32, #tpu.memory_space<hbm>>)
      tpu.yield
    }) : () -> ()
    return
  }
}

#map = affine_map<(d0, d1) -> (0, 0)>
#map1 = affine_map<(d0, d1) -> (0, 0, 0)>
module attributes {stable_mosaic.version = 14 : i64} {
  func.func @_conv1_sc(%arg0: i32, %arg1: i32, %arg2: memref<50000x16xf32, #tpu.memory_space<hbm>>, %arg3: memref<6400x128xi32, #tpu.memory_space<hbm>>, %arg4: memref<6400x128xi32, #tpu.memory_space<hbm>>, %arg5: memref<204800x128xf32, #tpu.memory_space<hbm>>, %arg6: memref<2x50048x16xf32, #tpu.memory_space<hbm>>, %arg7: memref<200x128xi32, #tpu.memory_space<vmem>>, %arg8: memref<200x128xi32, #tpu.memory_space<vmem>>, %arg9: memref<128x16xf32, #tpu.memory_space<vmem>>, %arg10: memref<128x16xf32, #tpu.memory_space<vmem>>, %arg11: memref<32x128xf32, #tpu.memory_space<vmem>>, %arg12: memref<32x128xf32, #tpu.memory_space<vmem>>, %arg13: memref<50048x16xf32, #tpu.memory_space<vmem_shared>>, %arg14: memref<!tpu.dma_semaphore, #tpu.memory_space<semaphore_mem>>, %arg15: memref<!tpu.dma_semaphore, #tpu.memory_space<semaphore_mem>>, %arg16: memref<!tpu.dma_semaphore, #tpu.memory_space<semaphore_mem>>, %arg17: memref<!tpu.dma_semaphore, #tpu.memory_space<semaphore_mem>>) attributes {dimension_semantics = [#tpu.dimension_semantics<core_parallel>, #tpu.dimension_semantics<subcore_parallel>], iteration_bounds = array<i64: 2, 16>, scalar_prefetch = 0 : i64, scratch_operands = 11 : i64, tpu.core_type = #tpu.core_type<sc_vector_subcore>, window_params = [{transform_indices = #map}, {transform_indices = #map}, {transform_indices = #map}, {transform_indices = #map}, {transform_indices = #map1}]} {
    %mul3A = arith.constant 16 : i32
    %mul3A_0 = arith.muli %arg0, %mul3A : i32
    %add3A = arith.addi %mul3A_0, %arg1 : i32
    %scan3A = arith.constant 0 : i32
    %scan3A_1 = arith.constant 128 : i32
    %scan3A_2 = arith.addi %scan3A, %scan3A_1 : i32
    %scan3A_3 = arith.constant 1 : i32
    scf.for %scan3A_40 = %scan3A to %scan3A_2 step %scan3A_3  : i32 {
      %mul3A_41 = arith.constant 1 : i32
      %mul3A_42 = arith.muli %scan3A_40, %mul3A_41 : i32
      %add3A_43 = arith.constant 0 : i32
      %add3A_44 = arith.addi %add3A_43, %mul3A_42 : i32
      %broadcast_in_dim3A = arith.constant 0.000000e+00 : f32
      %broadcast_in_dim3A_45 = vector.broadcast %broadcast_in_dim3A : f32 to vector<16xf32>
      %swap3A = arith.index_cast %add3A_44 : i32 to index
      %swap3A_46 = arith.constant 0 : index
      %swap3A_47 = tpu.vector_load %arg9[%swap3A, %swap3A_46] {strides = array<i32>} : memref<128x16xf32, #tpu.memory_space<vmem>>, vector<1x16xf32>,
      %swap3A_48 = vector.shape_cast %swap3A_47 : vector<1x16xf32> to vector<16xf32>
      %swap3A_49 = vector.shape_cast %broadcast_in_dim3A_45 : vector<16xf32> to vector<1x16xf32>
      tpu.vector_store %arg9[%swap3A, %swap3A_46], %swap3A_49 {strides = array<i32>} : memref<128x16xf32, #tpu.memory_space<vmem>>, vector<1x16xf32>,
    }
    %scan3A_4 = arith.constant 128 : i32
    %scan3A_5 = arith.constant 0 : i32
    %scan3A_6 = arith.constant 24 : i32
    %scan3A_7 = arith.addi %scan3A_5, %scan3A_6 : i32
    %scan3A_8 = arith.constant 1 : i32
    scf.for %scan3A_40 = %scan3A_5 to %scan3A_7 step %scan3A_8  : i32 {
      %mul3A_41 = arith.constant 1 : i32
      %mul3A_42 = arith.muli %scan3A_40, %mul3A_41 : i32
      %add3A_43 = arith.constant 0 : i32
      %add3A_44 = arith.addi %add3A_43, %mul3A_42 : i32
      %mul3A_45 = arith.constant 3128 : i32
      %mul3A_46 = arith.muli %arg1, %mul3A_45 : i32
      %mul3A_47 = arith.constant 128 : i32
      %mul3A_48 = arith.muli %add3A_44, %mul3A_47 : i32
      %add3A_49 = arith.addi %mul3A_46, %mul3A_48 : i32
      "tpu.region"() ({
        %run_scoped3A = tpu.sem_alloc : memref<!tpu.dma_semaphore, #tpu.memory_space<semaphore_mem>>
        %dma_start3A_50 = arith.constant 0 : i32
        %dma_start3A_51 = tpu.memref_slice %arg13[%add3A_49, %dma_start3A_50] : memref<50048x16xf32, #tpu.memory_space<vmem_shared>> -> memref<128x16xf32, #tpu.memory_space<vmem_shared>>
        %dma_start3A_52 = arith.constant 0 : i32
        %dma_start3A_53 = tpu.memref_slice %arg13[%add3A_49, %dma_start3A_52] : memref<50048x16xf32, #tpu.memory_space<vmem_shared>> -> memref<128x16xf32, #tpu.memory_space<vmem_shared>>
        tpu.enqueue_dma source(%arg9 : memref<128x16xf32, #tpu.memory_space<vmem>>) target(%dma_start3A_53 : memref<128x16xf32, #tpu.memory_space<vmem_shared>>) target_semaphore(%run_scoped3A : memref<!tpu.dma_semaphore, #tpu.memory_space<semaphore_mem>>)
        %dma_wait3A = arith.constant 0 : i32
        %dma_wait3A_54 = tpu.memref_slice %arg13[%add3A_49, %dma_wait3A] : memref<50048x16xf32, #tpu.memory_space<vmem_shared>> -> memref<128x16xf32, #tpu.memory_space<vmem_shared>>
        %dma_wait3A_55 = arith.constant 0 : i32
        %dma_wait3A_56 = tpu.memref_slice %arg13[%add3A_49, %dma_wait3A_55] : memref<50048x16xf32, #tpu.memory_space<vmem_shared>> -> memref<128x16xf32, #tpu.memory_space<vmem_shared>>
        tpu.wait_dma2 semaphore(%run_scoped3A : memref<!tpu.dma_semaphore, #tpu.memory_space<semaphore_mem>>) src(%arg9 : memref<128x16xf32, #tpu.memory_space<vmem>>) dst(%dma_wait3A_56 : memref<128x16xf32, #tpu.memory_space<vmem_shared>>)
        tpu.yield
      }) : () -> ()
    }
    %scan3A_9 = arith.constant 24 : i32
    %mul3A_10 = arith.constant 3128 : i32
    %mul3A_11 = arith.muli %arg1, %mul3A_10 : i32
    %add3A_12 = arith.constant 3072 : i32
    %add3A_13 = arith.addi %mul3A_11, %add3A_12 : i32
    "tpu.region"() ({
      %run_scoped3A = tpu.sem_alloc : memref<!tpu.dma_semaphore, #tpu.memory_space<semaphore_mem>>
      %dma_start3A_40 = arith.constant 0 : i32
      %dma_start3A_41 = arith.constant 0 : i32
      %dma_start3A_42 = tpu.memref_slice %arg9[%dma_start3A_40, %dma_start3A_41] : memref<128x16xf32, #tpu.memory_space<vmem>> -> memref<56x16xf32, #tpu.memory_space<vmem>>
      %dma_start3A_43 = arith.constant 0 : i32
      %dma_start3A_44 = tpu.memref_slice %arg13[%add3A_13, %dma_start3A_43] : memref<50048x16xf32, #tpu.memory_space<vmem_shared>> -> memref<56x16xf32, #tpu.memory_space<vmem_shared>>
      %dma_start3A_45 = arith.constant 0 : i32
      %dma_start3A_46 = tpu.memref_slice %arg13[%add3A_13, %dma_start3A_45] : memref<50048x16xf32, #tpu.memory_space<vmem_shared>> -> memref<56x16xf32, #tpu.memory_space<vmem_shared>>
      %dma_start3A_47 = arith.constant 0 : i32
      %dma_start3A_48 = arith.constant 0 : i32
      %dma_start3A_49 = tpu.memref_slice %arg9[%dma_start3A_47, %dma_start3A_48] : memref<128x16xf32, #tpu.memory_space<vmem>> -> memref<56x16xf32, #tpu.memory_space<vmem>>
      tpu.enqueue_dma source(%dma_start3A_49 : memref<56x16xf32, #tpu.memory_space<vmem>>) target(%dma_start3A_46 : memref<56x16xf32, #tpu.memory_space<vmem_shared>>) target_semaphore(%run_scoped3A : memref<!tpu.dma_semaphore, #tpu.memory_space<semaphore_mem>>)
      %dma_wait3A = arith.constant 0 : i32
      %dma_wait3A_50 = arith.constant 0 : i32
      %dma_wait3A_51 = tpu.memref_slice %arg9[%dma_wait3A, %dma_wait3A_50] : memref<128x16xf32, #tpu.memory_space<vmem>> -> memref<56x16xf32, #tpu.memory_space<vmem>>
      %dma_wait3A_52 = arith.constant 0 : i32
      %dma_wait3A_53 = tpu.memref_slice %arg13[%add3A_13, %dma_wait3A_52] : memref<50048x16xf32, #tpu.memory_space<vmem_shared>> -> memref<56x16xf32, #tpu.memory_space<vmem_shared>>
      %dma_wait3A_54 = arith.constant 0 : i32
      %dma_wait3A_55 = tpu.memref_slice %arg13[%add3A_13, %dma_wait3A_54] : memref<50048x16xf32, #tpu.memory_space<vmem_shared>> -> memref<56x16xf32, #tpu.memory_space<vmem_shared>>
      %dma_wait3A_56 = arith.constant 0 : i32
      %dma_wait3A_57 = arith.constant 0 : i32
      %dma_wait3A_58 = tpu.memref_slice %arg9[%dma_wait3A_56, %dma_wait3A_57] : memref<128x16xf32, #tpu.memory_space<vmem>> -> memref<56x16xf32, #tpu.memory_space<vmem>>
      tpu.wait_dma2 semaphore(%run_scoped3A : memref<!tpu.dma_semaphore, #tpu.memory_space<semaphore_mem>>) src(%dma_wait3A_58 : memref<56x16xf32, #tpu.memory_space<vmem>>) dst(%dma_wait3A_55 : memref<56x16xf32, #tpu.memory_space<vmem_shared>>)
      tpu.yield
    }) : () -> ()
    %mul3A_14 = arith.constant 200 : i32
    %mul3A_15 = arith.muli %add3A, %mul3A_14 : i32
    "tpu.region"() ({
      %run_scoped3A = tpu.sem_alloc : memref<!tpu.dma_semaphore, #tpu.memory_space<semaphore_mem>>
      %dma_start3A_40 = arith.constant 0 : i32
      %dma_start3A_41 = tpu.memref_slice %arg3[%mul3A_15, %dma_start3A_40] : memref<6400x128xi32, #tpu.memory_space<hbm>> -> memref<200x128xi32, #tpu.memory_space<hbm>>
      %dma_start3A_42 = arith.constant 0 : i32
      %dma_start3A_43 = tpu.memref_slice %arg3[%mul3A_15, %dma_start3A_42] : memref<6400x128xi32, #tpu.memory_space<hbm>> -> memref<200x128xi32, #tpu.memory_space<hbm>>
      tpu.enqueue_dma source(%dma_start3A_43 : memref<200x128xi32, #tpu.memory_space<hbm>>) target(%arg7 : memref<200x128xi32, #tpu.memory_space<vmem>>) target_semaphore(%run_scoped3A : memref<!tpu.dma_semaphore, #tpu.memory_space<semaphore_mem>>)
      %dma_wait3A = arith.constant 0 : i32
      %dma_wait3A_44 = tpu.memref_slice %arg3[%mul3A_15, %dma_wait3A] : memref<6400x128xi32, #tpu.memory_space<hbm>> -> memref<200x128xi32, #tpu.memory_space<hbm>>
      %dma_wait3A_45 = arith.constant 0 : i32
      %dma_wait3A_46 = tpu.memref_slice %arg3[%mul3A_15, %dma_wait3A_45] : memref<6400x128xi32, #tpu.memory_space<hbm>> -> memref<200x128xi32, #tpu.memory_space<hbm>>
      tpu.wait_dma2 semaphore(%run_scoped3A : memref<!tpu.dma_semaphore, #tpu.memory_space<semaphore_mem>>) src(%dma_wait3A_46 : memref<200x128xi32, #tpu.memory_space<hbm>>) dst(%arg7 : memref<200x128xi32, #tpu.memory_space<vmem>>)
      tpu.yield
    }) : () -> ()
    "tpu.region"() ({
      %run_scoped3A = tpu.sem_alloc : memref<!tpu.dma_semaphore, #tpu.memory_space<semaphore_mem>>
      %dma_start3A_40 = arith.constant 0 : i32
      %dma_start3A_41 = tpu.memref_slice %arg4[%mul3A_15, %dma_start3A_40] : memref<6400x128xi32, #tpu.memory_space<hbm>> -> memref<200x128xi32, #tpu.memory_space<hbm>>
      %dma_start3A_42 = arith.constant 0 : i32
      %dma_start3A_43 = tpu.memref_slice %arg4[%mul3A_15, %dma_start3A_42] : memref<6400x128xi32, #tpu.memory_space<hbm>> -> memref<200x128xi32, #tpu.memory_space<hbm>>
      tpu.enqueue_dma source(%dma_start3A_43 : memref<200x128xi32, #tpu.memory_space<hbm>>) target(%arg8 : memref<200x128xi32, #tpu.memory_space<vmem>>) target_semaphore(%run_scoped3A : memref<!tpu.dma_semaphore, #tpu.memory_space<semaphore_mem>>)
      %dma_wait3A = arith.constant 0 : i32
      %dma_wait3A_44 = tpu.memref_slice %arg4[%mul3A_15, %dma_wait3A] : memref<6400x128xi32, #tpu.memory_space<hbm>> -> memref<200x128xi32, #tpu.memory_space<hbm>>
      %dma_wait3A_45 = arith.constant 0 : i32
      %dma_wait3A_46 = tpu.memref_slice %arg4[%mul3A_15, %dma_wait3A_45] : memref<6400x128xi32, #tpu.memory_space<hbm>> -> memref<200x128xi32, #tpu.memory_space<hbm>>
      tpu.wait_dma2 semaphore(%run_scoped3A : memref<!tpu.dma_semaphore, #tpu.memory_space<semaphore_mem>>) src(%dma_wait3A_46 : memref<200x128xi32, #tpu.memory_space<hbm>>) dst(%arg8 : memref<200x128xi32, #tpu.memory_space<vmem>>)
      tpu.yield
    }) : () -> ()
    %barrier3A = arith.constant 0 : index
    tpu.barrier barrier_id(%barrier3A)
    %dma_start3A = arith.constant 0 : i32
    %dma_start3A_16 = arith.constant 0 : i32
    %dma_start3A_17 = tpu.memref_slice %arg7[%dma_start3A, %dma_start3A_16] : memref<200x128xi32, #tpu.memory_space<vmem>> -> memref<1x128xi32, #tpu.memory_space<vmem>>
    %dma_start3A_18 = tpu.memref_squeeze %dma_start3A_17 : memref<1x128xi32, #tpu.memory_space<vmem>> -> memref<128xi32, #tpu.memory_space<vmem>>
    %dma_start3A_19 = arith.constant 0 : i32
    %dma_start3A_20 = arith.constant 0 : i32
    %dma_start3A_21 = tpu.memref_slice %arg2[%dma_start3A_19, %dma_start3A_20] : memref<50000x16xf32, #tpu.memory_space<hbm>> -> memref<50000x16xf32, #tpu.memory_space<hbm>>
    tpu.enqueue_indirect_dma source(%dma_start3A_21 : memref<50000x16xf32, #tpu.memory_space<hbm>>) target(%arg9 : memref<128x16xf32, #tpu.memory_space<vmem>>) offsets(%dma_start3A_18 : memref<128xi32, #tpu.memory_space<vmem>>) semaphore(%arg14 : memref<!tpu.dma_semaphore, #tpu.memory_space<semaphore_mem>>)
    %add3A_22 = arith.constant 0 : i32
    %add3A_23 = arith.addi %mul3A_15, %add3A_22 : i32
    %mul3A_24 = arith.constant 32 : i32
    %mul3A_25 = arith.muli %add3A_23, %mul3A_24 : i32
    %dma_start3A_26 = arith.constant 0 : i32
    %dma_start3A_27 = tpu.memref_slice %arg5[%mul3A_25, %dma_start3A_26] : memref<204800x128xf32, #tpu.memory_space<hbm>> -> memref<32x128xf32, #tpu.memory_space<hbm>>
    %dma_start3A_28 = arith.constant 0 : i32
    %dma_start3A_29 = tpu.memref_slice %arg5[%mul3A_25, %dma_start3A_28] : memref<204800x128xf32, #tpu.memory_space<hbm>> -> memref<32x128xf32, #tpu.memory_space<hbm>>
    tpu.enqueue_dma source(%dma_start3A_29 : memref<32x128xf32, #tpu.memory_space<hbm>>) target(%arg11 : memref<32x128xf32, #tpu.memory_space<vmem>>) target_semaphore(%arg16 : memref<!tpu.dma_semaphore, #tpu.memory_space<semaphore_mem>>)
    %scan3A_30 = arith.constant 0 : i32
    %scan3A_31 = arith.constant 100 : i32
    %scan3A_32 = arith.addi %scan3A_30, %scan3A_31 : i32
    %scan3A_33 = arith.constant 1 : i32
    scf.for %scan3A_40 = %scan3A_30 to %scan3A_32 step %scan3A_33  : i32 {
      %mul3A_41 = arith.constant 1 : i32
      %mul3A_42 = arith.muli %scan3A_40, %mul3A_41 : i32
      %add3A_43 = arith.constant 0 : i32
      %add3A_44 = arith.addi %add3A_43, %mul3A_42 : i32
      %mul3A_45 = arith.constant 2 : i32
      %mul3A_46 = arith.muli %mul3A_45, %add3A_44 : i32
      %add3A_47 = arith.constant 0 : i32
      %add3A_48 = arith.addi %mul3A_46, %add3A_47 : i32
      %dma_wait3A = arith.constant 0 : i32
      %dma_wait3A_49 = tpu.memref_slice %arg7[%add3A_48, %dma_wait3A] : memref<200x128xi32, #tpu.memory_space<vmem>> -> memref<1x128xi32, #tpu.memory_space<vmem>>
      %dma_wait3A_50 = tpu.memref_squeeze %dma_wait3A_49 : memref<1x128xi32, #tpu.memory_space<vmem>> -> memref<128xi32, #tpu.memory_space<vmem>>
      %dma_wait3A_51 = arith.constant 0 : i32
      %dma_wait3A_52 = arith.constant 0 : i32
      %dma_wait3A_53 = tpu.memref_slice %arg2[%dma_wait3A_51, %dma_wait3A_52] : memref<50000x16xf32, #tpu.memory_space<hbm>> -> memref<50000x16xf32, #tpu.memory_space<hbm>>
      tpu.wait_indirect_dma semaphore(%arg14 : memref<!tpu.dma_semaphore, #tpu.memory_space<semaphore_mem>>) src(%dma_wait3A_53 : memref<50000x16xf32, #tpu.memory_space<hbm>>) dst(%arg9 : memref<128x16xf32, #tpu.memory_space<vmem>>)
      %add3A_54 = arith.addi %mul3A_15, %add3A_48 : i32
      %mul3A_55 = arith.constant 32 : i32
      %mul3A_56 = arith.muli %add3A_54, %mul3A_55 : i32
      %dma_wait3A_57 = arith.constant 0 : i32
      %dma_wait3A_58 = tpu.memref_slice %arg5[%mul3A_56, %dma_wait3A_57] : memref<204800x128xf32, #tpu.memory_space<hbm>> -> memref<32x128xf32, #tpu.memory_space<hbm>>
      %dma_wait3A_59 = arith.constant 0 : i32
      %dma_wait3A_60 = tpu.memref_slice %arg5[%mul3A_56, %dma_wait3A_59] : memref<204800x128xf32, #tpu.memory_space<hbm>> -> memref<32x128xf32, #tpu.memory_space<hbm>>
      tpu.wait_dma2 semaphore(%arg16 : memref<!tpu.dma_semaphore, #tpu.memory_space<semaphore_mem>>) src(%dma_wait3A_60 : memref<32x128xf32, #tpu.memory_space<hbm>>) dst(%arg11 : memref<32x128xf32, #tpu.memory_space<vmem>>)
      %lt3A = arith.constant 199 : i32
      %lt3A_61 = arith.cmpi slt, %add3A_48, %lt3A : i32
      %convert_element_type3A = arith.extui %lt3A_61 : i1 to i32
      %cond3A = arith.constant 0 : i32
      %cond3A_62 = arith.cmpi ne, %convert_element_type3A, %cond3A : i32
      scf.if %cond3A_62 {
        %add3A_95 = arith.constant 1 : i32
        %add3A_96 = arith.addi %add3A_48, %add3A_95 : i32
        %dma_start3A_97 = arith.constant 0 : i32
        %dma_start3A_98 = tpu.memref_slice %arg7[%add3A_96, %dma_start3A_97] : memref<200x128xi32, #tpu.memory_space<vmem>> -> memref<1x128xi32, #tpu.memory_space<vmem>>
        %dma_start3A_99 = tpu.memref_squeeze %dma_start3A_98 : memref<1x128xi32, #tpu.memory_space<vmem>> -> memref<128xi32, #tpu.memory_space<vmem>>
        %dma_start3A_100 = arith.constant 0 : i32
        %dma_start3A_101 = arith.constant 0 : i32
        %dma_start3A_102 = tpu.memref_slice %arg2[%dma_start3A_100, %dma_start3A_101] : memref<50000x16xf32, #tpu.memory_space<hbm>> -> memref<50000x16xf32, #tpu.memory_space<hbm>>
        tpu.enqueue_indirect_dma source(%dma_start3A_102 : memref<50000x16xf32, #tpu.memory_space<hbm>>) target(%arg10 : memref<128x16xf32, #tpu.memory_space<vmem>>) offsets(%dma_start3A_99 : memref<128xi32, #tpu.memory_space<vmem>>) semaphore(%arg15 : memref<!tpu.dma_semaphore, #tpu.memory_space<semaphore_mem>>)
        %add3A_103 = arith.addi %mul3A_15, %add3A_96 : i32
        %mul3A_104 = arith.constant 32 : i32
        %mul3A_105 = arith.muli %add3A_103, %mul3A_104 : i32
        %dma_start3A_106 = arith.constant 0 : i32
        %dma_start3A_107 = tpu.memref_slice %arg5[%mul3A_105, %dma_start3A_106] : memref<204800x128xf32, #tpu.memory_space<hbm>> -> memref<32x128xf32, #tpu.memory_space<hbm>>
        %dma_start3A_108 = arith.constant 0 : i32
        %dma_start3A_109 = tpu.memref_slice %arg5[%mul3A_105, %dma_start3A_108] : memref<204800x128xf32, #tpu.memory_space<hbm>> -> memref<32x128xf32, #tpu.memory_space<hbm>>
        tpu.enqueue_dma source(%dma_start3A_109 : memref<32x128xf32, #tpu.memory_space<hbm>>) target(%arg12 : memref<32x128xf32, #tpu.memory_space<vmem>>) target_semaphore(%arg17 : memref<!tpu.dma_semaphore, #tpu.memory_space<semaphore_mem>>)
      } else {
      }
      %scan3A_63 = arith.constant 0 : i32
      %scan3A_64 = arith.constant 32 : i32
      %scan3A_65 = arith.addi %scan3A_63, %scan3A_64 : i32
      %scan3A_66 = arith.constant 1 : i32
      scf.for %scan3A_95 = %scan3A_63 to %scan3A_65 step %scan3A_66  : i32 {
        %mul3A_96 = arith.constant 1 : i32
        %mul3A_97 = arith.muli %scan3A_95, %mul3A_96 : i32
        %add3A_98 = arith.constant 0 : i32
        %add3A_99 = arith.addi %add3A_98, %mul3A_97 : i32
        %mul3A_100 = arith.constant 4 : i32
        %mul3A_101 = arith.muli %add3A_99, %mul3A_100 : i32
        %add3A_102 = arith.constant 0 : i32
        %add3A_103 = arith.addi %mul3A_101, %add3A_102 : i32
        %get3A = arith.index_cast %add3A_103 : i32 to index
        %get3A_104 = arith.constant 0 : index
        %get3A_105 = tpu.vector_load %arg9[%get3A, %get3A_104] {strides = array<i32>} : memref<128x16xf32, #tpu.memory_space<vmem>>, vector<1x16xf32>,
        %get3A_106 = vector.shape_cast %get3A_105 : vector<1x16xf32> to vector<16xf32>
        %get3A_107 = arith.index_cast %add3A_99 : i32 to index
        %get3A_108 = arith.constant 0 : index
        %get3A_109 = tpu.vector_load %arg11[%get3A_107, %get3A_108] {strides = array<i32>} : memref<32x128xf32, #tpu.memory_space<vmem>>, vector<1x16xf32>,
        %get3A_110 = vector.shape_cast %get3A_109 : vector<1x16xf32> to vector<16xf32>
        %add3A_111 = arith.addf %get3A_106, %get3A_110 : vector<16xf32>
        %max3A = arith.constant 0.000000e+00 : f32
        %max3A_112 = vector.broadcast %max3A : f32 to vector<16xf32>
        %max3A_113 = arith.maximumf %add3A_111, %max3A_112 : vector<16xf32>
        %mul3A_114 = arith.constant 4 : i32
        %mul3A_115 = arith.muli %add3A_99, %mul3A_114 : i32
        %add3A_116 = arith.constant 0 : i32
        %add3A_117 = arith.addi %mul3A_115, %add3A_116 : i32
        %swap3A = arith.index_cast %add3A_117 : i32 to index
        %swap3A_118 = arith.constant 0 : index
        %swap3A_119 = tpu.vector_load %arg9[%swap3A, %swap3A_118] {strides = array<i32>} : memref<128x16xf32, #tpu.memory_space<vmem>>, vector<1x16xf32>,
        %swap3A_120 = vector.shape_cast %swap3A_119 : vector<1x16xf32> to vector<16xf32>
        %swap3A_121 = vector.shape_cast %max3A_113 : vector<16xf32> to vector<1x16xf32>
        tpu.vector_store %arg9[%swap3A, %swap3A_118], %swap3A_121 {strides = array<i32>} : memref<128x16xf32, #tpu.memory_space<vmem>>, vector<1x16xf32>,
        %mul3A_122 = arith.constant 4 : i32
        %mul3A_123 = arith.muli %add3A_99, %mul3A_122 : i32
        %add3A_124 = arith.constant 1 : i32
        %add3A_125 = arith.addi %mul3A_123, %add3A_124 : i32
        %get3A_126 = arith.index_cast %add3A_125 : i32 to index
        %get3A_127 = arith.constant 0 : index
        %get3A_128 = tpu.vector_load %arg9[%get3A_126, %get3A_127] {strides = array<i32>} : memref<128x16xf32, #tpu.memory_space<vmem>>, vector<1x16xf32>,
        %get3A_129 = vector.shape_cast %get3A_128 : vector<1x16xf32> to vector<16xf32>
        %get3A_130 = arith.index_cast %add3A_99 : i32 to index
        %get3A_131 = arith.constant 16 : index
        %get3A_132 = tpu.vector_load %arg11[%get3A_130, %get3A_131] {strides = array<i32>} : memref<32x128xf32, #tpu.memory_space<vmem>>, vector<1x16xf32>,
        %get3A_133 = vector.shape_cast %get3A_132 : vector<1x16xf32> to vector<16xf32>
        %add3A_134 = arith.addf %get3A_129, %get3A_133 : vector<16xf32>
        %max3A_135 = arith.constant 0.000000e+00 : f32
        %max3A_136 = vector.broadcast %max3A_135 : f32 to vector<16xf32>
        %max3A_137 = arith.maximumf %add3A_134, %max3A_136 : vector<16xf32>
        %mul3A_138 = arith.constant 4 : i32
        %mul3A_139 = arith.muli %add3A_99, %mul3A_138 : i32
        %add3A_140 = arith.constant 1 : i32
        %add3A_141 = arith.addi %mul3A_139, %add3A_140 : i32
        %swap3A_142 = arith.index_cast %add3A_141 : i32 to index
        %swap3A_143 = arith.constant 0 : index
        %swap3A_144 = tpu.vector_load %arg9[%swap3A_142, %swap3A_143] {strides = array<i32>} : memref<128x16xf32, #tpu.memory_space<vmem>>, vector<1x16xf32>,
        %swap3A_145 = vector.shape_cast %swap3A_144 : vector<1x16xf32> to vector<16xf32>
        %swap3A_146 = vector.shape_cast %max3A_137 : vector<16xf32> to vector<1x16xf32>
        tpu.vector_store %arg9[%swap3A_142, %swap3A_143], %swap3A_146 {strides = array<i32>} : memref<128x16xf32, #tpu.memory_space<vmem>>, vector<1x16xf32>,
        %mul3A_147 = arith.constant 4 : i32
        %mul3A_148 = arith.muli %add3A_99, %mul3A_147 : i32
        %add3A_149 = arith.constant 2 : i32
        %add3A_150 = arith.addi %mul3A_148, %add3A_149 : i32
        %get3A_151 = arith.index_cast %add3A_150 : i32 to index
        %get3A_152 = arith.constant 0 : index
        %get3A_153 = tpu.vector_load %arg9[%get3A_151, %get3A_152] {strides = array<i32>} : memref<128x16xf32, #tpu.memory_space<vmem>>, vector<1x16xf32>,
        %get3A_154 = vector.shape_cast %get3A_153 : vector<1x16xf32> to vector<16xf32>
        %get3A_155 = arith.index_cast %add3A_99 : i32 to index
        %get3A_156 = arith.constant 32 : index
        %get3A_157 = tpu.vector_load %arg11[%get3A_155, %get3A_156] {strides = array<i32>} : memref<32x128xf32, #tpu.memory_space<vmem>>, vector<1x16xf32>,
        %get3A_158 = vector.shape_cast %get3A_157 : vector<1x16xf32> to vector<16xf32>
        %add3A_159 = arith.addf %get3A_154, %get3A_158 : vector<16xf32>
        %max3A_160 = arith.constant 0.000000e+00 : f32
        %max3A_161 = vector.broadcast %max3A_160 : f32 to vector<16xf32>
        %max3A_162 = arith.maximumf %add3A_159, %max3A_161 : vector<16xf32>
        %mul3A_163 = arith.constant 4 : i32
        %mul3A_164 = arith.muli %add3A_99, %mul3A_163 : i32
        %add3A_165 = arith.constant 2 : i32
        %add3A_166 = arith.addi %mul3A_164, %add3A_165 : i32
        %swap3A_167 = arith.index_cast %add3A_166 : i32 to index
        %swap3A_168 = arith.constant 0 : index
        %swap3A_169 = tpu.vector_load %arg9[%swap3A_167, %swap3A_168] {strides = array<i32>} : memref<128x16xf32, #tpu.memory_space<vmem>>, vector<1x16xf32>,
        %swap3A_170 = vector.shape_cast %swap3A_169 : vector<1x16xf32> to vector<16xf32>
        %swap3A_171 = vector.shape_cast %max3A_162 : vector<16xf32> to vector<1x16xf32>
        tpu.vector_store %arg9[%swap3A_167, %swap3A_168], %swap3A_171 {strides = array<i32>} : memref<128x16xf32, #tpu.memory_space<vmem>>, vector<1x16xf32>,
        %mul3A_172 = arith.constant 4 : i32
        %mul3A_173 = arith.muli %add3A_99, %mul3A_172 : i32
        %add3A_174 = arith.constant 3 : i32
        %add3A_175 = arith.addi %mul3A_173, %add3A_174 : i32
        %get3A_176 = arith.index_cast %add3A_175 : i32 to index
        %get3A_177 = arith.constant 0 : index
        %get3A_178 = tpu.vector_load %arg9[%get3A_176, %get3A_177] {strides = array<i32>} : memref<128x16xf32, #tpu.memory_space<vmem>>, vector<1x16xf32>,
        %get3A_179 = vector.shape_cast %get3A_178 : vector<1x16xf32> to vector<16xf32>
        %get3A_180 = arith.index_cast %add3A_99 : i32 to index
        %get3A_181 = arith.constant 48 : index
        %get3A_182 = tpu.vector_load %arg11[%get3A_180, %get3A_181] {strides = array<i32>} : memref<32x128xf32, #tpu.memory_space<vmem>>, vector<1x16xf32>,
        %get3A_183 = vector.shape_cast %get3A_182 : vector<1x16xf32> to vector<16xf32>
        %add3A_184 = arith.addf %get3A_179, %get3A_183 : vector<16xf32>
        %max3A_185 = arith.constant 0.000000e+00 : f32
        %max3A_186 = vector.broadcast %max3A_185 : f32 to vector<16xf32>
        %max3A_187 = arith.maximumf %add3A_184, %max3A_186 : vector<16xf32>
        %mul3A_188 = arith.constant 4 : i32
        %mul3A_189 = arith.muli %add3A_99, %mul3A_188 : i32
        %add3A_190 = arith.constant 3 : i32
        %add3A_191 = arith.addi %mul3A_189, %add3A_190 : i32
        %swap3A_192 = arith.index_cast %add3A_191 : i32 to index
        %swap3A_193 = arith.constant 0 : index
        %swap3A_194 = tpu.vector_load %arg9[%swap3A_192, %swap3A_193] {strides = array<i32>} : memref<128x16xf32, #tpu.memory_space<vmem>>, vector<1x16xf32>,
        %swap3A_195 = vector.shape_cast %swap3A_194 : vector<1x16xf32> to vector<16xf32>
        %swap3A_196 = vector.shape_cast %max3A_187 : vector<16xf32> to vector<1x16xf32>
        tpu.vector_store %arg9[%swap3A_192, %swap3A_193], %swap3A_196 {strides = array<i32>} : memref<128x16xf32, #tpu.memory_space<vmem>>, vector<1x16xf32>,
      }
      %scan3A_67 = arith.constant 32 : i32
      "tpu.region"() ({
        %run_scoped3A = tpu.sem_alloc : memref<!tpu.dma_semaphore, #tpu.memory_space<semaphore_mem>>
        %dma_start3A_95 = arith.constant 0 : i32
        %dma_start3A_96 = tpu.memref_slice %arg8[%add3A_48, %dma_start3A_95] : memref<200x128xi32, #tpu.memory_space<vmem>> -> memref<1x128xi32, #tpu.memory_space<vmem>>
        %dma_start3A_97 = tpu.memref_squeeze %dma_start3A_96 : memref<1x128xi32, #tpu.memory_space<vmem>> -> memref<128xi32, #tpu.memory_space<vmem>>
        %dma_start3A_98 = arith.constant 0 : i32
        %dma_start3A_99 = arith.constant 0 : i32
        %dma_start3A_100 = tpu.memref_slice %arg13[%dma_start3A_98, %dma_start3A_99] : memref<50048x16xf32, #tpu.memory_space<vmem_shared>> -> memref<50048x16xf32, #tpu.memory_space<vmem_shared>>
        tpu.enqueue_indirect_dma source(%arg9 : memref<128x16xf32, #tpu.memory_space<vmem>>) target(%dma_start3A_100 : memref<50048x16xf32, #tpu.memory_space<vmem_shared>>) offsets(%dma_start3A_97 : memref<128xi32, #tpu.memory_space<vmem>>) semaphore(%run_scoped3A : memref<!tpu.dma_semaphore, #tpu.memory_space<semaphore_mem>>) {add = true}
        %dma_wait3A_101 = arith.constant 0 : i32
        %dma_wait3A_102 = tpu.memref_slice %arg8[%add3A_48, %dma_wait3A_101] : memref<200x128xi32, #tpu.memory_space<vmem>> -> memref<1x128xi32, #tpu.memory_space<vmem>>
        %dma_wait3A_103 = tpu.memref_squeeze %dma_wait3A_102 : memref<1x128xi32, #tpu.memory_space<vmem>> -> memref<128xi32, #tpu.memory_space<vmem>>
        %dma_wait3A_104 = arith.constant 0 : i32
        %dma_wait3A_105 = arith.constant 0 : i32
        %dma_wait3A_106 = tpu.memref_slice %arg13[%dma_wait3A_104, %dma_wait3A_105] : memref<50048x16xf32, #tpu.memory_space<vmem_shared>> -> memref<50048x16xf32, #tpu.memory_space<vmem_shared>>
        tpu.wait_indirect_dma semaphore(%run_scoped3A : memref<!tpu.dma_semaphore, #tpu.memory_space<semaphore_mem>>) src(%arg9 : memref<128x16xf32, #tpu.memory_space<vmem>>) dst(%dma_wait3A_106 : memref<50048x16xf32, #tpu.memory_space<vmem_shared>>)
        tpu.yield
      }) : () -> ()
      %mul3A_68 = arith.constant 2 : i32
      %mul3A_69 = arith.muli %mul3A_68, %add3A_44 : i32
      %add3A_70 = arith.constant 1 : i32
      %add3A_71 = arith.addi %mul3A_69, %add3A_70 : i32
      %dma_wait3A_72 = arith.constant 0 : i32
      %dma_wait3A_73 = tpu.memref_slice %arg7[%add3A_71, %dma_wait3A_72] : memref<200x128xi32, #tpu.memory_space<vmem>> -> memref<1x128xi32, #tpu.memory_space<vmem>>
      %dma_wait3A_74 = tpu.memref_squeeze %dma_wait3A_73 : memref<1x128xi32, #tpu.memory_space<vmem>> -> memref<128xi32, #tpu.memory_space<vmem>>
      %dma_wait3A_75 = arith.constant 0 : i32
      %dma_wait3A_76 = arith.constant 0 : i32
      %dma_wait3A_77 = tpu.memref_slice %arg2[%dma_wait3A_75, %dma_wait3A_76] : memref<50000x16xf32, #tpu.memory_space<hbm>> -> memref<50000x16xf32, #tpu.memory_space<hbm>>
      tpu.wait_indirect_dma semaphore(%arg15 : memref<!tpu.dma_semaphore, #tpu.memory_space<semaphore_mem>>) src(%dma_wait3A_77 : memref<50000x16xf32, #tpu.memory_space<hbm>>) dst(%arg10 : memref<128x16xf32, #tpu.memory_space<vmem>>)
      %add3A_78 = arith.addi %mul3A_15, %add3A_71 : i32
      %mul3A_79 = arith.constant 32 : i32
      %mul3A_80 = arith.muli %add3A_78, %mul3A_79 : i32
      %dma_wait3A_81 = arith.constant 0 : i32
      %dma_wait3A_82 = tpu.memref_slice %arg5[%mul3A_80, %dma_wait3A_81] : memref<204800x128xf32, #tpu.memory_space<hbm>> -> memref<32x128xf32, #tpu.memory_space<hbm>>
      %dma_wait3A_83 = arith.constant 0 : i32
      %dma_wait3A_84 = tpu.memref_slice %arg5[%mul3A_80, %dma_wait3A_83] : memref<204800x128xf32, #tpu.memory_space<hbm>> -> memref<32x128xf32, #tpu.memory_space<hbm>>
      tpu.wait_dma2 semaphore(%arg17 : memref<!tpu.dma_semaphore, #tpu.memory_space<semaphore_mem>>) src(%dma_wait3A_84 : memref<32x128xf32, #tpu.memory_space<hbm>>) dst(%arg12 : memref<32x128xf32, #tpu.memory_space<vmem>>)
      %lt3A_85 = arith.constant 199 : i32
      %lt3A_86 = arith.cmpi slt, %add3A_71, %lt3A_85 : i32
      %convert_element_type3A_87 = arith.extui %lt3A_86 : i1 to i32
      %cond3A_88 = arith.constant 0 : i32
      %cond3A_89 = arith.cmpi ne, %convert_element_type3A_87, %cond3A_88 : i32
      scf.if %cond3A_89 {
        %add3A_95 = arith.constant 1 : i32
        %add3A_96 = arith.addi %add3A_71, %add3A_95 : i32
        %dma_start3A_97 = arith.constant 0 : i32
        %dma_start3A_98 = tpu.memref_slice %arg7[%add3A_96, %dma_start3A_97] : memref<200x128xi32, #tpu.memory_space<vmem>> -> memref<1x128xi32, #tpu.memory_space<vmem>>
        %dma_start3A_99 = tpu.memref_squeeze %dma_start3A_98 : memref<1x128xi32, #tpu.memory_space<vmem>> -> memref<128xi32, #tpu.memory_space<vmem>>
        %dma_start3A_100 = arith.constant 0 : i32
        %dma_start3A_101 = arith.constant 0 : i32
        %dma_start3A_102 = tpu.memref_slice %arg2[%dma_start3A_100, %dma_start3A_101] : memref<50000x16xf32, #tpu.memory_space<hbm>> -> memref<50000x16xf32, #tpu.memory_space<hbm>>
        tpu.enqueue_indirect_dma source(%dma_start3A_102 : memref<50000x16xf32, #tpu.memory_space<hbm>>) target(%arg9 : memref<128x16xf32, #tpu.memory_space<vmem>>) offsets(%dma_start3A_99 : memref<128xi32, #tpu.memory_space<vmem>>) semaphore(%arg14 : memref<!tpu.dma_semaphore, #tpu.memory_space<semaphore_mem>>)
        %add3A_103 = arith.addi %mul3A_15, %add3A_96 : i32
        %mul3A_104 = arith.constant 32 : i32
        %mul3A_105 = arith.muli %add3A_103, %mul3A_104 : i32
        %dma_start3A_106 = arith.constant 0 : i32
        %dma_start3A_107 = tpu.memref_slice %arg5[%mul3A_105, %dma_start3A_106] : memref<204800x128xf32, #tpu.memory_space<hbm>> -> memref<32x128xf32, #tpu.memory_space<hbm>>
        %dma_start3A_108 = arith.constant 0 : i32
        %dma_start3A_109 = tpu.memref_slice %arg5[%mul3A_105, %dma_start3A_108] : memref<204800x128xf32, #tpu.memory_space<hbm>> -> memref<32x128xf32, #tpu.memory_space<hbm>>
        tpu.enqueue_dma source(%dma_start3A_109 : memref<32x128xf32, #tpu.memory_space<hbm>>) target(%arg11 : memref<32x128xf32, #tpu.memory_space<vmem>>) target_semaphore(%arg16 : memref<!tpu.dma_semaphore, #tpu.memory_space<semaphore_mem>>)
      } else {
      }
      %scan3A_90 = arith.constant 0 : i32
      %scan3A_91 = arith.constant 32 : i32
      %scan3A_92 = arith.addi %scan3A_90, %scan3A_91 : i32
      %scan3A_93 = arith.constant 1 : i32
      scf.for %scan3A_95 = %scan3A_90 to %scan3A_92 step %scan3A_93  : i32 {
        %mul3A_96 = arith.constant 1 : i32
        %mul3A_97 = arith.muli %scan3A_95, %mul3A_96 : i32
        %add3A_98 = arith.constant 0 : i32
        %add3A_99 = arith.addi %add3A_98, %mul3A_97 : i32
        %mul3A_100 = arith.constant 4 : i32
        %mul3A_101 = arith.muli %add3A_99, %mul3A_100 : i32
        %add3A_102 = arith.constant 0 : i32
        %add3A_103 = arith.addi %mul3A_101, %add3A_102 : i32
        %get3A = arith.index_cast %add3A_103 : i32 to index
        %get3A_104 = arith.constant 0 : index
        %get3A_105 = tpu.vector_load %arg10[%get3A, %get3A_104] {strides = array<i32>} : memref<128x16xf32, #tpu.memory_space<vmem>>, vector<1x16xf32>,
        %get3A_106 = vector.shape_cast %get3A_105 : vector<1x16xf32> to vector<16xf32>
        %get3A_107 = arith.index_cast %add3A_99 : i32 to index
        %get3A_108 = arith.constant 0 : index
        %get3A_109 = tpu.vector_load %arg12[%get3A_107, %get3A_108] {strides = array<i32>} : memref<32x128xf32, #tpu.memory_space<vmem>>, vector<1x16xf32>,
        %get3A_110 = vector.shape_cast %get3A_109 : vector<1x16xf32> to vector<16xf32>
        %add3A_111 = arith.addf %get3A_106, %get3A_110 : vector<16xf32>
        %max3A = arith.constant 0.000000e+00 : f32
        %max3A_112 = vector.broadcast %max3A : f32 to vector<16xf32>
        %max3A_113 = arith.maximumf %add3A_111, %max3A_112 : vector<16xf32>
        %mul3A_114 = arith.constant 4 : i32
        %mul3A_115 = arith.muli %add3A_99, %mul3A_114 : i32
        %add3A_116 = arith.constant 0 : i32
        %add3A_117 = arith.addi %mul3A_115, %add3A_116 : i32
        %swap3A = arith.index_cast %add3A_117 : i32 to index
        %swap3A_118 = arith.constant 0 : index
        %swap3A_119 = tpu.vector_load %arg10[%swap3A, %swap3A_118] {strides = array<i32>} : memref<128x16xf32, #tpu.memory_space<vmem>>, vector<1x16xf32>,
        %swap3A_120 = vector.shape_cast %swap3A_119 : vector<1x16xf32> to vector<16xf32>
        %swap3A_121 = vector.shape_cast %max3A_113 : vector<16xf32> to vector<1x16xf32>
        tpu.vector_store %arg10[%swap3A, %swap3A_118], %swap3A_121 {strides = array<i32>} : memref<128x16xf32, #tpu.memory_space<vmem>>, vector<1x16xf32>,
        %mul3A_122 = arith.constant 4 : i32
        %mul3A_123 = arith.muli %add3A_99, %mul3A_122 : i32
        %add3A_124 = arith.constant 1 : i32
        %add3A_125 = arith.addi %mul3A_123, %add3A_124 : i32
        %get3A_126 = arith.index_cast %add3A_125 : i32 to index
        %get3A_127 = arith.constant 0 : index
        %get3A_128 = tpu.vector_load %arg10[%get3A_126, %get3A_127] {strides = array<i32>} : memref<128x16xf32, #tpu.memory_space<vmem>>, vector<1x16xf32>,
        %get3A_129 = vector.shape_cast %get3A_128 : vector<1x16xf32> to vector<16xf32>
        %get3A_130 = arith.index_cast %add3A_99 : i32 to index
        %get3A_131 = arith.constant 16 : index
        %get3A_132 = tpu.vector_load %arg12[%get3A_130, %get3A_131] {strides = array<i32>} : memref<32x128xf32, #tpu.memory_space<vmem>>, vector<1x16xf32>,
        %get3A_133 = vector.shape_cast %get3A_132 : vector<1x16xf32> to vector<16xf32>
        %add3A_134 = arith.addf %get3A_129, %get3A_133 : vector<16xf32>
        %max3A_135 = arith.constant 0.000000e+00 : f32
        %max3A_136 = vector.broadcast %max3A_135 : f32 to vector<16xf32>
        %max3A_137 = arith.maximumf %add3A_134, %max3A_136 : vector<16xf32>
        %mul3A_138 = arith.constant 4 : i32
        %mul3A_139 = arith.muli %add3A_99, %mul3A_138 : i32
        %add3A_140 = arith.constant 1 : i32
        %add3A_141 = arith.addi %mul3A_139, %add3A_140 : i32
        %swap3A_142 = arith.index_cast %add3A_141 : i32 to index
        %swap3A_143 = arith.constant 0 : index
        %swap3A_144 = tpu.vector_load %arg10[%swap3A_142, %swap3A_143] {strides = array<i32>} : memref<128x16xf32, #tpu.memory_space<vmem>>, vector<1x16xf32>,
        %swap3A_145 = vector.shape_cast %swap3A_144 : vector<1x16xf32> to vector<16xf32>
        %swap3A_146 = vector.shape_cast %max3A_137 : vector<16xf32> to vector<1x16xf32>
        tpu.vector_store %arg10[%swap3A_142, %swap3A_143], %swap3A_146 {strides = array<i32>} : memref<128x16xf32, #tpu.memory_space<vmem>>, vector<1x16xf32>,
        %mul3A_147 = arith.constant 4 : i32
        %mul3A_148 = arith.muli %add3A_99, %mul3A_147 : i32
        %add3A_149 = arith.constant 2 : i32
        %add3A_150 = arith.addi %mul3A_148, %add3A_149 : i32
        %get3A_151 = arith.index_cast %add3A_150 : i32 to index
        %get3A_152 = arith.constant 0 : index
        %get3A_153 = tpu.vector_load %arg10[%get3A_151, %get3A_152] {strides = array<i32>} : memref<128x16xf32, #tpu.memory_space<vmem>>, vector<1x16xf32>,
        %get3A_154 = vector.shape_cast %get3A_153 : vector<1x16xf32> to vector<16xf32>
        %get3A_155 = arith.index_cast %add3A_99 : i32 to index
        %get3A_156 = arith.constant 32 : index
        %get3A_157 = tpu.vector_load %arg12[%get3A_155, %get3A_156] {strides = array<i32>} : memref<32x128xf32, #tpu.memory_space<vmem>>, vector<1x16xf32>,
        %get3A_158 = vector.shape_cast %get3A_157 : vector<1x16xf32> to vector<16xf32>
        %add3A_159 = arith.addf %get3A_154, %get3A_158 : vector<16xf32>
        %max3A_160 = arith.constant 0.000000e+00 : f32
        %max3A_161 = vector.broadcast %max3A_160 : f32 to vector<16xf32>
        %max3A_162 = arith.maximumf %add3A_159, %max3A_161 : vector<16xf32>
        %mul3A_163 = arith.constant 4 : i32
        %mul3A_164 = arith.muli %add3A_99, %mul3A_163 : i32
        %add3A_165 = arith.constant 2 : i32
        %add3A_166 = arith.addi %mul3A_164, %add3A_165 : i32
        %swap3A_167 = arith.index_cast %add3A_166 : i32 to index
        %swap3A_168 = arith.constant 0 : index
        %swap3A_169 = tpu.vector_load %arg10[%swap3A_167, %swap3A_168] {strides = array<i32>} : memref<128x16xf32, #tpu.memory_space<vmem>>, vector<1x16xf32>,
        %swap3A_170 = vector.shape_cast %swap3A_169 : vector<1x16xf32> to vector<16xf32>
        %swap3A_171 = vector.shape_cast %max3A_162 : vector<16xf32> to vector<1x16xf32>
        tpu.vector_store %arg10[%swap3A_167, %swap3A_168], %swap3A_171 {strides = array<i32>} : memref<128x16xf32, #tpu.memory_space<vmem>>, vector<1x16xf32>,
        %mul3A_172 = arith.constant 4 : i32
        %mul3A_173 = arith.muli %add3A_99, %mul3A_172 : i32
        %add3A_174 = arith.constant 3 : i32
        %add3A_175 = arith.addi %mul3A_173, %add3A_174 : i32
        %get3A_176 = arith.index_cast %add3A_175 : i32 to index
        %get3A_177 = arith.constant 0 : index
        %get3A_178 = tpu.vector_load %arg10[%get3A_176, %get3A_177] {strides = array<i32>} : memref<128x16xf32, #tpu.memory_space<vmem>>, vector<1x16xf32>,
        %get3A_179 = vector.shape_cast %get3A_178 : vector<1x16xf32> to vector<16xf32>
        %get3A_180 = arith.index_cast %add3A_99 : i32 to index
        %get3A_181 = arith.constant 48 : index
        %get3A_182 = tpu.vector_load %arg12[%get3A_180, %get3A_181] {strides = array<i32>} : memref<32x128xf32, #tpu.memory_space<vmem>>, vector<1x16xf32>,
        %get3A_183 = vector.shape_cast %get3A_182 : vector<1x16xf32> to vector<16xf32>
        %add3A_184 = arith.addf %get3A_179, %get3A_183 : vector<16xf32>
        %max3A_185 = arith.constant 0.000000e+00 : f32
        %max3A_186 = vector.broadcast %max3A_185 : f32 to vector<16xf32>
        %max3A_187 = arith.maximumf %add3A_184, %max3A_186 : vector<16xf32>
        %mul3A_188 = arith.constant 4 : i32
        %mul3A_189 = arith.muli %add3A_99, %mul3A_188 : i32
        %add3A_190 = arith.constant 3 : i32
        %add3A_191 = arith.addi %mul3A_189, %add3A_190 : i32
        %swap3A_192 = arith.index_cast %add3A_191 : i32 to index
        %swap3A_193 = arith.constant 0 : index
        %swap3A_194 = tpu.vector_load %arg10[%swap3A_192, %swap3A_193] {strides = array<i32>} : memref<128x16xf32, #tpu.memory_space<vmem>>, vector<1x16xf32>,
        %swap3A_195 = vector.shape_cast %swap3A_194 : vector<1x16xf32> to vector<16xf32>
        %swap3A_196 = vector.shape_cast %max3A_187 : vector<16xf32> to vector<1x16xf32>
        tpu.vector_store %arg10[%swap3A_192, %swap3A_193], %swap3A_196 {strides = array<i32>} : memref<128x16xf32, #tpu.memory_space<vmem>>, vector<1x16xf32>,
      }
      %scan3A_94 = arith.constant 32 : i32
      "tpu.region"() ({
        %run_scoped3A = tpu.sem_alloc : memref<!tpu.dma_semaphore, #tpu.memory_space<semaphore_mem>>
        %dma_start3A_95 = arith.constant 0 : i32
        %dma_start3A_96 = tpu.memref_slice %arg8[%add3A_71, %dma_start3A_95] : memref<200x128xi32, #tpu.memory_space<vmem>> -> memref<1x128xi32, #tpu.memory_space<vmem>>
        %dma_start3A_97 = tpu.memref_squeeze %dma_start3A_96 : memref<1x128xi32, #tpu.memory_space<vmem>> -> memref<128xi32, #tpu.memory_space<vmem>>
        %dma_start3A_98 = arith.constant 0 : i32
        %dma_start3A_99 = arith.constant 0 : i32
        %dma_start3A_100 = tpu.memref_slice %arg13[%dma_start3A_98, %dma_start3A_99] : memref<50048x16xf32, #tpu.memory_space<vmem_shared>> -> memref<50048x16xf32, #tpu.memory_space<vmem_shared>>
        tpu.enqueue_indirect_dma source(%arg10 : memref<128x16xf32, #tpu.memory_space<vmem>>) target(%dma_start3A_100 : memref<50048x16xf32, #tpu.memory_space<vmem_shared>>) offsets(%dma_start3A_97 : memref<128xi32, #tpu.memory_space<vmem>>) semaphore(%run_scoped3A : memref<!tpu.dma_semaphore, #tpu.memory_space<semaphore_mem>>) {add = true}
        %dma_wait3A_101 = arith.constant 0 : i32
        %dma_wait3A_102 = tpu.memref_slice %arg8[%add3A_71, %dma_wait3A_101] : memref<200x128xi32, #tpu.memory_space<vmem>> -> memref<1x128xi32, #tpu.memory_space<vmem>>
        %dma_wait3A_103 = tpu.memref_squeeze %dma_wait3A_102 : memref<1x128xi32, #tpu.memory_space<vmem>> -> memref<128xi32, #tpu.memory_space<vmem>>
        %dma_wait3A_104 = arith.constant 0 : i32
        %dma_wait3A_105 = arith.constant 0 : i32
        %dma_wait3A_106 = tpu.memref_slice %arg13[%dma_wait3A_104, %dma_wait3A_105] : memref<50048x16xf32, #tpu.memory_space<vmem_shared>> -> memref<50048x16xf32, #tpu.memory_space<vmem_shared>>
        tpu.wait_indirect_dma semaphore(%run_scoped3A : memref<!tpu.dma_semaphore, #tpu.memory_space<semaphore_mem>>) src(%arg10 : memref<128x16xf32, #tpu.memory_space<vmem>>) dst(%dma_wait3A_106 : memref<50048x16xf32, #tpu.memory_space<vmem_shared>>)
        tpu.yield
      }) : () -> ()
    }
    %scan3A_34 = arith.constant 100 : i32
    %barrier3A_35 = arith.constant 0 : index
    tpu.barrier barrier_id(%barrier3A_35)
    %mul3A_36 = arith.constant 3128 : i32
    %mul3A_37 = arith.muli %arg1, %mul3A_36 : i32
    %mul3A_38 = arith.constant 3128 : i32
    %mul3A_39 = arith.muli %arg1, %mul3A_38 : i32
    "tpu.region"() ({
      %run_scoped3A = tpu.sem_alloc : memref<!tpu.dma_semaphore, #tpu.memory_space<semaphore_mem>>
      %dma_start3A_40 = arith.constant 0 : i32
      %dma_start3A_41 = tpu.memref_slice %arg6[%arg0, %mul3A_39, %dma_start3A_40] : memref<2x50048x16xf32, #tpu.memory_space<hbm>> -> memref<1x3128x16xf32, #tpu.memory_space<hbm>>
      %dma_start3A_42 = tpu.memref_squeeze %dma_start3A_41 : memref<1x3128x16xf32, #tpu.memory_space<hbm>> -> memref<3128x16xf32, #tpu.memory_space<hbm>>
      %dma_start3A_43 = arith.constant 0 : i32
      %dma_start3A_44 = tpu.memref_slice %arg13[%mul3A_37, %dma_start3A_43] : memref<50048x16xf32, #tpu.memory_space<vmem_shared>> -> memref<3128x16xf32, #tpu.memory_space<vmem_shared>>
      tpu.enqueue_dma source(%dma_start3A_44 : memref<3128x16xf32, #tpu.memory_space<vmem_shared>>) target(%dma_start3A_42 : memref<3128x16xf32, #tpu.memory_space<hbm>>) target_semaphore(%run_scoped3A : memref<!tpu.dma_semaphore, #tpu.memory_space<semaphore_mem>>)
      %dma_wait3A = arith.constant 0 : i32
      %dma_wait3A_45 = tpu.memref_slice %arg6[%arg0, %mul3A_39, %dma_wait3A] : memref<2x50048x16xf32, #tpu.memory_space<hbm>> -> memref<1x3128x16xf32, #tpu.memory_space<hbm>>
      %dma_wait3A_46 = tpu.memref_squeeze %dma_wait3A_45 : memref<1x3128x16xf32, #tpu.memory_space<hbm>> -> memref<3128x16xf32, #tpu.memory_space<hbm>>
      %dma_wait3A_47 = arith.constant 0 : i32
      %dma_wait3A_48 = tpu.memref_slice %arg13[%mul3A_37, %dma_wait3A_47] : memref<50048x16xf32, #tpu.memory_space<vmem_shared>> -> memref<3128x16xf32, #tpu.memory_space<vmem_shared>>
      tpu.wait_dma2 semaphore(%run_scoped3A : memref<!tpu.dma_semaphore, #tpu.memory_space<semaphore_mem>>) src(%dma_wait3A_48 : memref<3128x16xf32, #tpu.memory_space<vmem_shared>>) dst(%dma_wait3A_46 : memref<3128x16xf32, #tpu.memory_space<hbm>>)
      tpu.yield
    }) : () -> ()
    return
  }
}

module attributes {stable_mosaic.version = 14 : i64} {
  func.func @_edge_body(%arg0: i32, %arg1: memref<4x4096xf32, #tpu.memory_space<vmem>>, %arg2: memref<4x4096xf32, #tpu.memory_space<vmem>>, %arg3: memref<4x4096xf32, #tpu.memory_space<vmem>>, %arg4: memref<4x4096xf32, #tpu.memory_space<vmem>>, %arg5: memref<4x80xf32, #tpu.memory_space<vmem>>, %arg6: memref<1x80xf32, #tpu.memory_space<vmem>>, %arg7: memref<4096x128xf32, #tpu.memory_space<vmem>>, %arg8: memref<2x4096x128xf32, #tpu.memory_space<vmem>>) attributes {dimension_semantics = [#tpu.dimension_semantics<arbitrary>], iteration_bounds = array<i64: 50>, scalar_prefetch = 0 : i64, scratch_operands = 0 : i64, tpu.core_type = #tpu.core_type<tc>, window_params = [{transform_indices = @transform_0, window_bounds = array<i64: 4, 4096>}, {transform_indices = @transform_1, window_bounds = array<i64: 4, 4096>}, {transform_indices = @transform_2, window_bounds = array<i64: 4, 4096>}, {transform_indices = @transform_3, window_bounds = array<i64: 4, 4096>}, {pipeline_mode = #tpu.pipeline_mode<synchronous>, transform_indices = @transform_4, window_bounds = array<i64: 4, 80>}, {pipeline_mode = #tpu.pipeline_mode<synchronous>, transform_indices = @transform_5, window_bounds = array<i64: 1, 80>}, {transform_indices = @transform_6, window_bounds = array<i64: 4096, 128>}, {transform_indices = @transform_7, window_bounds = array<i64: 2, 4096, 128>}]} {
    %get3A = arith.constant 0 : index
    %get3A_0 = arith.constant 0 : index
    %get3A_1 = vector.load %arg1[%get3A, %get3A_0] : memref<4x4096xf32, #tpu.memory_space<vmem>>, vector<4x4096xf32>
    %get3A_2 = arith.constant 0 : index
    %get3A_3 = arith.constant 0 : index
    %get3A_4 = vector.load %arg5[%get3A_2, %get3A_3] : memref<4x80xf32, #tpu.memory_space<vmem>>, vector<4x80xf32>
    %dot_general3A = arith.constant dense<0.000000e+00> : vector<4096x80xf32>
    %dot_general3A_5 = tpu.matmul %get3A_1, %get3A_4, %dot_general3A {dimension_numbers = #tpu.dot_dimension_numbers<[0], [0], [1], [1], [0, 1, 1, 1], [], []>, transpose_lhs_hint = false} : vector<4x4096xf32>, vector<4x80xf32>, vector<4096x80xf32> -> vector<4096x80xf32>
    %get3A_6 = arith.constant 0 : index
    %get3A_7 = arith.constant 0 : index
    %get3A_8 = vector.load %arg6[%get3A_6, %get3A_7] : memref<1x80xf32, #tpu.memory_space<vmem>>, vector<1x80xf32>
    %add3A = vector.broadcast %get3A_8 : vector<1x80xf32> to vector<4096x80xf32>
    %add3A_9 = arith.addf %dot_general3A_5, %add3A : vector<4096x80xf32>
    %slice3A = vector.extract_strided_slice %add3A_9 {offsets = [0, 0], sizes = [4096, 16], strides = [1, 1]} : vector<4096x80xf32> to vector<4096x16xf32>
    %swap3A = arith.constant 0 : index
    %swap3A_10 = arith.constant 0 : index
    %swap3A_11 = vector.load %arg7[%swap3A, %swap3A_10] : memref<4096x128xf32, #tpu.memory_space<vmem>>, vector<4096x16xf32>
    tpu.vector_store %arg7[%swap3A, %swap3A_10], %slice3A {strides = array<i32>} : memref<4096x128xf32, #tpu.memory_space<vmem>>, vector<4096x16xf32>,
    %slice3A_12 = vector.extract_strided_slice %add3A_9 {offsets = [0, 16], sizes = [4096, 32], strides = [1, 1]} : vector<4096x80xf32> to vector<4096x32xf32>
    %swap3A_13 = arith.constant 0 : index
    %swap3A_14 = arith.constant 0 : index
    %swap3A_15 = arith.constant 0 : index
    %swap3A_16 = vector.load %arg8[%swap3A_13, %swap3A_14, %swap3A_15] : memref<2x4096x128xf32, #tpu.memory_space<vmem>>, vector<1x4096x32xf32>
    %swap3A_17 = vector.shape_cast %swap3A_16 : vector<1x4096x32xf32> to vector<4096x32xf32>
    %swap3A_18 = vector.shape_cast %slice3A_12 : vector<4096x32xf32> to vector<1x4096x32xf32>
    tpu.vector_store %arg8[%swap3A_13, %swap3A_14, %swap3A_15], %swap3A_18 {strides = array<i32>} : memref<2x4096x128xf32, #tpu.memory_space<vmem>>, vector<1x4096x32xf32>,
    %slice3A_19 = vector.extract_strided_slice %add3A_9 {offsets = [0, 48], sizes = [4096, 32], strides = [1, 1]} : vector<4096x80xf32> to vector<4096x32xf32>
    %swap3A_20 = arith.constant 1 : index
    %swap3A_21 = arith.constant 0 : index
    %swap3A_22 = arith.constant 0 : index
    %swap3A_23 = vector.load %arg8[%swap3A_20, %swap3A_21, %swap3A_22] : memref<2x4096x128xf32, #tpu.memory_space<vmem>>, vector<1x4096x32xf32>
    %swap3A_24 = vector.shape_cast %swap3A_23 : vector<1x4096x32xf32> to vector<4096x32xf32>
    %swap3A_25 = vector.shape_cast %slice3A_19 : vector<4096x32xf32> to vector<1x4096x32xf32>
    tpu.vector_store %arg8[%swap3A_20, %swap3A_21, %swap3A_22], %swap3A_25 {strides = array<i32>} : memref<2x4096x128xf32, #tpu.memory_space<vmem>>, vector<1x4096x32xf32>,
    %get3A_26 = arith.constant 0 : index
    %get3A_27 = arith.constant 0 : index
    %get3A_28 = vector.load %arg2[%get3A_26, %get3A_27] : memref<4x4096xf32, #tpu.memory_space<vmem>>, vector<4x4096xf32>
    %get3A_29 = arith.constant 0 : index
    %get3A_30 = arith.constant 0 : index
    %get3A_31 = vector.load %arg5[%get3A_29, %get3A_30] : memref<4x80xf32, #tpu.memory_space<vmem>>, vector<4x80xf32>
    %dot_general3A_32 = arith.constant dense<0.000000e+00> : vector<4096x80xf32>
    %dot_general3A_33 = tpu.matmul %get3A_28, %get3A_31, %dot_general3A_32 {dimension_numbers = #tpu.dot_dimension_numbers<[0], [0], [1], [1], [0, 1, 1, 1], [], []>, transpose_lhs_hint = false} : vector<4x4096xf32>, vector<4x80xf32>, vector<4096x80xf32> -> vector<4096x80xf32>
    %get3A_34 = arith.constant 0 : index
    %get3A_35 = arith.constant 0 : index
    %get3A_36 = vector.load %arg6[%get3A_34, %get3A_35] : memref<1x80xf32, #tpu.memory_space<vmem>>, vector<1x80xf32>
    %add3A_37 = vector.broadcast %get3A_36 : vector<1x80xf32> to vector<4096x80xf32>
    %add3A_38 = arith.addf %dot_general3A_33, %add3A_37 : vector<4096x80xf32>
    %slice3A_39 = vector.extract_strided_slice %add3A_38 {offsets = [0, 0], sizes = [4096, 16], strides = [1, 1]} : vector<4096x80xf32> to vector<4096x16xf32>
    %swap3A_40 = arith.constant 0 : index
    %swap3A_41 = arith.constant 16 : index
    %swap3A_42 = vector.load %arg7[%swap3A_40, %swap3A_41] : memref<4096x128xf32, #tpu.memory_space<vmem>>, vector<4096x16xf32>
    tpu.vector_store %arg7[%swap3A_40, %swap3A_41], %slice3A_39 {strides = array<i32>} : memref<4096x128xf32, #tpu.memory_space<vmem>>, vector<4096x16xf32>,
    %slice3A_43 = vector.extract_strided_slice %add3A_38 {offsets = [0, 16], sizes = [4096, 32], strides = [1, 1]} : vector<4096x80xf32> to vector<4096x32xf32>
    %swap3A_44 = arith.constant 0 : index
    %swap3A_45 = arith.constant 0 : index
    %swap3A_46 = arith.constant 32 : index
    %swap3A_47 = vector.load %arg8[%swap3A_44, %swap3A_45, %swap3A_46] : memref<2x4096x128xf32, #tpu.memory_space<vmem>>, vector<1x4096x32xf32>
    %swap3A_48 = vector.shape_cast %swap3A_47 : vector<1x4096x32xf32> to vector<4096x32xf32>
    %swap3A_49 = vector.shape_cast %slice3A_43 : vector<4096x32xf32> to vector<1x4096x32xf32>
    tpu.vector_store %arg8[%swap3A_44, %swap3A_45, %swap3A_46], %swap3A_49 {strides = array<i32>} : memref<2x4096x128xf32, #tpu.memory_space<vmem>>, vector<1x4096x32xf32>,
    %slice3A_50 = vector.extract_strided_slice %add3A_38 {offsets = [0, 48], sizes = [4096, 32], strides = [1, 1]} : vector<4096x80xf32> to vector<4096x32xf32>
    %swap3A_51 = arith.constant 1 : index
    %swap3A_52 = arith.constant 0 : index
    %swap3A_53 = arith.constant 32 : index
    %swap3A_54 = vector.load %arg8[%swap3A_51, %swap3A_52, %swap3A_53] : memref<2x4096x128xf32, #tpu.memory_space<vmem>>, vector<1x4096x32xf32>
    %swap3A_55 = vector.shape_cast %swap3A_54 : vector<1x4096x32xf32> to vector<4096x32xf32>
    %swap3A_56 = vector.shape_cast %slice3A_50 : vector<4096x32xf32> to vector<1x4096x32xf32>
    tpu.vector_store %arg8[%swap3A_51, %swap3A_52, %swap3A_53], %swap3A_56 {strides = array<i32>} : memref<2x4096x128xf32, #tpu.memory_space<vmem>>, vector<1x4096x32xf32>,
    %get3A_57 = arith.constant 0 : index
    %get3A_58 = arith.constant 0 : index
    %get3A_59 = vector.load %arg3[%get3A_57, %get3A_58] : memref<4x4096xf32, #tpu.memory_space<vmem>>, vector<4x4096xf32>
    %get3A_60 = arith.constant 0 : index
    %get3A_61 = arith.constant 0 : index
    %get3A_62 = vector.load %arg5[%get3A_60, %get3A_61] : memref<4x80xf32, #tpu.memory_space<vmem>>, vector<4x80xf32>
    %dot_general3A_63 = arith.constant dense<0.000000e+00> : vector<4096x80xf32>
    %dot_general3A_64 = tpu.matmul %get3A_59, %get3A_62, %dot_general3A_63 {dimension_numbers = #tpu.dot_dimension_numbers<[0], [0], [1], [1], [0, 1, 1, 1], [], []>, transpose_lhs_hint = false} : vector<4x4096xf32>, vector<4x80xf32>, vector<4096x80xf32> -> vector<4096x80xf32>
    %get3A_65 = arith.constant 0 : index
    %get3A_66 = arith.constant 0 : index
    %get3A_67 = vector.load %arg6[%get3A_65, %get3A_66] : memref<1x80xf32, #tpu.memory_space<vmem>>, vector<1x80xf32>
    %add3A_68 = vector.broadcast %get3A_67 : vector<1x80xf32> to vector<4096x80xf32>
    %add3A_69 = arith.addf %dot_general3A_64, %add3A_68 : vector<4096x80xf32>
    %slice3A_70 = vector.extract_strided_slice %add3A_69 {offsets = [0, 0], sizes = [4096, 16], strides = [1, 1]} : vector<4096x80xf32> to vector<4096x16xf32>
    %swap3A_71 = arith.constant 0 : index
    %swap3A_72 = arith.constant 32 : index
    %swap3A_73 = vector.load %arg7[%swap3A_71, %swap3A_72] : memref<4096x128xf32, #tpu.memory_space<vmem>>, vector<4096x16xf32>
    tpu.vector_store %arg7[%swap3A_71, %swap3A_72], %slice3A_70 {strides = array<i32>} : memref<4096x128xf32, #tpu.memory_space<vmem>>, vector<4096x16xf32>,
    %slice3A_74 = vector.extract_strided_slice %add3A_69 {offsets = [0, 16], sizes = [4096, 32], strides = [1, 1]} : vector<4096x80xf32> to vector<4096x32xf32>
    %swap3A_75 = arith.constant 0 : index
    %swap3A_76 = arith.constant 0 : index
    %swap3A_77 = arith.constant 64 : index
    %swap3A_78 = vector.load %arg8[%swap3A_75, %swap3A_76, %swap3A_77] : memref<2x4096x128xf32, #tpu.memory_space<vmem>>, vector<1x4096x32xf32>
    %swap3A_79 = vector.shape_cast %swap3A_78 : vector<1x4096x32xf32> to vector<4096x32xf32>
    %swap3A_80 = vector.shape_cast %slice3A_74 : vector<4096x32xf32> to vector<1x4096x32xf32>
    tpu.vector_store %arg8[%swap3A_75, %swap3A_76, %swap3A_77], %swap3A_80 {strides = array<i32>} : memref<2x4096x128xf32, #tpu.memory_space<vmem>>, vector<1x4096x32xf32>,
    %slice3A_81 = vector.extract_strided_slice %add3A_69 {offsets = [0, 48], sizes = [4096, 32], strides = [1, 1]} : vector<4096x80xf32> to vector<4096x32xf32>
    %swap3A_82 = arith.constant 1 : index
    %swap3A_83 = arith.constant 0 : index
    %swap3A_84 = arith.constant 64 : index
    %swap3A_85 = vector.load %arg8[%swap3A_82, %swap3A_83, %swap3A_84] : memref<2x4096x128xf32, #tpu.memory_space<vmem>>, vector<1x4096x32xf32>
    %swap3A_86 = vector.shape_cast %swap3A_85 : vector<1x4096x32xf32> to vector<4096x32xf32>
    %swap3A_87 = vector.shape_cast %slice3A_81 : vector<4096x32xf32> to vector<1x4096x32xf32>
    tpu.vector_store %arg8[%swap3A_82, %swap3A_83, %swap3A_84], %swap3A_87 {strides = array<i32>} : memref<2x4096x128xf32, #tpu.memory_space<vmem>>, vector<1x4096x32xf32>,
    %get3A_88 = arith.constant 0 : index
    %get3A_89 = arith.constant 0 : index
    %get3A_90 = vector.load %arg4[%get3A_88, %get3A_89] : memref<4x4096xf32, #tpu.memory_space<vmem>>, vector<4x4096xf32>
    %get3A_91 = arith.constant 0 : index
    %get3A_92 = arith.constant 0 : index
    %get3A_93 = vector.load %arg5[%get3A_91, %get3A_92] : memref<4x80xf32, #tpu.memory_space<vmem>>, vector<4x80xf32>
    %dot_general3A_94 = arith.constant dense<0.000000e+00> : vector<4096x80xf32>
    %dot_general3A_95 = tpu.matmul %get3A_90, %get3A_93, %dot_general3A_94 {dimension_numbers = #tpu.dot_dimension_numbers<[0], [0], [1], [1], [0, 1, 1, 1], [], []>, transpose_lhs_hint = false} : vector<4x4096xf32>, vector<4x80xf32>, vector<4096x80xf32> -> vector<4096x80xf32>
    %get3A_96 = arith.constant 0 : index
    %get3A_97 = arith.constant 0 : index
    %get3A_98 = vector.load %arg6[%get3A_96, %get3A_97] : memref<1x80xf32, #tpu.memory_space<vmem>>, vector<1x80xf32>
    %add3A_99 = vector.broadcast %get3A_98 : vector<1x80xf32> to vector<4096x80xf32>
    %add3A_100 = arith.addf %dot_general3A_95, %add3A_99 : vector<4096x80xf32>
    %slice3A_101 = vector.extract_strided_slice %add3A_100 {offsets = [0, 0], sizes = [4096, 16], strides = [1, 1]} : vector<4096x80xf32> to vector<4096x16xf32>
    %swap3A_102 = arith.constant 0 : index
    %swap3A_103 = arith.constant 48 : index
    %swap3A_104 = vector.load %arg7[%swap3A_102, %swap3A_103] : memref<4096x128xf32, #tpu.memory_space<vmem>>, vector<4096x16xf32>
    tpu.vector_store %arg7[%swap3A_102, %swap3A_103], %slice3A_101 {strides = array<i32>} : memref<4096x128xf32, #tpu.memory_space<vmem>>, vector<4096x16xf32>,
    %slice3A_105 = vector.extract_strided_slice %add3A_100 {offsets = [0, 16], sizes = [4096, 32], strides = [1, 1]} : vector<4096x80xf32> to vector<4096x32xf32>
    %swap3A_106 = arith.constant 0 : index
    %swap3A_107 = arith.constant 0 : index
    %swap3A_108 = arith.constant 96 : index
    %swap3A_109 = vector.load %arg8[%swap3A_106, %swap3A_107, %swap3A_108] : memref<2x4096x128xf32, #tpu.memory_space<vmem>>, vector<1x4096x32xf32>
    %swap3A_110 = vector.shape_cast %swap3A_109 : vector<1x4096x32xf32> to vector<4096x32xf32>
    %swap3A_111 = vector.shape_cast %slice3A_105 : vector<4096x32xf32> to vector<1x4096x32xf32>
    tpu.vector_store %arg8[%swap3A_106, %swap3A_107, %swap3A_108], %swap3A_111 {strides = array<i32>} : memref<2x4096x128xf32, #tpu.memory_space<vmem>>, vector<1x4096x32xf32>,
    %slice3A_112 = vector.extract_strided_slice %add3A_100 {offsets = [0, 48], sizes = [4096, 32], strides = [1, 1]} : vector<4096x80xf32> to vector<4096x32xf32>
    %swap3A_113 = arith.constant 1 : index
    %swap3A_114 = arith.constant 0 : index
    %swap3A_115 = arith.constant 96 : index
    %swap3A_116 = vector.load %arg8[%swap3A_113, %swap3A_114, %swap3A_115] : memref<2x4096x128xf32, #tpu.memory_space<vmem>>, vector<1x4096x32xf32>
    %swap3A_117 = vector.shape_cast %swap3A_116 : vector<1x4096x32xf32> to vector<4096x32xf32>
    %swap3A_118 = vector.shape_cast %slice3A_112 : vector<4096x32xf32> to vector<1x4096x32xf32>
    tpu.vector_store %arg8[%swap3A_113, %swap3A_114, %swap3A_115], %swap3A_118 {strides = array<i32>} : memref<2x4096x128xf32, #tpu.memory_space<vmem>>, vector<1x4096x32xf32>,
    return
  }
  func.func @transform_0(%arg0: i32) -> (i32, i32) {
    %add3A = arith.constant 0 : i32
    %add3A_0 = arith.addi %add3A, %arg0 : i32
    %c0_i32 = arith.constant 0 : i32
    %c0_i32_1 = arith.constant 0 : i32
    return %c0_i32, %add3A_0 : i32, i32
  }
  func.func @transform_1(%arg0: i32) -> (i32, i32) {
    %add3A = arith.constant 50 : i32
    %add3A_0 = arith.addi %add3A, %arg0 : i32
    %c0_i32 = arith.constant 0 : i32
    %c0_i32_1 = arith.constant 0 : i32
    return %c0_i32, %add3A_0 : i32, i32
  }
  func.func @transform_2(%arg0: i32) -> (i32, i32) {
    %add3A = arith.constant 100 : i32
    %add3A_0 = arith.addi %add3A, %arg0 : i32
    %c0_i32 = arith.constant 0 : i32
    %c0_i32_1 = arith.constant 0 : i32
    return %c0_i32, %add3A_0 : i32, i32
  }
  func.func @transform_3(%arg0: i32) -> (i32, i32) {
    %add3A = arith.constant 150 : i32
    %add3A_0 = arith.addi %add3A, %arg0 : i32
    %c0_i32 = arith.constant 0 : i32
    %c0_i32_1 = arith.constant 0 : i32
    return %c0_i32, %add3A_0 : i32, i32
  }
  func.func @transform_4(%arg0: i32) -> (i32, i32) {
    %c0_i32 = arith.constant 0 : i32
    %c0_i32_0 = arith.constant 0 : i32
    %c0_i32_1 = arith.constant 0 : i32
    return %c0_i32, %c0_i32_0 : i32, i32
  }
  func.func @transform_5(%arg0: i32) -> (i32, i32) {
    %c0_i32 = arith.constant 0 : i32
    %c0_i32_0 = arith.constant 0 : i32
    %c0_i32_1 = arith.constant 0 : i32
    return %c0_i32, %c0_i32_0 : i32, i32
  }
  func.func @transform_6(%arg0: i32) -> (i32, i32) {
    %c0_i32 = arith.constant 0 : i32
    %c0_i32_0 = arith.constant 0 : i32
    return %arg0, %c0_i32 : i32, i32
  }
  func.func @transform_7(%arg0: i32) -> (i32, i32, i32) {
    %c0_i32 = arith.constant 0 : i32
    %c0_i32_0 = arith.constant 0 : i32
    %c0_i32_1 = arith.constant 0 : i32
    return %c0_i32, %arg0, %c0_i32_0 : i32, i32, i32
  }
}

module attributes {stable_mosaic.version = 14 : i64} {
  func.func @_mlp1_body(%arg0: i32, %arg1: memref<2000x16xf32, #tpu.memory_space<vmem>>, %arg2: memref<2x2000x16xf32, #tpu.memory_space<vmem>>, %arg3: memref<16x64xf32, #tpu.memory_space<vmem>>, %arg4: memref<1x64xf32, #tpu.memory_space<vmem>>, %arg5: memref<64x64xf32, #tpu.memory_space<vmem>>, %arg6: memref<1x64xf32, #tpu.memory_space<vmem>>, %arg7: memref<2x2000x32xf32, #tpu.memory_space<vmem>>) attributes {dimension_semantics = [#tpu.dimension_semantics<arbitrary>], iteration_bounds = array<i64: 25>, scalar_prefetch = 0 : i64, scratch_operands = 0 : i64, tpu.core_type = #tpu.core_type<tc>, window_params = [{transform_indices = @transform_0, window_bounds = array<i64: 2000, 16>}, {transform_indices = @transform_1, window_bounds = array<i64: 2, 2000, 16>}, {pipeline_mode = #tpu.pipeline_mode<synchronous>, transform_indices = @transform_2, window_bounds = array<i64: 16, 64>}, {pipeline_mode = #tpu.pipeline_mode<synchronous>, transform_indices = @transform_3, window_bounds = array<i64: 1, 64>}, {pipeline_mode = #tpu.pipeline_mode<synchronous>, transform_indices = @transform_4, window_bounds = array<i64: 64, 64>}, {pipeline_mode = #tpu.pipeline_mode<synchronous>, transform_indices = @transform_5, window_bounds = array<i64: 1, 64>}, {transform_indices = @transform_6, window_bounds = array<i64: 2, 2000, 32>}]} {
    %get3A = arith.constant 0 : index
    %get3A_0 = arith.constant 0 : index
    %get3A_1 = vector.load %arg1[%get3A, %get3A_0] : memref<2000x16xf32, #tpu.memory_space<vmem>>, vector<2000x16xf32>
    %get3A_2 = arith.constant 0 : index
    %get3A_3 = arith.constant 0 : index
    %get3A_4 = arith.constant 0 : index
    %get3A_5 = vector.load %arg2[%get3A_2, %get3A_3, %get3A_4] : memref<2x2000x16xf32, #tpu.memory_space<vmem>>, vector<1x2000x16xf32>
    %get3A_6 = vector.shape_cast %get3A_5 : vector<1x2000x16xf32> to vector<2000x16xf32>
    %add3A = arith.addf %get3A_1, %get3A_6 : vector<2000x16xf32>
    %get3A_7 = arith.constant 1 : index
    %get3A_8 = arith.constant 0 : index
    %get3A_9 = arith.constant 0 : index
    %get3A_10 = vector.load %arg2[%get3A_7, %get3A_8, %get3A_9] : memref<2x2000x16xf32, #tpu.memory_space<vmem>>, vector<1x2000x16xf32>
    %get3A_11 = vector.shape_cast %get3A_10 : vector<1x2000x16xf32> to vector<2000x16xf32>
    %add3A_12 = arith.addf %add3A, %get3A_11 : vector<2000x16xf32>
    %get3A_13 = arith.constant 0 : index
    %get3A_14 = arith.constant 0 : index
    %get3A_15 = vector.load %arg3[%get3A_13, %get3A_14] : memref<16x64xf32, #tpu.memory_space<vmem>>, vector<16x64xf32>
    %dot_general3A = arith.constant dense<0.000000e+00> : vector<2000x64xf32>
    %dot_general3A_16 = tpu.matmul %add3A_12, %get3A_15, %dot_general3A {dimension_numbers = #tpu.dot_dimension_numbers<[1], [0], [0], [1], [0, 0, 1, 1], [], []>, transpose_lhs_hint = false} : vector<2000x16xf32>, vector<16x64xf32>, vector<2000x64xf32> -> vector<2000x64xf32>
    %get3A_17 = arith.constant 0 : index
    %get3A_18 = arith.constant 0 : index
    %get3A_19 = vector.load %arg4[%get3A_17, %get3A_18] : memref<1x64xf32, #tpu.memory_space<vmem>>, vector<1x64xf32>
    %add3A_20 = vector.broadcast %get3A_19 : vector<1x64xf32> to vector<2000x64xf32>
    %add3A_21 = arith.addf %dot_general3A_16, %add3A_20 : vector<2000x64xf32>
    %max3A = arith.constant 0.000000e+00 : f32
    %max3A_22 = vector.broadcast %max3A : f32 to vector<2000x64xf32>
    %max3A_23 = arith.maximumf %add3A_21, %max3A_22 : vector<2000x64xf32>
    %get3A_24 = arith.constant 0 : index
    %get3A_25 = arith.constant 0 : index
    %get3A_26 = vector.load %arg5[%get3A_24, %get3A_25] : memref<64x64xf32, #tpu.memory_space<vmem>>, vector<64x64xf32>
    %dot_general3A_27 = arith.constant dense<0.000000e+00> : vector<2000x64xf32>
    %dot_general3A_28 = tpu.matmul %max3A_23, %get3A_26, %dot_general3A_27 {dimension_numbers = #tpu.dot_dimension_numbers<[1], [0], [0], [1], [0, 0, 1, 1], [], []>, transpose_lhs_hint = false} : vector<2000x64xf32>, vector<64x64xf32>, vector<2000x64xf32> -> vector<2000x64xf32>
    %get3A_29 = arith.constant 0 : index
    %get3A_30 = arith.constant 0 : index
    %get3A_31 = vector.load %arg6[%get3A_29, %get3A_30] : memref<1x64xf32, #tpu.memory_space<vmem>>, vector<1x64xf32>
    %add3A_32 = vector.broadcast %get3A_31 : vector<1x64xf32> to vector<2000x64xf32>
    %add3A_33 = arith.addf %dot_general3A_28, %add3A_32 : vector<2000x64xf32>
    %max3A_34 = arith.constant 0.000000e+00 : f32
    %max3A_35 = vector.broadcast %max3A_34 : f32 to vector<2000x64xf32>
    %max3A_36 = arith.maximumf %add3A_33, %max3A_35 : vector<2000x64xf32>
    %slice3A = vector.extract_strided_slice %max3A_36 {offsets = [0, 0], sizes = [2000, 32], strides = [1, 1]} : vector<2000x64xf32> to vector<2000x32xf32>
    %swap3A = arith.constant 0 : index
    %swap3A_37 = arith.constant 0 : index
    %swap3A_38 = arith.constant 0 : index
    %swap3A_39 = vector.load %arg7[%swap3A, %swap3A_37, %swap3A_38] : memref<2x2000x32xf32, #tpu.memory_space<vmem>>, vector<1x2000x32xf32>
    %swap3A_40 = vector.shape_cast %swap3A_39 : vector<1x2000x32xf32> to vector<2000x32xf32>
    %swap3A_41 = vector.shape_cast %slice3A : vector<2000x32xf32> to vector<1x2000x32xf32>
    tpu.vector_store %arg7[%swap3A, %swap3A_37, %swap3A_38], %swap3A_41 {strides = array<i32>} : memref<2x2000x32xf32, #tpu.memory_space<vmem>>, vector<1x2000x32xf32>,
    %slice3A_42 = vector.extract_strided_slice %max3A_36 {offsets = [0, 32], sizes = [2000, 32], strides = [1, 1]} : vector<2000x64xf32> to vector<2000x32xf32>
    %swap3A_43 = arith.constant 1 : index
    %swap3A_44 = arith.constant 0 : index
    %swap3A_45 = arith.constant 0 : index
    %swap3A_46 = vector.load %arg7[%swap3A_43, %swap3A_44, %swap3A_45] : memref<2x2000x32xf32, #tpu.memory_space<vmem>>, vector<1x2000x32xf32>
    %swap3A_47 = vector.shape_cast %swap3A_46 : vector<1x2000x32xf32> to vector<2000x32xf32>
    %swap3A_48 = vector.shape_cast %slice3A_42 : vector<2000x32xf32> to vector<1x2000x32xf32>
    tpu.vector_store %arg7[%swap3A_43, %swap3A_44, %swap3A_45], %swap3A_48 {strides = array<i32>} : memref<2x2000x32xf32, #tpu.memory_space<vmem>>, vector<1x2000x32xf32>,
    return
  }
  func.func @transform_0(%arg0: i32) -> (i32, i32) {
    %c0_i32 = arith.constant 0 : i32
    %c0_i32_0 = arith.constant 0 : i32
    return %arg0, %c0_i32 : i32, i32
  }
  func.func @transform_1(%arg0: i32) -> (i32, i32, i32) {
    %c0_i32 = arith.constant 0 : i32
    %c0_i32_0 = arith.constant 0 : i32
    %c0_i32_1 = arith.constant 0 : i32
    return %c0_i32, %arg0, %c0_i32_0 : i32, i32, i32
  }
  func.func @transform_2(%arg0: i32) -> (i32, i32) {
    %c0_i32 = arith.constant 0 : i32
    %c0_i32_0 = arith.constant 0 : i32
    %c0_i32_1 = arith.constant 0 : i32
    return %c0_i32, %c0_i32_0 : i32, i32
  }
  func.func @transform_3(%arg0: i32) -> (i32, i32) {
    %c0_i32 = arith.constant 0 : i32
    %c0_i32_0 = arith.constant 0 : i32
    %c0_i32_1 = arith.constant 0 : i32
    return %c0_i32, %c0_i32_0 : i32, i32
  }
  func.func @transform_4(%arg0: i32) -> (i32, i32) {
    %c0_i32 = arith.constant 0 : i32
    %c0_i32_0 = arith.constant 0 : i32
    %c0_i32_1 = arith.constant 0 : i32
    return %c0_i32, %c0_i32_0 : i32, i32
  }
  func.func @transform_5(%arg0: i32) -> (i32, i32) {
    %c0_i32 = arith.constant 0 : i32
    %c0_i32_0 = arith.constant 0 : i32
    %c0_i32_1 = arith.constant 0 : i32
    return %c0_i32, %c0_i32_0 : i32, i32
  }
  func.func @transform_6(%arg0: i32) -> (i32, i32, i32) {
    %c0_i32 = arith.constant 0 : i32
    %c0_i32_0 = arith.constant 0 : i32
    %c0_i32_1 = arith.constant 0 : i32
    return %c0_i32, %arg0, %c0_i32_0 : i32, i32, i32
  }
}

module attributes {stable_mosaic.version = 14 : i64} {
  func.func @_mlp2_body(%arg0: i32, %arg1: memref<2x2000x32xf32, #tpu.memory_space<vmem>>, %arg2: memref<2x2000x32xf32, #tpu.memory_space<vmem>>, %arg3: memref<1x1x2000xi32, #tpu.memory_space<vmem>>, %arg4: memref<64x64xf32, #tpu.memory_space<vmem>>, %arg5: memref<1x64xf32, #tpu.memory_space<vmem>>, %arg6: memref<64x64xf32, #tpu.memory_space<vmem>>, %arg7: memref<1x64xf32, #tpu.memory_space<vmem>>, %arg8: memref<64x12xf32, #tpu.memory_space<vmem>>, %arg9: memref<1x12xf32, #tpu.memory_space<vmem>>, %arg10: memref<512x12xf32, #tpu.memory_space<vmem>>, %arg11: memref<512x65xf32, #tpu.memory_space<vmem>>) attributes {dimension_semantics = [#tpu.dimension_semantics<arbitrary>], iteration_bounds = array<i64: 25>, scalar_prefetch = 0 : i64, scratch_operands = 1 : i64, tpu.core_type = #tpu.core_type<tc>, window_params = [{transform_indices = @transform_0, window_bounds = array<i64: 2, 2000, 32>}, {transform_indices = @transform_1, window_bounds = array<i64: 2, 2000, 32>}, {transform_indices = @transform_2, window_bounds = array<i64: 1, 1, 2000>}, {pipeline_mode = #tpu.pipeline_mode<synchronous>, transform_indices = @transform_3, window_bounds = array<i64: 64, 64>}, {pipeline_mode = #tpu.pipeline_mode<synchronous>, transform_indices = @transform_4, window_bounds = array<i64: 1, 64>}, {pipeline_mode = #tpu.pipeline_mode<synchronous>, transform_indices = @transform_5, window_bounds = array<i64: 64, 64>}, {pipeline_mode = #tpu.pipeline_mode<synchronous>, transform_indices = @transform_6, window_bounds = array<i64: 1, 64>}, {pipeline_mode = #tpu.pipeline_mode<synchronous>, transform_indices = @transform_7, window_bounds = array<i64: 64, 12>}, {pipeline_mode = #tpu.pipeline_mode<synchronous>, transform_indices = @transform_8, window_bounds = array<i64: 1, 12>}, {pipeline_mode = #tpu.pipeline_mode<synchronous>, transform_indices = @transform_9, window_bounds = array<i64: 512, 12>}]} {
    %eq3A = arith.constant 0 : i32
    %eq3A_0 = arith.cmpi eq, %arg0, %eq3A : i32
    %convert_element_type3A = arith.extui %eq3A_0 : i1 to i32
    %cond3A = arith.constant 0 : i32
    %cond3A_1 = arith.cmpi ne, %convert_element_type3A, %cond3A : i32
    scf.if %cond3A_1 {
      %broadcast_in_dim3A_71 = arith.constant 0.000000e+00 : f32
      %broadcast_in_dim3A_72 = vector.broadcast %broadcast_in_dim3A_71 : f32 to vector<512x65xf32>
      %swap3A_73 = arith.constant 0 : index
      %swap3A_74 = arith.constant 0 : index
      %swap3A_75 = vector.load %arg11[%swap3A_73, %swap3A_74] : memref<512x65xf32, #tpu.memory_space<vmem>>, vector<512x65xf32>
      tpu.vector_store %arg11[%swap3A_73, %swap3A_74], %broadcast_in_dim3A_72 {strides = array<i32>} : memref<512x65xf32, #tpu.memory_space<vmem>>, vector<512x65xf32>,
    } else {
    }
    %get3A = arith.constant 0 : index
    %get3A_2 = arith.constant 0 : index
    %get3A_3 = arith.constant 0 : index
    %get3A_4 = vector.load %arg1[%get3A, %get3A_2, %get3A_3] : memref<2x2000x32xf32, #tpu.memory_space<vmem>>, vector<1x2000x32xf32>
    %get3A_5 = vector.shape_cast %get3A_4 : vector<1x2000x32xf32> to vector<2000x32xf32>
    %get3A_6 = arith.constant 1 : index
    %get3A_7 = arith.constant 0 : index
    %get3A_8 = arith.constant 0 : index
    %get3A_9 = vector.load %arg1[%get3A_6, %get3A_7, %get3A_8] : memref<2x2000x32xf32, #tpu.memory_space<vmem>>, vector<1x2000x32xf32>
    %get3A_10 = vector.shape_cast %get3A_9 : vector<1x2000x32xf32> to vector<2000x32xf32>
    %concatenate3A = tpu.concatenate %get3A_5, %get3A_10 in 1 : vector<2000x32xf32>, vector<2000x32xf32> -> vector<2000x64xf32>
    %get3A_11 = arith.constant 0 : index
    %get3A_12 = arith.constant 0 : index
    %get3A_13 = arith.constant 0 : index
    %get3A_14 = vector.load %arg2[%get3A_11, %get3A_12, %get3A_13] : memref<2x2000x32xf32, #tpu.memory_space<vmem>>, vector<1x2000x32xf32>
    %get3A_15 = vector.shape_cast %get3A_14 : vector<1x2000x32xf32> to vector<2000x32xf32>
    %get3A_16 = arith.constant 1 : index
    %get3A_17 = arith.constant 0 : index
    %get3A_18 = arith.constant 0 : index
    %get3A_19 = vector.load %arg2[%get3A_16, %get3A_17, %get3A_18] : memref<2x2000x32xf32, #tpu.memory_space<vmem>>, vector<1x2000x32xf32>
    %get3A_20 = vector.shape_cast %get3A_19 : vector<1x2000x32xf32> to vector<2000x32xf32>
    %concatenate3A_21 = tpu.concatenate %get3A_15, %get3A_20 in 1 : vector<2000x32xf32>, vector<2000x32xf32> -> vector<2000x64xf32>
    %add3A = arith.addf %concatenate3A, %concatenate3A_21 : vector<2000x64xf32>
    %get3A_22 = arith.constant 0 : index
    %get3A_23 = arith.constant 0 : index
    %get3A_24 = vector.load %arg4[%get3A_22, %get3A_23] : memref<64x64xf32, #tpu.memory_space<vmem>>, vector<64x64xf32>
    %dot_general3A = arith.constant dense<0.000000e+00> : vector<2000x64xf32>
    %dot_general3A_25 = tpu.matmul %add3A, %get3A_24, %dot_general3A {dimension_numbers = #tpu.dot_dimension_numbers<[1], [0], [0], [1], [0, 0, 1, 1], [], []>, transpose_lhs_hint = false} : vector<2000x64xf32>, vector<64x64xf32>, vector<2000x64xf32> -> vector<2000x64xf32>
    %get3A_26 = arith.constant 0 : index
    %get3A_27 = arith.constant 0 : index
    %get3A_28 = vector.load %arg5[%get3A_26, %get3A_27] : memref<1x64xf32, #tpu.memory_space<vmem>>, vector<1x64xf32>
    %add3A_29 = vector.broadcast %get3A_28 : vector<1x64xf32> to vector<2000x64xf32>
    %add3A_30 = arith.addf %dot_general3A_25, %add3A_29 : vector<2000x64xf32>
    %max3A = arith.constant 0.000000e+00 : f32
    %max3A_31 = vector.broadcast %max3A : f32 to vector<2000x64xf32>
    %max3A_32 = arith.maximumf %add3A_30, %max3A_31 : vector<2000x64xf32>
    %get3A_33 = arith.constant 0 : index
    %get3A_34 = arith.constant 0 : index
    %get3A_35 = vector.load %arg6[%get3A_33, %get3A_34] : memref<64x64xf32, #tpu.memory_space<vmem>>, vector<64x64xf32>
    %dot_general3A_36 = arith.constant dense<0.000000e+00> : vector<2000x64xf32>
    %dot_general3A_37 = tpu.matmul %max3A_32, %get3A_35, %dot_general3A_36 {dimension_numbers = #tpu.dot_dimension_numbers<[1], [0], [0], [1], [0, 0, 1, 1], [], []>, transpose_lhs_hint = false} : vector<2000x64xf32>, vector<64x64xf32>, vector<2000x64xf32> -> vector<2000x64xf32>
    %get3A_38 = arith.constant 0 : index
    %get3A_39 = arith.constant 0 : index
    %get3A_40 = vector.load %arg7[%get3A_38, %get3A_39] : memref<1x64xf32, #tpu.memory_space<vmem>>, vector<1x64xf32>
    %add3A_41 = vector.broadcast %get3A_40 : vector<1x64xf32> to vector<2000x64xf32>
    %add3A_42 = arith.addf %dot_general3A_37, %add3A_41 : vector<2000x64xf32>
    %max3A_43 = arith.constant 0.000000e+00 : f32
    %max3A_44 = vector.broadcast %max3A_43 : f32 to vector<2000x64xf32>
    %max3A_45 = arith.maximumf %add3A_42, %max3A_44 : vector<2000x64xf32>
    %get3A_46 = arith.constant 0 : index
    %get3A_47 = arith.constant 0 : index
    %get3A_48 = arith.constant 0 : index
    %get3A_49 = vector.load %arg3[%get3A_46, %get3A_47, %get3A_48] : memref<1x1x2000xi32, #tpu.memory_space<vmem>>, vector<1x1x2000xi32>
    %get3A_50 = vector.shape_cast %get3A_49 : vector<1x1x2000xi32> to vector<2000xi32>
    %iota3A = tpu.iota {dimensions = array<i32: 0>} : vector<512x2000xi32>
    %broadcast_in_dim3A = vector.shape_cast %get3A_50 : vector<2000xi32> to vector<1x2000xi32>
    %eq3A_51 = vector.broadcast %broadcast_in_dim3A : vector<1x2000xi32> to vector<512x2000xi32>
    %eq3A_52 = arith.cmpi eq, %iota3A, %eq3A_51 : vector<512x2000xi32>
    %convert_element_type3A_53 = arith.extui %eq3A_52 : vector<512x2000xi1> to vector<512x2000xi32>
    %convert_element_type3A_54 = arith.sitofp %convert_element_type3A_53 : vector<512x2000xi32> to vector<512x2000xf32>
    %broadcast_in_dim3A_55 = arith.constant 1.000000e+00 : f32
    %broadcast_in_dim3A_56 = vector.broadcast %broadcast_in_dim3A_55 : f32 to vector<2000x1xf32>
    %concatenate3A_57 = tpu.concatenate %max3A_45, %broadcast_in_dim3A_56 in 1 : vector<2000x64xf32>, vector<2000x1xf32> -> vector<2000x65xf32>
    %get3A_58 = arith.constant 0 : index
    %get3A_59 = arith.constant 0 : index
    %get3A_60 = vector.load %arg11[%get3A_58, %get3A_59] : memref<512x65xf32, #tpu.memory_space<vmem>>, vector<512x65xf32>
    %dot_general3A_61 = arith.constant dense<0.000000e+00> : vector<512x65xf32>
    %dot_general3A_62 = tpu.matmul %convert_element_type3A_54, %concatenate3A_57, %dot_general3A_61 {dimension_numbers = #tpu.dot_dimension_numbers<[1], [0], [0], [1], [0, 0, 1, 1], [], []>, transpose_lhs_hint = false} : vector<512x2000xf32>, vector<2000x65xf32>, vector<512x65xf32> -> vector<512x65xf32>
    %add3A_63 = arith.addf %get3A_60, %dot_general3A_62 : vector<512x65xf32>
    %swap3A = arith.constant 0 : index
    %swap3A_64 = arith.constant 0 : index
    %swap3A_65 = vector.load %arg11[%swap3A, %swap3A_64] : memref<512x65xf32, #tpu.memory_space<vmem>>, vector<512x65xf32>
    tpu.vector_store %arg11[%swap3A, %swap3A_64], %add3A_63 {strides = array<i32>} : memref<512x65xf32, #tpu.memory_space<vmem>>, vector<512x65xf32>,
    %eq3A_66 = arith.constant 24 : i32
    %eq3A_67 = arith.cmpi eq, %arg0, %eq3A_66 : i32
    %convert_element_type3A_68 = arith.extui %eq3A_67 : i1 to i32
    %cond3A_69 = arith.constant 0 : i32
    %cond3A_70 = arith.cmpi ne, %convert_element_type3A_68, %cond3A_69 : i32
    scf.if %cond3A_70 {
      %get3A_71 = arith.constant 0 : index
      %get3A_72 = arith.constant 0 : index
      %get3A_73 = vector.load %arg11[%get3A_71, %get3A_72] : memref<512x65xf32, #tpu.memory_space<vmem>>, vector<512x64xf32>
      %get3A_74 = arith.constant 0 : index
      %get3A_75 = arith.constant 64 : index
      %get3A_76 = vector.load %arg11[%get3A_74, %get3A_75] : memref<512x65xf32, #tpu.memory_space<vmem>>, vector<512x1xf32>
      %max3A_77 = arith.constant 1.000000e+00 : f32
      %max3A_78 = vector.broadcast %max3A_77 : f32 to vector<512x1xf32>
      %max3A_79 = arith.maximumf %get3A_76, %max3A_78 : vector<512x1xf32>
      %div3A = vector.broadcast %max3A_79 : vector<512x1xf32> to vector<512x64xf32>
      %div3A_80 = arith.divf %get3A_73, %div3A : vector<512x64xf32>
      %get3A_81 = arith.constant 0 : index
      %get3A_82 = arith.constant 0 : index
      %get3A_83 = vector.load %arg8[%get3A_81, %get3A_82] : memref<64x12xf32, #tpu.memory_space<vmem>>, vector<64x12xf32>
      %dot_general3A_84 = arith.constant dense<0.000000e+00> : vector<512x12xf32>
      %dot_general3A_85 = tpu.matmul %div3A_80, %get3A_83, %dot_general3A_84 {dimension_numbers = #tpu.dot_dimension_numbers<[1], [0], [0], [1], [0, 0, 1, 1], [], []>, transpose_lhs_hint = false} : vector<512x64xf32>, vector<64x12xf32>, vector<512x12xf32> -> vector<512x12xf32>
      %get3A_86 = arith.constant 0 : index
      %get3A_87 = arith.constant 0 : index
      %get3A_88 = vector.load %arg9[%get3A_86, %get3A_87] : memref<1x12xf32, #tpu.memory_space<vmem>>, vector<1x12xf32>
      %add3A_89 = vector.broadcast %get3A_88 : vector<1x12xf32> to vector<512x12xf32>
      %add3A_90 = arith.addf %dot_general3A_85, %add3A_89 : vector<512x12xf32>
      %swap3A_91 = arith.constant 0 : index
      %swap3A_92 = arith.constant 0 : index
      %swap3A_93 = vector.load %arg10[%swap3A_91, %swap3A_92] : memref<512x12xf32, #tpu.memory_space<vmem>>, vector<512x12xf32>
      tpu.vector_store %arg10[%swap3A_91, %swap3A_92], %add3A_90 {strides = array<i32>} : memref<512x12xf32, #tpu.memory_space<vmem>>, vector<512x12xf32>,
    } else {
    }
    return
  }
  func.func @transform_0(%arg0: i32) -> (i32, i32, i32) {
    %c0_i32 = arith.constant 0 : i32
    %c0_i32_0 = arith.constant 0 : i32
    %c0_i32_1 = arith.constant 0 : i32
    return %c0_i32, %arg0, %c0_i32_0 : i32, i32, i32
  }
  func.func @transform_1(%arg0: i32) -> (i32, i32, i32) {
    %c0_i32 = arith.constant 0 : i32
    %c0_i32_0 = arith.constant 0 : i32
    %c0_i32_1 = arith.constant 0 : i32
    return %c0_i32, %arg0, %c0_i32_0 : i32, i32, i32
  }
  func.func @transform_2(%arg0: i32) -> (i32, i32, i32) {
    %c0_i32 = arith.constant 0 : i32
    %c0_i32_0 = arith.constant 0 : i32
    %c0_i32_1 = arith.constant 0 : i32
    return %arg0, %c0_i32, %c0_i32_0 : i32, i32, i32
  }
  func.func @transform_3(%arg0: i32) -> (i32, i32) {
    %c0_i32 = arith.constant 0 : i32
    %c0_i32_0 = arith.constant 0 : i32
    %c0_i32_1 = arith.constant 0 : i32
    return %c0_i32, %c0_i32_0 : i32, i32
  }
  func.func @transform_4(%arg0: i32) -> (i32, i32) {
    %c0_i32 = arith.constant 0 : i32
    %c0_i32_0 = arith.constant 0 : i32
    %c0_i32_1 = arith.constant 0 : i32
    return %c0_i32, %c0_i32_0 : i32, i32
  }
  func.func @transform_5(%arg0: i32) -> (i32, i32) {
    %c0_i32 = arith.constant 0 : i32
    %c0_i32_0 = arith.constant 0 : i32
    %c0_i32_1 = arith.constant 0 : i32
    return %c0_i32, %c0_i32_0 : i32, i32
  }
  func.func @transform_6(%arg0: i32) -> (i32, i32) {
    %c0_i32 = arith.constant 0 : i32
    %c0_i32_0 = arith.constant 0 : i32
    %c0_i32_1 = arith.constant 0 : i32
    return %c0_i32, %c0_i32_0 : i32, i32
  }
  func.func @transform_7(%arg0: i32) -> (i32, i32) {
    %c0_i32 = arith.constant 0 : i32
    %c0_i32_0 = arith.constant 0 : i32
    %c0_i32_1 = arith.constant 0 : i32
    return %c0_i32, %c0_i32_0 : i32, i32
  }
  func.func @transform_8(%arg0: i32) -> (i32, i32) {
    %c0_i32 = arith.constant 0 : i32
    %c0_i32_0 = arith.constant 0 : i32
    %c0_i32_1 = arith.constant 0 : i32
    return %c0_i32, %c0_i32_0 : i32, i32
  }
  func.func @transform_9(%arg0: i32) -> (i32, i32) {
    %c0_i32 = arith.constant 0 : i32
    %c0_i32_0 = arith.constant 0 : i32
    %c0_i32_1 = arith.constant 0 : i32
    return %c0_i32, %c0_i32_0 : i32, i32
  }
}

</mosaic_0001>

<sc_bundles>
// kernel: kernel.10.cloned.1.call-start
scs
__scs_entry_jumppad:
0x0: {  	(pc) =	sbr.rel $0x88, $3  }
0x1: {  	(tag) =	ssettag $0x0;
	lr =	simm.s32 $0x1  }
0x2: {  	[smem:$0x3F8F] =	sst lr;
	_ =	strace $0xD0000000  }
0x3: {  	_ = 	snop  }
0x4: {  	_ = 	snop  }
0x5: {  	_ = 	snop  }
0x6: {  	_ = 	snop  }
0x7: {  	_ = 	snop  }
__scs_overlays_trampoline_lowered:
0x8: {  	[smem:$0x3F9E] =	sst s0  }
0x9: {  	[smem:$0x3F9F] =	sst s1  }
0xa: {  	[smem:$0x3FA0] =	sst s2  }
0xb: {  	[smem:$0x3FA1] =	sst s3  }
0xc: {  	[smem:$0x3FA2] =	sst s4  }
0xd: {  	[smem:$0x3FA3] =	sst s5  }
0xe: {  	[smem:$0x3FA4] =	sst s6  }
0xf: {  	[smem:$0x3FA5] =	sst s7  }
0x10: {  	[smem:$0x3FA6] =	sst s8  }
0x11: {  	[smem:$0x3FA7] =	sst s9;
	s0 =	simm.s32 @!p0 $0x0  }
0x12: {  	s1 =	sld [smem:$0x3F8D];
	s0 =	simm.s32 @p0 $0x1  }
0x13: {  	[smem:$0x3FA8] =	sst s0;
	s0 =	simm.s32 @!p1 $0x0  }
0x14: {  	s2 =	sld [smem:$0x3F8C];
	s0 =	simm.s32 @p1 $0x1  }
0x15: {  	[smem:$0x3FA9] =	sst s0;
	s0 =	simm.s32 @!p2 $0x0  }
0x16: {  	s3 =	sld [smem:$0x3FDB];
	s0 =	simm.s32 @p2 $0x1  }
0x17: {  	s4 =	simm.s32 $0x1BF5;
	[smem:$0x3FAB] =	sst s0  }
0x18: {  	s0 =	sld [smem:$0x3F8E];
	_ =	swait.ge [sflag:s4], $0x0  }
0x19: {  	s7 =	sld [smem:$0x3F8F]  }
0x1a: {  	s8 =	sadd.s32 $0xFFFFE003, lr  }
0x1b: {  	s9 =	sadd.s32 $0xFFFFFEF7, lr;
	s5 =	simm.s32 $0xFFFFFFFF;
	p2 =	slt.u32 s8, $0xFFFFF086  }
0x1c: {  	p1 =	slt.u32 s9, $0xF7A;
	s5 =	simm.s32 @!p2 $0x0  }
0x1d: {  	s5 =	simm.s32 @p1 $0x1;
	p0 =	seq.s32 s7, s2  }
0x1e: {  	s7 =	smul.u32 @!p0 $0xF7A, s2;
	p2 =	seq.s32 @!p0 s5, $0x0  }
0x1f: {  	s9 =	smul.u32 $0xF7A, s1;
	s8 =	simm.s32 @!p0 $0x1BF5;
	p2 =	por !p2, p0  }
0x20: {  	[sflag:s8] =	ssyncset.s32 @!p0 $0xFFFFF086;
	s6 =	sadd.s32 @!p0 s3, s7;
	s7 =	simm.s32 @!p0 $0x108  }
0x21: {  	s3 =	sadd.s32 s3, s9;
	s6 =	sadd.s32 @!p0 $0x88, s6;
	s7 =	simm.s32 @p2 $0x1082  }
0x22: {  	[simem:s7], [sflag:s8] =	dma.local @!p0 [hbm:s6], $0xF7A  }
0x23: {  	s9 =	sor.u32 $0xD0000000, s2;
	s6 =	simm.s32 $0x108;
	_ =	swait.ge @!p0 [sflag:s8], $0x0  }
0x24: {  	s3 =	sadd.s32 $0x88, s3;
	s6 =	simm.s32 @!p1 $0x1082;
	[sflag:s4] =	ssyncset.s32 $0xFFFFF086  }
0x25: {  	[simem:s6], [sflag:s4] =	dma.local [hbm:s3], $0xF7A  }
0x26: {  	[smem:$0x3F8F] =	sst s1;
	(tag) =	ssettag s2;
	_ =	strace s9  }
0x27: {  	s1 =	sld [smem:$0x3F9F]  }
0x28: {  	s2 =	sld [smem:$0x3FA0]  }
0x29: {  	s4 =	sld [smem:$0x3FA2]  }
0x2a: {  	p0 =	seq.s32 s5, $0x0;
	s5 =	sld [smem:$0x3FA3]  }
0x2b: {  	s6 =	sld [smem:$0x3FA4]  }
0x2c: {  	s7 =	sld [smem:$0x3FA5]  }
0x2d: {  	s3 =	simm.s32 $0x108;
	s8 =	sld [smem:$0x3FA6]  }
0x2e: {  	s3 =	simm.s32 @!p0 $0x1082;
	s9 =	sld [smem:$0x3FA7]  }
0x2f: {  	lr =	sadd.s32 s0, s3;
	s0 =	sld [smem:$0x3F9E]  }
0x30: {  	s3 =	sld [smem:$0x3FA1]  }
0x31: {  	[smem:$0x3FAA] =	sst s10  }
0x32: {  	s10 =	sld [smem:$0x3FA8];
	_ =	sdelay $0x3  }
0x33: {  	p0 =	seq.s32 s10, $0x1;
	s10 =	sld [smem:$0x3FAA];
	_ =	sdelay $0x3  }
0x34: {  	[smem:$0x3FAA] =	sst s10  }
0x35: {  	s10 =	sld [smem:$0x3FA9];
	_ =	sdelay $0x3  }
0x36: {  	p1 =	seq.s32 s10, $0x1;
	s10 =	sld [smem:$0x3FAA];
	_ =	sdelay $0x3  }
0x37: {  	[smem:$0x3FAA] =	sst s10  }
0x38: {  	s10 =	sld [smem:$0x3FAB]  }
0x39: {  	_ = 	snop;
	(pc) =	sbr.ind lr, $3  }
0x3a: {  	_ = 	snop  }
0x3b: {  	_ = 	snop  }
0x3c: {  	p2 =	seq.s32 s10, $0x1;
	s10 =	sld [smem:$0x3FAA]  }
0x3d: {  	_ =	shalt  }
0x3e: {  	_ =	shalt  }
0x3f: {  	_ =	shalt  }
0x40: {  	_ =	shalt  }
0x41: {  	_ =	shalt  }
0x42: {  	_ =	shalt  }
0x43: {  	_ =	shalt  }
0x44: {  	_ =	shalt  }
0x45: {  	_ =	shalt  }
0x46: {  	_ =	shalt  }
0x47: {  	_ =	shalt  }
0x48: {  	_ =	shalt  }
0x49: {  	_ =	shalt  }
0x4a: {  	_ =	shalt  }
0x4b: {  	_ =	shalt  }
0x4c: {  	_ =	shalt  }
0x4d: {  	_ =	shalt  }
0x4e: {  	_ =	shalt  }
0x4f: {  	_ =	shalt  }
0x50: {  	_ =	shalt  }
0x51: {  	_ =	shalt  }
0x52: {  	_ =	shalt  }
0x53: {  	_ =	shalt  }
0x54: {  	_ =	shalt  }
0x55: {  	_ =	shalt  }
0x56: {  	_ =	shalt  }
0x57: {  	_ =	shalt  }
0x58: {  	_ =	shalt  }
0x59: {  	_ =	shalt  }
0x5a: {  	_ =	shalt  }
0x5b: {  	_ =	shalt  }
0x5c: {  	_ =	shalt  }
0x5d: {  	_ =	shalt  }
0x5e: {  	_ =	shalt  }
0x5f: {  	_ =	shalt  }
0x60: {  	_ =	shalt  }
0x61: {  	_ =	shalt  }
0x62: {  	_ =	shalt  }
0x63: {  	_ =	shalt  }
0x64: {  	_ =	shalt  }
0x65: {  	_ =	shalt  }
0x66: {  	_ =	shalt  }
0x67: {  	_ =	shalt  }
0x68: {  	_ =	shalt  }
0x69: {  	_ =	shalt  }
0x6a: {  	_ =	shalt  }
0x6b: {  	_ =	shalt  }
0x6c: {  	_ =	shalt  }
0x6d: {  	_ =	shalt  }
0x6e: {  	_ =	shalt  }
0x6f: {  	_ =	shalt  }
0x70: {  	_ =	shalt  }
0x71: {  	_ =	shalt  }
0x72: {  	_ =	shalt  }
0x73: {  	_ =	shalt  }
0x74: {  	_ =	shalt  }
0x75: {  	_ =	shalt  }
0x76: {  	_ =	shalt  }
0x77: {  	_ =	shalt  }
0x78: {  	_ =	shalt  }
0x79: {  	_ =	shalt  }
0x7a: {  	_ =	shalt  }
0x7b: {  	_ =	shalt  }
0x7c: {  	_ =	shalt  }
0x7d: {  	_ =	shalt  }
0x7e: {  	_ =	shalt  }
0x7f: {  	_ =	shalt  }
0x80: {  	_ =	shalt  }
0x81: {  	_ =	shalt  }
0x82: {  	_ =	shalt  }
0x83: {  	_ =	shalt  }
0x84: {  	_ =	shalt  }
0x85: {  	_ =	shalt  }
0x86: {  	_ =	shalt  }
0x87: {  	_ =	shalt  }
.Lfunc_end0:
.L_simem_size_0:
called_computation.1_lowered:
.L_overlay_start_0:
0x88: {  	s2 =	sld [smem:$0x3FD9]  }
0x89: {  	s3 =	sld [smem:$0x3FFE];
	_ =	sdelay $0x1  }
0x8a: {  	s1 =	srdreg.scid  }
0x8b: {  	s0 =	sand.u32 $0x1, s1  }
0x8c: {  	s16 =	sshll.u32 s0, $0xA;
	s2 =	sadd.s32 s3, s2  }
0x8d: {  	s2 =	sadd.s32 s2, s16  }
0x8e: {  	[smem:$0x3FB6] =	sst s2  }
0x8f: {  	_ = 	snop  }
0x90: {  	(tm) =	ssettm $0x1  }
0x91: {  	s17 =	sld [smem:$0x3FFB];
	_ =	sdelay $0x3  }
0x92: {  	_ =	strace s17  }
0x93: {  	s2 =	sld [smem:$0x3FFC];
	_ =	sdelay $0x3  }
0x94: {  	_ =	strace s2  }
0x95: {  	s2 =	sld [smem:$0x3FFD];
	_ =	sdelay $0x3  }
0x96: {  	_ =	strace s2  }
0x97: {  	_ =	strace $0x8FFFFFFF  }
0x98: {  	s18 =	sld [smem:$0x3FDB];
	_ =	sdelay $0x1  }
0x99: {  	s19 =	simm.s32 $_scs_section_size  }
0x9a: {  	s4 =	simm.s32 $_size__tile_overlayer_lowered;
	s5 =	simm.s32 $_tile_overlayer_lowered  }
0x9b: {  	s22 =	simm.s32 $0x1BFF;
	s21 =	sshll.u32 s5, $0x1;
	s2 =	sadd.s32 s19, s18  }
0x9c: {  	s6 =	simm.s32 $0x0;
	s20 =	sshll.u32 s4, $0x1;
	s4 =	sadd.s32 s21, s2  }
0x9d: {  	[timem:s6], [sflag:s22] =	dma.local [hbm:s4], s20  }
0x9e: {  	_ =	swait.ge [sflag:s22], s20  }
0x9f: {  	s3 =	ssub.s32 $0x0, s20;
	[sflag:s22] =	ssyncset.done $0x0  }
0xa0: {  	[sflag:s22] =	ssyncadd.s32 s3;
	_ =	sdelay $0x1  }
0xa1: {  	s23 =	simm.s32 $0x1B8B  }
0xa2: {  	_ =	swait.ge [sflag:s23], $0x1  }
0xa3: {  	[sflag:s23] =	ssyncset.done $0x0  }
0xa4: {  	s25 =	simm.s32 $0x1B8E;
	s24 =	sld [smem:$0x3FFE];
	[sflag:s23] =	ssyncadd.s32 $0xFFFFFFFF  }
0xa5: {  	s26 =	simm.s32 $execute0_lowered;
	[smem:$0x3FD2] =	sst s25  }
0xa6: {  	s4 =	sshll.u32 s26, $0x1;
	_ =	strace $0x80000049;
	[dreg:$0x1] =	wrdreg $0xFFFFFFFF  }
0xa7: {  	s28 =	simm.s32 $_size_execute0_lowered;
	s2 =	sadd.s32 s2, s4;
	[dreg:$0x0] =	wrdreg $0x0  }
0xa8: {  	s4 =	sshll.u32 s28, $0x1;
	[dreg:$0x2] =	wrdreg s2  }
0xa9: {  	[dreg:$0x3] =	wrdreg s4  }
0xaa: {  	[dreg:$0x4] =	wrdreg $0xC0  }
0xab: {  	_ =	task [dreg:s6], $0x5FFFF  }
0xac: {  	[dreg:$0x1] =	wrdreg $0xFFFFFFFF  }
0xad: {  	[dreg:$0x0] =	wrdreg $0x60  }
0xae: {  	[dreg:$0x2] =	wrdreg s24  }
0xaf: {  	[dreg:$0x3] =	wrdreg $0x50000  }
0xb0: {  	[dreg:$0x4] =	wrdreg $0x9  }
0xb1: {  	_ =	task.clear_ibuf [dreg:s6], $0x5FFFF;
	_ =	strace $0x90000049  }
0xb2: {  	s29 =	simm.s32 $0x9;
	_ =	strace $0x8000004B  }
0xb3: {  	_ =	swait.ge [sflag:s29], $0x1  }
0xb4: {  	[sflag:s29] =	ssyncadd.s32 $0xFFFFFFFF  }
0xb5: {  	_ =	strace $0x9000004B  }
0xb6: {  	_ =	sfence  }
0xb7: {  	s30 =	sld [smem:$0x0];
	_ =	sdelay $0x2  }
0xb8: {  	s31 =	sshll.u32 s1, $0xD;
	s1 =	sshrl.u32 s1, $0x2  }
0xb9: {  	s3 =	sand.u32 $0x4000, s31;
	s1 =	sadd.s32 s1, s30  }
0xba: {  	s0 =	sor.u32 s3, s0;
	s1 =	sshll.u32 s1, $0x11  }
0xbb: {  	s0 =	sor.u32 s1, s0  }
0xbc: {  	s0 =	sadd.s32 $0x8F2B, s0  }
0xbd: {  	[sflag:s0] =	ssyncadd.remote.s32 $0x1  }
0xbe: {  	_ =	sfence.sel $0xFFFF  }
0xbf: {  	[dreg:$0x0] =	wrdreg $0xFFFFFFFF;
	(pc) =	sbr.abs _section_cstart, $3  }
0xc0: {  	[dreg:$0x1] =	wrdreg $0xFFFFFFFF  }
0xc1: {  	_ =	task.clear_ibuf [dreg:s6], $0x2FFFF;
	_ =	strace $0x9FFFFFFF  }
0xc2: {  	(tm) =	ssettm $0x7FFFFFFF  }
0xc3: {  	_ =	shalt  }
tec
execute0_lowered:
.L_overlay_start_1:
0x0: {  	(tag) =	ssettag $0x1  }
0x1: {  	s0 =	rddreg [dreg:$0x0]  }
0x2: {  	s1 =	rddreg [dreg:$0x1];
	s15 =	stileid.u32  }
0x3: {  	s2 =	srdreg.scid;
	s12 =	smul.u32 $0x18700, s15  }
0x4: {  	s3 =	simm.s32 $0x0;
	s2 =	sand.u32 $0x1, s2;
	s10 =	smul.u32 $0x61C00, s15  }
0x5: {  	[smem:$0x7FF] =	sst s3;
	s7 =	smul.u32 $0x187000, s2;
	s11 =	ssub.s32 $0x2, s2  }
0x6: {  	_ =	strace $0x8000004A;
	s13 =	sshrl.u32 s11, $0x1;
	s14 =	sshrl.u32 s10, $0x2  }
0x7: {  	s8 =	sadd.s32 s12, s7;
	s25 =	ssub.s32 s11, s13;
	s11 =	sadd.s32 s14, s1  }
0x8: {  	s10 =	smul.u32 $0x1900000, s2;
	s9 =	sshrl.u32 s8, $0x3;
	s17 =	sadd.s32 $0x18000, s11  }
0x9: {  	s8 =	smul.u32 $0xC8000, s2;
	s2 =	smax.u32 s25, $0x1;
	[dreg:$0x3] =	wrdreg s17  }
0xa: {  	s21 =	sadd.s32 $0x1000, s11;
	[dreg:$0x8] =	wrdreg s2  }
0xb: {  	s28 =	simm.s32 $0x3;
	s22 =	sadd.s32 $0x2000, s11;
	[dreg:$0x9] =	wrdreg s21  }
0xc: {  	s29 =	simm.s32 $0x2000;
	s23 =	sadd.s32 $0x3000, s11;
	[dreg:$0xa] =	wrdreg s22  }
0xd: {  	s26 =	smul.u32 $0x190000, s15;
	s24 =	sadd.s32 $0x4000, s11;
	[dreg:$0xb] =	wrdreg s23  }
0xe: {  	s30 =	simm.s32 $0x4000;
	s25 =	sadd.s32 $0x5000, s11;
	[dreg:$0xc] =	wrdreg s24  }
0xf: {  	s14 =	sadd.s32 s26, s10;
	s26 =	sadd.s32 $0x6000, s11;
	[dreg:$0xd] =	wrdreg s25  }
0x10: {  	s20 =	sadd.s32 s12, s1;
	s12 =	sadd.s32 $0x7000, s11;
	[dreg:$0xe] =	wrdreg s26  }
0x11: {  	s31 =	simm.s32 $0x2;
	[dreg:$0x10] =	wrdreg s12;
	s17 =	sadd.s32 $0xB000, s11  }
0x12: {  	s4 =	sadd.s32 $0x3200, s0;
	s21 =	sadd.s32 $0xF000, s11;
	[dreg:$0x14] =	wrdreg s17  }
0x13: {  	s5 =	sadd.s32 $0xAA1E00, s0;
	s22 =	sadd.s32 $0x10000, s11;
	[dreg:$0x18] =	wrdreg s21  }
0x14: {  	s6 =	sadd.s32 $0xF8000, s0;
	s23 =	sadd.s32 $0x11000, s11;
	[dreg:$0x19] =	wrdreg s22  }
0x15: {  	s7 =	sadd.s32 $0x431000, s0;
	s24 =	sadd.s32 $0x12000, s11;
	[dreg:$0x1a] =	wrdreg s23  }
0x16: {  	s13 =	smul.u32 $0x190, s15;
	s25 =	sadd.s32 $0x13000, s11;
	[dreg:$0x1b] =	wrdreg s24  }
0x17: {  	s14 =	sshrl.u32 s14, $0x3;
	s26 =	sadd.s32 $0x14000, s11;
	[dreg:$0x1c] =	wrdreg s25  }
0x18: {  	s0 =	sadd.s32 s9, s0;
	s14 =	sadd.s32 s7, s14;
	[dreg:$0x1d] =	wrdreg s26  }
0x19: {  	s9 =	smul.u32 $0xC800, s15;
	s0 =	sadd.s32 $0x64E00, s0;
	[dreg:$0x6] =	wrdreg s14  }
0x1a: {  	s21 =	sadd.s32 $0x16000, s11;
	[dreg:$0x7] =	wrdreg s0;
	s0 =	sshrl.u32 s20, $0x3  }
0x1b: {  	s22 =	sadd.s32 $0x17000, s11;
	s14 =	sadd.s32 $0x8000, s11;
	[dreg:$0xf] =	wrdreg s0  }
0x1c: {  	s16 =	sshrl.u32 s9, $0x3;
	s20 =	sadd.s32 $0xE000, s11;
	[dreg:$0x11] =	wrdreg s14  }
0x1d: {  	s23 =	simm.s32 $0x1000;
	s19 =	sadd.s32 s6, s16;
	[dreg:$0x17] =	wrdreg s20  }
0x1e: {  	s18 =	sadd.s32 s9, s8;
	s16 =	sadd.s32 $0xA000, s11;
	[dreg:$0x5] =	wrdreg s19  }
0x1f: {  	s15 =	sshrl.u32 s18, $0x3;
	s18 =	sadd.s32 $0xC000, s11;
	[dreg:$0x13] =	wrdreg s16  }
0x20: {  	s24 =	simm.s32 $0x5;
	s15 =	sadd.s32 s5, s15;
	[dreg:$0x15] =	wrdreg s18  }
0x21: {  	s25 =	simm.s32 $0x80;
	s19 =	sadd.s32 $0xD000, s11;
	[dreg:$0x4] =	wrdreg s15  }
0x22: {  	s26 =	simm.s32 $0x1;
	s15 =	sadd.s32 $0x9000, s11;
	[dreg:$0x16] =	wrdreg s19  }
0x23: {  	v0 =	vimm.f32 $0.0e+00;
	s20 =	sadd.s32 $0x15000, s11;
	s0 =	simm.s32 $0x4;
	[dreg:$0x12] =	wrdreg s15  }
.LBB2_1:
0x24: {  	s2 =	simm.s32 $0x80;
	s12 =	simm.s32 $0x0  }
.LBB2_2:
0x25: {  	p0 =	sne.s32 s2, $0x3F80;
	[tilespmem:s12+$0x1000] =	vst v0;
	s14 =	smov.u32 s2;
	s2 =	sadd.s32 $0x80, s2  }
.Ltmp0:
0x26: {  	[tilespmem:s12+$0x1010] =	vst v0;
	(pc) =	sbr.rel @p0 .LBB2_2-.Ltmp0, $2  }
0x27: {  	_ =	sdelay $0x2  }
0x28: {  	s12 =	sshra.s32 s14, $0x2  }
0x29: {  	[tilespmem:s12+$0x1000] =	vst v0  }
0x2a: {  	[tilespmem:s12+$0x1010] =	vst v0  }
0x2b: {  	[spmem:s11] =	stream.linear.scatter [tilespmem:s23], [sflag:$0x5], $0x1000, $0x38;
	[tilespmem:$0x1D700] =	vst v63  }
0x2c: {  	_ =	swait.ge [sflag:s24], $0x1000  }
0x2d: {  	[sflag:s24] =	ssyncset.done $0x0  }
0x2e: {  	s2 =	rddreg [dreg:$0x9];
	[sflag:s24] =	ssyncadd.s32 $0xFFFFF000  }
0x2f: {  	[spmem:s2] =	stream.linear.scatter [tilespmem:s23], [sflag:$0x5], $0x1000, $0x38;
	[tilespmem:$0x1D700] =	vst v63  }
0x30: {  	_ =	swait.ge [sflag:s24], $0x1000  }
0x31: {  	[sflag:s24] =	ssyncset.done $0x0  }
0x32: {  	s17 =	rddreg [dreg:$0xa];
	[sflag:s24] =	ssyncadd.s32 $0xFFFFF000  }
0x33: {  	[spmem:s17] =	stream.linear.scatter [tilespmem:s23], [sflag:$0x5], $0x1000, $0x38;
	[tilespmem:$0x1D700] =	vst v63  }
0x34: {  	_ =	swait.ge [sflag:s24], $0x1000  }
0x35: {  	[sflag:s24] =	ssyncset.done $0x0  }
0x36: {  	s18 =	rddreg [dreg:$0xb];
	[sflag:s24] =	ssyncadd.s32 $0xFFFFF000  }
0x37: {  	[spmem:s18] =	stream.linear.scatter [tilespmem:s23], [sflag:$0x5], $0x1000, $0x38;
	[tilespmem:$0x1D700] =	vst v63  }
0x38: {  	_ =	swait.ge [sflag:s24], $0x1000  }
0x39: {  	[sflag:s24] =	ssyncset.done $0x0  }
0x3a: {  	s19 =	rddreg [dreg:$0xc];
	[sflag:s24] =	ssyncadd.s32 $0xFFFFF000  }
0x3b: {  	[spmem:s19] =	stream.linear.scatter [tilespmem:s23], [sflag:$0x5], $0x1000, $0x38;
	[tilespmem:$0x1D700] =	vst v63  }
0x3c: {  	_ =	swait.ge [sflag:s24], $0x1000  }
0x3d: {  	[sflag:s24] =	ssyncset.done $0x0  }
0x3e: {  	s12 =	rddreg [dreg:$0xd];
	[sflag:s24] =	ssyncadd.s32 $0xFFFFF000  }
0x3f: {  	[spmem:s12] =	stream.linear.scatter [tilespmem:s23], [sflag:$0x5], $0x1000, $0x38;
	[tilespmem:$0x1D700] =	vst v63  }
0x40: {  	_ =	swait.ge [sflag:s24], $0x1000  }
0x41: {  	[sflag:s24] =	ssyncset.done $0x0  }
0x42: {  	s14 =	rddreg [dreg:$0xe];
	[sflag:s24] =	ssyncadd.s32 $0xFFFFF000  }
0x43: {  	[spmem:s14] =	stream.linear.scatter [tilespmem:s23], [sflag:$0x5], $0x1000, $0x38;
	[tilespmem:$0x1D700] =	vst v63  }
0x44: {  	_ =	swait.ge [sflag:s24], $0x1000  }
0x45: {  	[sflag:s24] =	ssyncset.done $0x0  }
0x46: {  	s15 =	rddreg [dreg:$0x10];
	[sflag:s24] =	ssyncadd.s32 $0xFFFFF000  }
0x47: {  	[spmem:s15] =	stream.linear.scatter [tilespmem:s23], [sflag:$0x5], $0x1000, $0x38;
	[tilespmem:$0x1D700] =	vst v63  }
0x48: {  	_ =	swait.ge [sflag:s24], $0x1000  }
0x49: {  	[sflag:s24] =	ssyncset.done $0x0  }
0x4a: {  	s16 =	rddreg [dreg:$0x11];
	[sflag:s24] =	ssyncadd.s32 $0xFFFFF000  }
0x4b: {  	[spmem:s16] =	stream.linear.scatter [tilespmem:s23], [sflag:$0x5], $0x1000, $0x38;
	[tilespmem:$0x1D700] =	vst v63  }
0x4c: {  	_ =	swait.ge [sflag:s24], $0x1000  }
0x4d: {  	[sflag:s24] =	ssyncset.done $0x0  }
0x4e: {  	s17 =	rddreg [dreg:$0x12];
	[sflag:s24] =	ssyncadd.s32 $0xFFFFF000  }
0x4f: {  	[spmem:s17] =	stream.linear.scatter [tilespmem:s23], [sflag:$0x5], $0x1000, $0x38;
	[tilespmem:$0x1D700] =	vst v63  }
0x50: {  	_ =	swait.ge [sflag:s24], $0x1000  }
0x51: {  	[sflag:s24] =	ssyncset.done $0x0  }
0x52: {  	s18 =	rddreg [dreg:$0x13];
	[sflag:s24] =	ssyncadd.s32 $0xFFFFF000  }
0x53: {  	[spmem:s18] =	stream.linear.scatter [tilespmem:s23], [sflag:$0x5], $0x1000, $0x38;
	[tilespmem:$0x1D700] =	vst v63  }
0x54: {  	_ =	swait.ge [sflag:s24], $0x1000  }
0x55: {  	[sflag:s24] =	ssyncset.done $0x0  }
0x56: {  	s19 =	rddreg [dreg:$0x14];
	[sflag:s24] =	ssyncadd.s32 $0xFFFFF000  }
0x57: {  	[spmem:s19] =	stream.linear.scatter [tilespmem:s23], [sflag:$0x5], $0x1000, $0x38;
	[tilespmem:$0x1D700] =	vst v63  }
0x58: {  	_ =	swait.ge [sflag:s24], $0x1000  }
0x59: {  	[sflag:s24] =	ssyncset.done $0x0  }
0x5a: {  	s12 =	rddreg [dreg:$0x15];
	[sflag:s24] =	ssyncadd.s32 $0xFFFFF000  }
0x5b: {  	[spmem:s12] =	stream.linear.scatter [tilespmem:s23], [sflag:$0x5], $0x1000, $0x38;
	[tilespmem:$0x1D700] =	vst v63  }
0x5c: {  	_ =	swait.ge [sflag:s24], $0x1000  }
0x5d: {  	[sflag:s24] =	ssyncset.done $0x0  }
0x5e: {  	s14 =	rddreg [dreg:$0x16];
	[sflag:s24] =	ssyncadd.s32 $0xFFFFF000  }
0x5f: {  	[spmem:s14] =	stream.linear.scatter [tilespmem:s23], [sflag:$0x5], $0x1000, $0x38;
	[tilespmem:$0x1D700] =	vst v63  }
0x60: {  	_ =	swait.ge [sflag:s24], $0x1000  }
0x61: {  	[sflag:s24] =	ssyncset.done $0x0  }
0x62: {  	s15 =	rddreg [dreg:$0x17];
	[sflag:s24] =	ssyncadd.s32 $0xFFFFF000  }
0x63: {  	[spmem:s15] =	stream.linear.scatter [tilespmem:s23], [sflag:$0x5], $0x1000, $0x38;
	[tilespmem:$0x1D700] =	vst v63  }
0x64: {  	_ =	swait.ge [sflag:s24], $0x1000  }
0x65: {  	[sflag:s24] =	ssyncset.done $0x0  }
0x66: {  	s16 =	rddreg [dreg:$0x18];
	[sflag:s24] =	ssyncadd.s32 $0xFFFFF000  }
0x67: {  	[spmem:s16] =	stream.linear.scatter [tilespmem:s23], [sflag:$0x5], $0x1000, $0x38;
	[tilespmem:$0x1D700] =	vst v63  }
0x68: {  	_ =	swait.ge [sflag:s24], $0x1000  }
0x69: {  	[sflag:s24] =	ssyncset.done $0x0  }
0x6a: {  	s17 =	rddreg [dreg:$0x19];
	[sflag:s24] =	ssyncadd.s32 $0xFFFFF000  }
0x6b: {  	[spmem:s17] =	stream.linear.scatter [tilespmem:s23], [sflag:$0x5], $0x1000, $0x38;
	[tilespmem:$0x1D700] =	vst v63  }
0x6c: {  	_ =	swait.ge [sflag:s24], $0x1000  }
0x6d: {  	[sflag:s24] =	ssyncset.done $0x0  }
0x6e: {  	s18 =	rddreg [dreg:$0x1a];
	[sflag:s24] =	ssyncadd.s32 $0xFFFFF000  }
0x6f: {  	[spmem:s18] =	stream.linear.scatter [tilespmem:s23], [sflag:$0x5], $0x1000, $0x38;
	[tilespmem:$0x1D700] =	vst v63  }
0x70: {  	_ =	swait.ge [sflag:s24], $0x1000  }
0x71: {  	[sflag:s24] =	ssyncset.done $0x0  }
0x72: {  	s19 =	rddreg [dreg:$0x1b];
	[sflag:s24] =	ssyncadd.s32 $0xFFFFF000  }
0x73: {  	[spmem:s19] =	stream.linear.scatter [tilespmem:s23], [sflag:$0x5], $0x1000, $0x38;
	[tilespmem:$0x1D700] =	vst v63  }
0x74: {  	_ =	swait.ge [sflag:s24], $0x1000  }
0x75: {  	[sflag:s24] =	ssyncset.done $0x0  }
0x76: {  	s12 =	rddreg [dreg:$0x1c];
	[sflag:s24] =	ssyncadd.s32 $0xFFFFF000  }
0x77: {  	[spmem:s12] =	stream.linear.scatter [tilespmem:s23], [sflag:$0x5], $0x1000, $0x38;
	[tilespmem:$0x1D700] =	vst v63  }
0x78: {  	_ =	swait.ge [sflag:s24], $0x1000  }
0x79: {  	[sflag:s24] =	ssyncset.done $0x0  }
0x7a: {  	s14 =	rddreg [dreg:$0x1d];
	[sflag:s24] =	ssyncadd.s32 $0xFFFFF000  }
0x7b: {  	[spmem:s14] =	stream.linear.scatter [tilespmem:s23], [sflag:$0x5], $0x1000, $0x38;
	[tilespmem:$0x1D700] =	vst v63  }
0x7c: {  	_ =	swait.ge [sflag:s24], $0x1000  }
0x7d: {  	[sflag:s24] =	ssyncset.done $0x0  }
0x7e: {  	[sflag:s24] =	ssyncadd.s32 $0xFFFFF000  }
0x7f: {  	[spmem:s20] =	stream.linear.scatter [tilespmem:s23], [sflag:$0x5], $0x1000, $0x38;
	[tilespmem:$0x1D700] =	vst v63  }
0x80: {  	_ =	swait.ge [sflag:s24], $0x1000  }
0x81: {  	[sflag:s24] =	ssyncset.done $0x0  }
0x82: {  	[sflag:s24] =	ssyncadd.s32 $0xFFFFF000  }
0x83: {  	[spmem:s21] =	stream.linear.scatter [tilespmem:s23], [sflag:$0x5], $0x1000, $0x38;
	[tilespmem:$0x1D700] =	vst v63  }
0x84: {  	_ =	swait.ge [sflag:s24], $0x1000  }
0x85: {  	[sflag:s24] =	ssyncset.done $0x0  }
0x86: {  	[sflag:s24] =	ssyncadd.s32 $0xFFFFF000  }
0x87: {  	[spmem:s22] =	stream.linear.scatter [tilespmem:s23], [sflag:$0x5], $0x1000, $0x38;
	[tilespmem:$0x1D700] =	vst v63  }
0x88: {  	_ =	swait.ge [sflag:s24], $0x1000  }
0x89: {  	[sflag:s24] =	ssyncset.done $0x0  }
0x8a: {  	s15 =	rddreg [dreg:$0x3];
	[sflag:s24] =	ssyncadd.s32 $0xFFFFF000  }
0x8b: {  	[spmem:s15] =	stream.linear.scatter [tilespmem:s23], [sflag:$0x5], $0x700, $0x38;
	[tilespmem:$0x1D700] =	vst v63  }
0x8c: {  	_ =	swait.ge [sflag:s24], $0x700  }
0x8d: {  	[sflag:s24] =	ssyncset.done $0x0  }
0x8e: {  	[sflag:s24] =	ssyncadd.s32 $0xFFFFF900  }
0x8f: {  	[bflag:$0x0] =	sbarrier.arrive $0xFFFF  }
0x90: {  	s2 =	simm.s32 $0x0;
	s16 =	rddreg [dreg:$0x4]  }
0x91: {  	[tilespmem:s2], [sflag:$0x5] =	stream.linear.gather [hbm4b:s16+s2], $0x800, $0x38;
	[tilespmem:$0x1D700] =	vst v63  }
0x92: {  	_ =	swait.ge [sflag:s24], $0x800  }
0x93: {  	[sflag:s24] =	ssyncset.done $0x0  }
0x94: {  	s14 =	simm.s32 $0x800;
	s17 =	rddreg [dreg:$0x5];
	[sflag:s24] =	ssyncadd.s32 $0xFFFFF800  }
0x95: {  	[tilespmem:s14], [sflag:$0x5] =	stream.linear.gather [hbm4b:s17+s2], $0x800, $0x38;
	[tilespmem:$0x1D700] =	vst v63  }
0x96: {  	_ =	swait.ge [sflag:s24], $0x800  }
0x97: {  	[sflag:s24] =	ssyncset.done $0x0  }
0x98: {  	[sflag:s24] =	ssyncadd.s32 $0xFFFFF800  }
0x99: {  	[tilespmem:s23], [sflag:$0x1] =	stream.indirect.gather [hbm4b:s4+s25], $0x20, s2, s25, $0xb8;
	[tilespmem:$0x1D700] =	vst v63  }
0x9a: {  	s19 =	simm.s32 $0x3000;
	s12 =	simm.s32 $0x0;
	s18 =	rddreg [dreg:$0x6]  }
0x9b: {  	[tilespmem:s19], [sflag:$0x3] =	stream.linear.gather [hbm4b:s18+s2], $0x1000, $0x38;
	[tilespmem:$0x1D700] =	vst v63  }
.LBB2_4:
0x9c: {  	_ =	swait.ge [sflag:s26], $0x1000  }
0x9d: {  	[sflag:s26] =	ssyncset.done $0x0  }
0x9e: {  	[sflag:s26] =	ssyncadd.s32 $0xFFFFF000  }
0x9f: {  	s16 =	sshllo.u32 s12, $0x1;
	_ =	swait.ge [sflag:s28], $0x1000  }
0xa0: {  	s14 =	sshll.u32 s16, $0x7;
	[sflag:s28] =	ssyncset.done $0x0  }
0xa1: {  	s19 =	sadd.s32 s13, s16;
	s14 =	sand.u32 $0x780, s14;
	[sflag:s28] =	ssyncadd.s32 $0xFFFFF000  }
0xa2: {  	[tilespmem:s29], [sflag:$0x2] =	stream.indirect.gather [hbm4b:s4+s25], $0x20, s14, s25, $0xb8;
	[tilespmem:$0x1D700] =	vst v63  }
0xa3: {  	s14 =	sshll.u32 s19, $0xC  }
0xa4: {  	s14 =	sadd.s32 s10, s14  }
0xa5: {  	s14 =	sshrl.u32 s14, $0x3  }
0xa6: {  	s15 =	simm.s32 $0x0;
	s14 =	sadd.s32 s7, s14  }
0xa7: {  	[tilespmem:s30], [sflag:$0x4] =	stream.linear.gather [hbm4b:s14+s2], $0x1000, $0x38;
	[tilespmem:$0x1D700] =	vst v63  }
0xa8: {  	v7 =	vld [tilespmem:s15+$0x3000]  }
0xa9: {  	v12 =	vld [tilespmem:s15+$0x3010]  }
0xaa: {  	v6 =	vld [tilespmem:s15+$0x3020]  }
0xab: {  	v5 =	vld [tilespmem:s15+$0x3030]  }
0xac: {  	v4 =	vld [tilespmem:s15+$0x3040]  }
0xad: {  	v3 =	vld [tilespmem:s15+$0x3050]  }
0xae: {  	v2 =	vld [tilespmem:s15+$0x3060]  }
0xaf: {  	v1 =	vld [tilespmem:s15+$0x3070]  }
0xb0: {  	v13 =	vld [tilespmem:s15+$0x1000]  }
0xb1: {  	v14 =	vld [tilespmem:s15+$0x1010]  }
0xb2: {  	v11 =	vld [tilespmem:s15+$0x1020]  }
0xb3: {  	v10 =	vld [tilespmem:s15+$0x1030]  }
0xb4: {  	v9 =	vld [tilespmem:s15+$0x1040]  }
0xb5: {  	v8 =	vld [tilespmem:s15+$0x1050];
	v13 =	vadd.f32 v7, v13  }
0xb6: {  	s17 =	simm.s32 $0x200;
	s14 =	sshll.u32 s12, $0x1;
	v12 =	vadd.f32 v12, v14;
	v7 =	vld [tilespmem:s15+$0x1060]  }
.LBB2_5:
0xb7: {  	s18 =	sshra.s32 s17, $0x2;
	p0 =	sne.s32 s17, $0x3E00;
	v13 =	vmax.f32 v13, $0.0e+00;
	v6 =	vadd.f32 v6, v11;
	v11 =	vld [tilespmem:s15+$0x1070]  }
0xb8: {  	v14 =	vld [tilespmem:s18+$0x3000];
	[tilespmem:s15+$0x1000] =	vst v13;
	v12 =	vmax.f32 v12, $0.0e+00;
	v5 =	vadd.f32 v5, v10  }
0xb9: {  	v15 =	vld [tilespmem:s18+$0x3010];
	[tilespmem:s15+$0x1010] =	vst v12;
	v10 =	vmax.f32 v6, $0.0e+00;
	v4 =	vadd.f32 v4, v9  }
0xba: {  	v6 =	vld [tilespmem:s18+$0x3020];
	[tilespmem:s15+$0x1020] =	vst v10;
	v9 =	vmax.f32 v5, $0.0e+00;
	v3 =	vadd.f32 v3, v8  }
0xbb: {  	v5 =	vld [tilespmem:s18+$0x3030];
	[tilespmem:s15+$0x1030] =	vst v9;
	v8 =	vmax.f32 v4, $0.0e+00;
	v2 =	vadd.f32 v2, v7  }
0xbc: {  	v4 =	vld [tilespmem:s18+$0x3040];
	[tilespmem:s15+$0x1040] =	vst v8;
	v7 =	vmax.f32 v3, $0.0e+00;
	v1 =	vadd.f32 v1, v11  }
0xbd: {  	v3 =	vld [tilespmem:s18+$0x3050];
	[tilespmem:s15+$0x1050] =	vst v7;
	v7 =	vmax.f32 v2, $0.0e+00  }
0xbe: {  	v2 =	vld [tilespmem:s18+$0x3060];
	[tilespmem:s15+$0x1060] =	vst v7;
	v7 =	vmax.f32 v1, $0.0e+00  }
0xbf: {  	v1 =	vld [tilespmem:s18+$0x3070];
	[tilespmem:s15+$0x1070] =	vst v7;
	s15 =	smov.u32 s18  }
0xc0: {  	v7 =	vld [tilespmem:s15+$0x1000]  }
0xc1: {  	v12 =	vld [tilespmem:s15+$0x1010]  }
.Ltmp1:
0xc2: {  	v11 =	vld [tilespmem:s15+$0x1020];
	(pc) =	sbr.rel @p0 .LBB2_5-.Ltmp1, $4  }
0xc3: {  	v10 =	vld [tilespmem:s15+$0x1030]  }
0xc4: {  	v9 =	vld [tilespmem:s15+$0x1040]  }
0xc5: {  	v13 =	vadd.f32 v14, v7;
	v8 =	vld [tilespmem:s15+$0x1050]  }
0xc6: {  	s17 =	sadd.s32 $0x200, s17;
	v12 =	vadd.f32 v15, v12;
	v7 =	vld [tilespmem:s15+$0x1060]  }
0xc7: {  	v13 =	vmax.f32 v13, $0.0e+00;
	v6 =	vadd.f32 v6, v11;
	v11 =	vld [tilespmem:s15+$0x1070]  }
0xc8: {  	[tilespmem:s15+$0x1000] =	vst v13;
	v12 =	vmax.f32 v12, $0.0e+00;
	v5 =	vadd.f32 v5, v10  }
0xc9: {  	[tilespmem:s15+$0x1010] =	vst v12;
	v6 =	vmax.f32 v6, $0.0e+00;
	v4 =	vadd.f32 v4, v9  }
0xca: {  	[tilespmem:s15+$0x1020] =	vst v6;
	v5 =	vmax.f32 v5, $0.0e+00;
	v3 =	vadd.f32 v3, v8  }
0xcb: {  	[tilespmem:s15+$0x1030] =	vst v5;
	v4 =	vmax.f32 v4, $0.0e+00;
	v2 =	vadd.f32 v2, v7  }
0xcc: {  	[tilespmem:s15+$0x1040] =	vst v4;
	v3 =	vmax.f32 v3, $0.0e+00;
	v1 =	vadd.f32 v1, v11  }
0xcd: {  	s17 =	sshll.u32 s12, $0x8;
	[tilespmem:s15+$0x1050] =	vst v3;
	v2 =	vmax.f32 v2, $0.0e+00  }
0xce: {  	s17 =	sand.u32 $0x700, s17;
	[tilespmem:s15+$0x1060] =	vst v2;
	v1 =	vmax.f32 v1, $0.0e+00  }
0xcf: {  	s19 =	sor.u32 $0x800, s17;
	[tilespmem:s15+$0x1070] =	vst v1  }
0xd0: {  	[spmem:s1] =	stream.indirect.scatter.add.f32 [tilespmem:s23], [sflag:$0x5], $0x20, s19, s25, $0xb8;
	[tilespmem:$0x1D700] =	vst v63  }
0xd1: {  	_ =	swait.ge [sflag:s24], $0x1000  }
0xd2: {  	p0 =	sgt.u32 s16, $0x18E;
	s15 =	sand.u32 $0xF, s16;
	[sflag:s24] =	ssyncset.done $0x0  }
0xd3: {  	p1 =	seq.s32 @!p0 s15, $0xF;
	[sflag:s24] =	ssyncadd.s32 $0xFFFFF000  }
0xd4: {  	p1 =	por p1, p0;
	_ =	swait.ge [sflag:s31], $0x1000  }
0xd5: {  	s16 =	sadd.s32 @!p1 $0x2, s14;
	[sflag:s31] =	ssyncset.done $0x0  }
0xd6: {  	s17 =	sshll.u32 @!p1 s16, $0x7;
	s16 =	sadd.s32 @!p1 s13, s16;
	[sflag:s31] =	ssyncadd.s32 $0xFFFFF000  }
0xd7: {  	s18 =	simm.s32 @!p1 $0x80;
	s16 =	sshll.u32 @!p1 s16, $0xC;
	_ =	swait.ge [sflag:s0], $0x1000  }
0xd8: {  	s19 =	simm.s32 @!p1 $0x1000;
	s16 =	sadd.s32 @!p1 s10, s16;
	[sflag:s0] =	ssyncset.done $0x0  }
0xd9: {  	s17 =	sand.u32 @!p1 $0x700, s17;
	s16 =	sshrl.u32 @!p1 s16, $0x3;
	[sflag:s0] =	ssyncadd.s32 $0xFFFFF000  }
0xda: {  	[tilespmem:s19], [sflag:$0x1] =	stream.indirect.gather @!p1 [hbm4b:s4+s18], $0x20, s17, s18, $0xb8;
	[tilespmem:$0x1D700] =	vst v63  }
0xdb: {  	s16 =	sadd.s32 @!p1 s7, s16;
	s17 =	simm.s32 @!p1 $0x0;
	s18 =	simm.s32 @!p1 $0x3000  }
0xdc: {  	[tilespmem:s18], [sflag:$0x3] =	stream.linear.gather @!p1 [hbm4b:s16+s17], $0x1000, $0x38;
	[tilespmem:$0x1D700] =	vst v63  }
0xdd: {  	s16 =	simm.s32 $0x0  }
0xde: {  	v7 =	vld [tilespmem:s16+$0x4000]  }
0xdf: {  	v12 =	vld [tilespmem:s16+$0x4010]  }
0xe0: {  	v6 =	vld [tilespmem:s16+$0x4020]  }
0xe1: {  	v5 =	vld [tilespmem:s16+$0x4030]  }
0xe2: {  	v4 =	vld [tilespmem:s16+$0x4040]  }
0xe3: {  	v3 =	vld [tilespmem:s16+$0x4050]  }
0xe4: {  	v2 =	vld [tilespmem:s16+$0x4060]  }
0xe5: {  	v1 =	vld [tilespmem:s16+$0x4070]  }
0xe6: {  	v13 =	vld [tilespmem:s16+$0x2000]  }
0xe7: {  	v14 =	vld [tilespmem:s16+$0x2010]  }
0xe8: {  	v11 =	vld [tilespmem:s16+$0x2020]  }
0xe9: {  	v10 =	vld [tilespmem:s16+$0x2030]  }
0xea: {  	v9 =	vld [tilespmem:s16+$0x2040]  }
0xeb: {  	v8 =	vld [tilespmem:s16+$0x2050];
	v13 =	vadd.f32 v7, v13  }
0xec: {  	s17 =	simm.s32 $0x200;
	v12 =	vadd.f32 v12, v14;
	v7 =	vld [tilespmem:s16+$0x2060]  }
.LBB2_7:
0xed: {  	s18 =	sshra.s32 s17, $0x2;
	p1 =	sne.s32 s17, $0x3E00;
	v13 =	vmax.f32 v13, $0.0e+00;
	v6 =	vadd.f32 v6, v11;
	v11 =	vld [tilespmem:s16+$0x2070]  }
0xee: {  	v14 =	vld [tilespmem:s18+$0x4000];
	[tilespmem:s16+$0x2000] =	vst v13;
	v12 =	vmax.f32 v12, $0.0e+00;
	v5 =	vadd.f32 v5, v10  }
0xef: {  	v15 =	vld [tilespmem:s18+$0x4010];
	[tilespmem:s16+$0x2010] =	vst v12;
	v10 =	vmax.f32 v6, $0.0e+00;
	v4 =	vadd.f32 v4, v9  }
0xf0: {  	v6 =	vld [tilespmem:s18+$0x4020];
	[tilespmem:s16+$0x2020] =	vst v10;
	v9 =	vmax.f32 v5, $0.0e+00;
	v3 =	vadd.f32 v3, v8  }
0xf1: {  	v5 =	vld [tilespmem:s18+$0x4030];
	[tilespmem:s16+$0x2030] =	vst v9;
	v8 =	vmax.f32 v4, $0.0e+00;
	v2 =	vadd.f32 v2, v7  }
0xf2: {  	v4 =	vld [tilespmem:s18+$0x4040];
	[tilespmem:s16+$0x2040] =	vst v8;
	v7 =	vmax.f32 v3, $0.0e+00;
	v1 =	vadd.f32 v1, v11  }
0xf3: {  	v3 =	vld [tilespmem:s18+$0x4050];
	[tilespmem:s16+$0x2050] =	vst v7;
	v7 =	vmax.f32 v2, $0.0e+00  }
0xf4: {  	v2 =	vld [tilespmem:s18+$0x4060];
	[tilespmem:s16+$0x2060] =	vst v7;
	v7 =	vmax.f32 v1, $0.0e+00  }
0xf5: {  	v1 =	vld [tilespmem:s18+$0x4070];
	[tilespmem:s16+$0x2070] =	vst v7;
	s16 =	smov.u32 s18  }
0xf6: {  	v7 =	vld [tilespmem:s16+$0x2000]  }
0xf7: {  	v12 =	vld [tilespmem:s16+$0x2010]  }
.Ltmp2:
0xf8: {  	v11 =	vld [tilespmem:s16+$0x2020];
	(pc) =	sbr.rel @p1 .LBB2_7-.Ltmp2, $4  }
0xf9: {  	v10 =	vld [tilespmem:s16+$0x2030]  }
0xfa: {  	v9 =	vld [tilespmem:s16+$0x2040]  }
0xfb: {  	v13 =	vadd.f32 v14, v7;
	v8 =	vld [tilespmem:s16+$0x2050]  }
0xfc: {  	s17 =	sadd.s32 $0x200, s17;
	v12 =	vadd.f32 v15, v12;
	v7 =	vld [tilespmem:s16+$0x2060]  }
0xfd: {  	v13 =	vmax.f32 v13, $0.0e+00;
	v6 =	vadd.f32 v6, v11;
	v63 =	vld [tilespmem:s16+$0x2070]  }
0xfe: {  	[tilespmem:s16+$0x2000] =	vst v13;
	v12 =	vmax.f32 v12, $0.0e+00;
	v5 =	vadd.f32 v5, v10  }
0xff: {  	[tilespmem:s16+$0x2010] =	vst v12;
	v6 =	vmax.f32 v6, $0.0e+00;
	v4 =	vadd.f32 v4, v9  }
0x100: {  	[tilespmem:s16+$0x2020] =	vst v6;
	v5 =	vmax.f32 v5, $0.0e+00;
	v3 =	vadd.f32 v3, v8  }
0x101: {  	p1 =	sne.s32 @!p0 s15, $0xF;
	[tilespmem:s16+$0x2030] =	vst v5;
	v4 =	vmax.f32 v4, $0.0e+00;
	v2 =	vadd.f32 v2, v7  }
0x102: {  	p0 =	por p1, p0;
	[tilespmem:s16+$0x2040] =	vst v4;
	v3 =	vmax.f32 v3, $0.0e+00;
	v1 =	vadd.f32 v1, v63  }
0x103: {  	s14 =	sadd.s32 @!p0 $0x2, s14;
	[tilespmem:s16+$0x2050] =	vst v3;
	v2 =	vmax.f32 v2, $0.0e+00  }
0x104: {  	s17 =	sshll.u32 s15, $0x7;
	s15 =	sshll.u32 @!p0 s14, $0x7;
	[tilespmem:s16+$0x2060] =	vst v2;
	v1 =	vmax.f32 v1, $0.0e+00  }
0x105: {  	s19 =	sor.u32 $0x800, s17;
	[tilespmem:s16+$0x2070] =	vst v1;
	s16 =	sand.u32 @!p0 $0x1F800, s15  }
0x106: {  	[spmem:s1] =	stream.indirect.scatter.add.f32 [tilespmem:s29], [sflag:$0x5], $0x20, s19, s25, $0xb8;
	[tilespmem:$0x1D700] =	vst v63  }
0x107: {  	s16 =	sadd.s32 @!p0 s9, s16  }
0x108: {  	_ =	swait.ge [sflag:s24], $0x1000;
	s17 =	sadd.s32 @!p0 s8, s16  }
0x109: {  	[sflag:s24] =	ssyncset.done $0x0;
	s17 =	sshrl.u32 @!p0 s17, $0x3  }
0x10a: {  	s18 =	simm.s32 @!p0 $0x0;
	[sflag:s24] =	ssyncadd.s32 $0xFFFFF000;
	s17 =	sadd.s32 @!p0 s5, s17  }
0x10b: {  	[tilespmem:s18], [sflag:$0x5] =	stream.linear.gather @!p0 [hbm4b:s17+s18], $0x800, $0x38;
	[tilespmem:$0x1D700] =	vst v63  }
0x10c: {  	s17 =	simm.s32 @!p0 $0x5  }
0x10d: {  	s14 =	sadd.s32 @!p0 s13, s14;
	_ =	swait.ge @!p0 [sflag:s17], $0x800  }
0x10e: {  	s14 =	sshll.u32 @!p0 s14, $0xC;
	s16 =	sshrl.u32 @!p0 s16, $0x3;
	[sflag:s17] =	ssyncset.done @!p0 $0x0  }
0x10f: {  	s19 =	simm.s32 @!p0 $0x800;
	s16 =	sadd.s32 @!p0 s6, s16;
	[sflag:s17] =	ssyncadd.s32 @!p0 $0xFFFFF800  }
0x110: {  	[tilespmem:s19], [sflag:$0x5] =	stream.linear.gather @!p0 [hbm4b:s16+s18], $0x800, $0x38;
	[tilespmem:$0x1D700] =	vst v63  }
0x111: {  	s14 =	sadd.s32 @!p0 s10, s14;
	_ =	swait.ge @!p0 [sflag:s17], $0x800  }
0x112: {  	s14 =	sshrl.u32 @!p0 s14, $0x3;
	s15 =	sand.u32 @!p0 $0x700, s15;
	[sflag:s17] =	ssyncset.done @!p0 $0x0  }
0x113: {  	s16 =	simm.s32 @!p0 $0x80;
	[sflag:s17] =	ssyncadd.s32 @!p0 $0xFFFFF800;
	s17 =	simm.s32 @!p0 $0x1000  }
0x114: {  	[tilespmem:s17], [sflag:$0x1] =	stream.indirect.gather @!p0 [hbm4b:s4+s16], $0x20, s15, s16, $0xb8;
	[tilespmem:$0x1D700] =	vst v63  }
0x115: {  	s12 =	sadd.s32 $0x1, s12;
	s14 =	sadd.s32 @!p0 s7, s14;
	s15 =	simm.s32 @!p0 $0x3000  }
0x116: {  	[tilespmem:s15], [sflag:$0x3] =	stream.linear.gather @!p0 [hbm4b:s14+s18], $0x1000, $0x38;
	[tilespmem:$0x1D700] =	vst v63  }
0x117: {  	p0 =	sne.s32 s12, $0xC8  }
.Ltmp3:
0x118: {  	_ = 	snop;
	(pc) =	sbr.rel @p0 .LBB2_4-.Ltmp3, $1  }
0x119: {  	_ =	sdelay $0x3  }
0x11a: {  	s2 =	stileid.u32;
	[bflag:$0x0] =	sbarrier.arrive $0xFFFF  }
0x11b: {  	s2 =	sshll.u32 s2, $0x6;
	s12 =	rddreg [dreg:$0x7]  }
0x11c: {  	s14 =	rddreg [dreg:$0xf];
	s2 =	sor.u32 $0x1C05, s2  }
0x11d: {  	[hbm:s12], [sflag:s2] =	dma.local [spmem:s14], $0x30E0  }
0x11e: {  	_ =	swait.ge [sflag:s24], $0x30E0  }
0x11f: {  	s3 =	sadd.s32 $0x1, s3;
	s19 =	rddreg [dreg:$0x8]  }
0x120: {  	p0 =	sne.s32 s3, s19  }
.Ltmp4:
0x121: {  	_ = 	snop;
	(pc) =	sbr.rel @p0 .LBB2_1-.Ltmp4, $3  }
0x122: {  	_ =	sdelay $0x1  }
0x123: {  	[sflag:s24] =	ssyncset.done $0x0  }
0x124: {  	[sflag:s24] =	ssyncadd.s32 $0xFFFFCF20  }
0x125: {  	_ =	sfence.sel $0x180000  }
0x126: {  	[bflag:$0x0] =	sbarrier.arrive $0xFFFF  }
0x127: {  	_ =	strace $0x9000004A  }
0x128: {  	s0 =	stileid.u32;
	[bflag:$0x2] =	sbarrier.arrive $0xFFFF  }
0x129: {  	p0 =	sne.s32 s0, $0x0;
	s0 =	rddreg [dreg:$0x2]  }
0x12a: {  	s0 =	sadd.s32 @!p0 $0x100000, s0  }
0x12b: {  	[sflag:s0] =	ssyncadd.tile.s32 @!p0 $0x1;
	_ =	shalt  }
.Lfunc_end2:
_tile_overlayer_lowered:
.L_overlay_start_2:
0x12c: {  	(tag) =	ssettag $0x2  }
0x12d: {  	s0 =	rddreg [dreg:$0x0];
	s2 =	stileid.u32  }
0x12e: {  	s1 =	rddreg [dreg:$0x1];
	p0 =	sne.s32 s2, $0x0  }
0x12f: {  	s3 =	rddreg [dreg:$0x2];
	[bflag:$0x3] =	sbarrier.arrive $0xFFFF;
	s2 =	simm.s32 @!p0 $0x1C05  }
0x130: {  	[timem:s3], [sflag:s2] =	dma.local @!p0 [hbm:s0], s1  }
0x131: {  	s0 =	simm.s32 @!p0 $0x5  }
0x132: {  	_ =	swait.ge @!p0 [sflag:s0], s1  }
0x133: {  	s1 =	ssub.s32 @!p0 $0x0, s1;
	[sflag:s0] =	ssyncset.done @!p0 $0x0  }
0x134: {  	[sflag:s0] =	ssyncadd.s32 @!p0 s1  }
0x135: {  	[bflag:$0x3] =	sbarrier.arrive $0xFFFF  }
0x136: {  	_ =	shalt  }

// kernel: kernel.7.cloned.1.call-start
scs
__scs_entry_jumppad:
0x0: {  	(pc) =	sbr.rel $0x88, $3  }
0x1: {  	(tag) =	ssettag $0x0;
	lr =	simm.s32 $0x1  }
0x2: {  	[smem:$0x3F8F] =	sst lr;
	_ =	strace $0xD0000000  }
0x3: {  	_ = 	snop  }
0x4: {  	_ = 	snop  }
0x5: {  	_ = 	snop  }
0x6: {  	_ = 	snop  }
0x7: {  	_ = 	snop  }
__scs_overlays_trampoline_lowered:
0x8: {  	[smem:$0x3F9E] =	sst s0  }
0x9: {  	[smem:$0x3F9F] =	sst s1  }
0xa: {  	[smem:$0x3FA0] =	sst s2  }
0xb: {  	[smem:$0x3FA1] =	sst s3  }
0xc: {  	[smem:$0x3FA2] =	sst s4  }
0xd: {  	[smem:$0x3FA3] =	sst s5  }
0xe: {  	[smem:$0x3FA4] =	sst s6  }
0xf: {  	[smem:$0x3FA5] =	sst s7  }
0x10: {  	[smem:$0x3FA6] =	sst s8  }
0x11: {  	[smem:$0x3FA7] =	sst s9;
	s0 =	simm.s32 @!p0 $0x0  }
0x12: {  	s1 =	sld [smem:$0x3F8D];
	s0 =	simm.s32 @p0 $0x1  }
0x13: {  	[smem:$0x3FA8] =	sst s0;
	s0 =	simm.s32 @!p1 $0x0  }
0x14: {  	s2 =	sld [smem:$0x3F8C];
	s0 =	simm.s32 @p1 $0x1  }
0x15: {  	[smem:$0x3FA9] =	sst s0;
	s0 =	simm.s32 @!p2 $0x0  }
0x16: {  	s3 =	sld [smem:$0x3FDB];
	s0 =	simm.s32 @p2 $0x1  }
0x17: {  	s4 =	simm.s32 $0x1BF5;
	[smem:$0x3FAB] =	sst s0  }
0x18: {  	s0 =	sld [smem:$0x3F8E];
	_ =	swait.ge [sflag:s4], $0x0  }
0x19: {  	s7 =	sld [smem:$0x3F8F]  }
0x1a: {  	s8 =	sadd.s32 $0xFFFFE003, lr  }
0x1b: {  	s9 =	sadd.s32 $0xFFFFFEF7, lr;
	s5 =	simm.s32 $0xFFFFFFFF;
	p2 =	slt.u32 s8, $0xFFFFF086  }
0x1c: {  	p1 =	slt.u32 s9, $0xF7A;
	s5 =	simm.s32 @!p2 $0x0  }
0x1d: {  	s5 =	simm.s32 @p1 $0x1;
	p0 =	seq.s32 s7, s2  }
0x1e: {  	s7 =	smul.u32 @!p0 $0xF7A, s2;
	p2 =	seq.s32 @!p0 s5, $0x0  }
0x1f: {  	s9 =	smul.u32 $0xF7A, s1;
	s8 =	simm.s32 @!p0 $0x1BF5;
	p2 =	por !p2, p0  }
0x20: {  	[sflag:s8] =	ssyncset.s32 @!p0 $0xFFFFF086;
	s6 =	sadd.s32 @!p0 s3, s7;
	s7 =	simm.s32 @!p0 $0x108  }
0x21: {  	s3 =	sadd.s32 s3, s9;
	s6 =	sadd.s32 @!p0 $0x88, s6;
	s7 =	simm.s32 @p2 $0x1082  }
0x22: {  	[simem:s7], [sflag:s8] =	dma.local @!p0 [hbm:s6], $0xF7A  }
0x23: {  	s9 =	sor.u32 $0xD0000000, s2;
	s6 =	simm.s32 $0x108;
	_ =	swait.ge @!p0 [sflag:s8], $0x0  }
0x24: {  	s3 =	sadd.s32 $0x88, s3;
	s6 =	simm.s32 @!p1 $0x1082;
	[sflag:s4] =	ssyncset.s32 $0xFFFFF086  }
0x25: {  	[simem:s6], [sflag:s4] =	dma.local [hbm:s3], $0xF7A  }
0x26: {  	[smem:$0x3F8F] =	sst s1;
	(tag) =	ssettag s2;
	_ =	strace s9  }
0x27: {  	s1 =	sld [smem:$0x3F9F]  }
0x28: {  	s2 =	sld [smem:$0x3FA0]  }
0x29: {  	s4 =	sld [smem:$0x3FA2]  }
0x2a: {  	p0 =	seq.s32 s5, $0x0;
	s5 =	sld [smem:$0x3FA3]  }
0x2b: {  	s6 =	sld [smem:$0x3FA4]  }
0x2c: {  	s7 =	sld [smem:$0x3FA5]  }
0x2d: {  	s3 =	simm.s32 $0x108;
	s8 =	sld [smem:$0x3FA6]  }
0x2e: {  	s3 =	simm.s32 @!p0 $0x1082;
	s9 =	sld [smem:$0x3FA7]  }
0x2f: {  	lr =	sadd.s32 s0, s3;
	s0 =	sld [smem:$0x3F9E]  }
0x30: {  	s3 =	sld [smem:$0x3FA1]  }
0x31: {  	[smem:$0x3FAA] =	sst s10  }
0x32: {  	s10 =	sld [smem:$0x3FA8];
	_ =	sdelay $0x3  }
0x33: {  	p0 =	seq.s32 s10, $0x1;
	s10 =	sld [smem:$0x3FAA];
	_ =	sdelay $0x3  }
0x34: {  	[smem:$0x3FAA] =	sst s10  }
0x35: {  	s10 =	sld [smem:$0x3FA9];
	_ =	sdelay $0x3  }
0x36: {  	p1 =	seq.s32 s10, $0x1;
	s10 =	sld [smem:$0x3FAA];
	_ =	sdelay $0x3  }
0x37: {  	[smem:$0x3FAA] =	sst s10  }
0x38: {  	s10 =	sld [smem:$0x3FAB]  }
0x39: {  	_ = 	snop;
	(pc) =	sbr.ind lr, $3  }
0x3a: {  	_ = 	snop  }
0x3b: {  	_ = 	snop  }
0x3c: {  	p2 =	seq.s32 s10, $0x1;
	s10 =	sld [smem:$0x3FAA]  }
0x3d: {  	_ =	shalt  }
0x3e: {  	_ =	shalt  }
0x3f: {  	_ =	shalt  }
0x40: {  	_ =	shalt  }
0x41: {  	_ =	shalt  }
0x42: {  	_ =	shalt  }
0x43: {  	_ =	shalt  }
0x44: {  	_ =	shalt  }
0x45: {  	_ =	shalt  }
0x46: {  	_ =	shalt  }
0x47: {  	_ =	shalt  }
0x48: {  	_ =	shalt  }
0x49: {  	_ =	shalt  }
0x4a: {  	_ =	shalt  }
0x4b: {  	_ =	shalt  }
0x4c: {  	_ =	shalt  }
0x4d: {  	_ =	shalt  }
0x4e: {  	_ =	shalt  }
0x4f: {  	_ =	shalt  }
0x50: {  	_ =	shalt  }
0x51: {  	_ =	shalt  }
0x52: {  	_ =	shalt  }
0x53: {  	_ =	shalt  }
0x54: {  	_ =	shalt  }
0x55: {  	_ =	shalt  }
0x56: {  	_ =	shalt  }
0x57: {  	_ =	shalt  }
0x58: {  	_ =	shalt  }
0x59: {  	_ =	shalt  }
0x5a: {  	_ =	shalt  }
0x5b: {  	_ =	shalt  }
0x5c: {  	_ =	shalt  }
0x5d: {  	_ =	shalt  }
0x5e: {  	_ =	shalt  }
0x5f: {  	_ =	shalt  }
0x60: {  	_ =	shalt  }
0x61: {  	_ =	shalt  }
0x62: {  	_ =	shalt  }
0x63: {  	_ =	shalt  }
0x64: {  	_ =	shalt  }
0x65: {  	_ =	shalt  }
0x66: {  	_ =	shalt  }
0x67: {  	_ =	shalt  }
0x68: {  	_ =	shalt  }
0x69: {  	_ =	shalt  }
0x6a: {  	_ =	shalt  }
0x6b: {  	_ =	shalt  }
0x6c: {  	_ =	shalt  }
0x6d: {  	_ =	shalt  }
0x6e: {  	_ =	shalt  }
0x6f: {  	_ =	shalt  }
0x70: {  	_ =	shalt  }
0x71: {  	_ =	shalt  }
0x72: {  	_ =	shalt  }
0x73: {  	_ =	shalt  }
0x74: {  	_ =	shalt  }
0x75: {  	_ =	shalt  }
0x76: {  	_ =	shalt  }
0x77: {  	_ =	shalt  }
0x78: {  	_ =	shalt  }
0x79: {  	_ =	shalt  }
0x7a: {  	_ =	shalt  }
0x7b: {  	_ =	shalt  }
0x7c: {  	_ =	shalt  }
0x7d: {  	_ =	shalt  }
0x7e: {  	_ =	shalt  }
0x7f: {  	_ =	shalt  }
0x80: {  	_ =	shalt  }
0x81: {  	_ =	shalt  }
0x82: {  	_ =	shalt  }
0x83: {  	_ =	shalt  }
0x84: {  	_ =	shalt  }
0x85: {  	_ =	shalt  }
0x86: {  	_ =	shalt  }
0x87: {  	_ =	shalt  }
.Lfunc_end0:
.L_simem_size_0:
called_computation_lowered:
.L_overlay_start_0:
0x88: {  	s2 =	sld [smem:$0x3FD9]  }
0x89: {  	s3 =	sld [smem:$0x3FFE];
	_ =	sdelay $0x1  }
0x8a: {  	s1 =	srdreg.scid  }
0x8b: {  	s0 =	sand.u32 $0x1, s1  }
0x8c: {  	s16 =	sshll.u32 s0, $0xA;
	s2 =	sadd.s32 s3, s2  }
0x8d: {  	s2 =	sadd.s32 s2, s16  }
0x8e: {  	[smem:$0x3FB6] =	sst s2  }
0x8f: {  	_ = 	snop  }
0x90: {  	(tm) =	ssettm $0x1  }
0x91: {  	s17 =	sld [smem:$0x3FFB];
	_ =	sdelay $0x3  }
0x92: {  	_ =	strace s17  }
0x93: {  	s2 =	sld [smem:$0x3FFC];
	_ =	sdelay $0x3  }
0x94: {  	_ =	strace s2  }
0x95: {  	s2 =	sld [smem:$0x3FFD];
	_ =	sdelay $0x3  }
0x96: {  	_ =	strace s2  }
0x97: {  	_ =	strace $0x8FFFFFFF  }
0x98: {  	s18 =	sld [smem:$0x3FDB];
	_ =	sdelay $0x1  }
0x99: {  	s19 =	simm.s32 $_scs_section_size  }
0x9a: {  	s4 =	simm.s32 $_size__tile_overlayer_lowered;
	s5 =	simm.s32 $_tile_overlayer_lowered  }
0x9b: {  	s22 =	simm.s32 $0x1BFF;
	s21 =	sshll.u32 s5, $0x1;
	s2 =	sadd.s32 s19, s18  }
0x9c: {  	s6 =	simm.s32 $0x0;
	s20 =	sshll.u32 s4, $0x1;
	s4 =	sadd.s32 s21, s2  }
0x9d: {  	[timem:s6], [sflag:s22] =	dma.local [hbm:s4], s20  }
0x9e: {  	_ =	swait.ge [sflag:s22], s20  }
0x9f: {  	s3 =	ssub.s32 $0x0, s20;
	[sflag:s22] =	ssyncset.done $0x0  }
0xa0: {  	[sflag:s22] =	ssyncadd.s32 s3;
	_ =	sdelay $0x1  }
0xa1: {  	s23 =	simm.s32 $0x1B8B  }
0xa2: {  	_ =	swait.ge [sflag:s23], $0x1  }
0xa3: {  	[sflag:s23] =	ssyncset.done $0x0  }
0xa4: {  	s25 =	simm.s32 $0x1B8E;
	s24 =	sld [smem:$0x3FFE];
	[sflag:s23] =	ssyncadd.s32 $0xFFFFFFFF  }
0xa5: {  	s26 =	simm.s32 $execute0_lowered;
	[smem:$0x3FD2] =	sst s25  }
0xa6: {  	s4 =	sshll.u32 s26, $0x1;
	_ =	strace $0x80000046;
	[dreg:$0x1] =	wrdreg $0xFFFFFFFF  }
0xa7: {  	s28 =	simm.s32 $_size_execute0_lowered;
	s2 =	sadd.s32 s2, s4;
	[dreg:$0x0] =	wrdreg $0x0  }
0xa8: {  	s4 =	sshll.u32 s28, $0x1;
	[dreg:$0x2] =	wrdreg s2  }
0xa9: {  	[dreg:$0x3] =	wrdreg s4  }
0xaa: {  	[dreg:$0x4] =	wrdreg $0xC0  }
0xab: {  	_ =	task [dreg:s6], $0x5FFFF  }
0xac: {  	[dreg:$0x1] =	wrdreg $0xFFFFFFFF  }
0xad: {  	[dreg:$0x0] =	wrdreg $0x60  }
0xae: {  	[dreg:$0x2] =	wrdreg s24  }
0xaf: {  	[dreg:$0x3] =	wrdreg $0xF8000  }
0xb0: {  	[dreg:$0x4] =	wrdreg $0x9  }
0xb1: {  	_ =	task.clear_ibuf [dreg:s6], $0x5FFFF;
	_ =	strace $0x90000046  }
0xb2: {  	s29 =	simm.s32 $0x9;
	_ =	strace $0x80000048  }
0xb3: {  	_ =	swait.ge [sflag:s29], $0x1  }
0xb4: {  	[sflag:s29] =	ssyncadd.s32 $0xFFFFFFFF  }
0xb5: {  	_ =	strace $0x90000048  }
0xb6: {  	_ =	sfence  }
0xb7: {  	s30 =	sld [smem:$0x0];
	_ =	sdelay $0x2  }
0xb8: {  	s31 =	sshll.u32 s1, $0xD;
	s1 =	sshrl.u32 s1, $0x2  }
0xb9: {  	s3 =	sand.u32 $0x4000, s31;
	s1 =	sadd.s32 s1, s30  }
0xba: {  	s0 =	sor.u32 s3, s0;
	s1 =	sshll.u32 s1, $0x11  }
0xbb: {  	s0 =	sor.u32 s1, s0  }
0xbc: {  	s0 =	sadd.s32 $0x8F2B, s0  }
0xbd: {  	[sflag:s0] =	ssyncadd.remote.s32 $0x1  }
0xbe: {  	_ =	sfence.sel $0xFFFF  }
0xbf: {  	[dreg:$0x0] =	wrdreg $0xFFFFFFFF;
	(pc) =	sbr.abs _section_cstart, $3  }
0xc0: {  	[dreg:$0x1] =	wrdreg $0xFFFFFFFF  }
0xc1: {  	_ =	task.clear_ibuf [dreg:s6], $0x2FFFF;
	_ =	strace $0x9FFFFFFF  }
0xc2: {  	(tm) =	ssettm $0x7FFFFFFF  }
0xc3: {  	_ =	shalt  }
tec
execute0_lowered:
.L_overlay_start_1:
0x0: {  	(tag) =	ssettag $0x1  }
0x1: {  	s0 =	srdreg.scid;
	s6 =	rddreg [dreg:$0x0]  }
0x2: {  	s8 =	stileid.u32;
	s2 =	rddreg [dreg:$0x1];
	s3 =	simm.s32 $0x0  }
0x3: {  	s0 =	sand.u32 $0x1, s0;
	[smem:$0x7FF] =	sst s3;
	s9 =	smul.u32 $0xC380, s8  }
0x4: {  	s4 =	sadd.s32 $0xC6800, s6;
	s1 =	sshll.u32 s0, $0x4;
	s7 =	smul.u32 $0xC3800, s0  }
0x5: {  	_ =	strace $0x80000047;
	s0 =	ssub.s32 $0x2, s0;
	s1 =	sor.u32 s8, s1  }
0x6: {  	s8 =	smul.u32 $0x30E00, s8;
	s11 =	sshrl.u32 s0, $0x1;
	s13 =	sadd.s32 s9, s2  }
0x7: {  	s5 =	smul.u32 $0xC80, s1;
	s7 =	sadd.s32 s9, s7;
	s0 =	ssub.s32 s0, s11  }
0x8: {  	s25 =	sshrl.u32 s13, $0x3;
	s7 =	sshrl.u32 s7, $0x3;
	s8 =	sshrl.u32 s8, $0x2  }
0x9: {  	s0 =	smax.u32 s0, $0x1;
	[dreg:$0x14] =	wrdreg s25;
	s10 =	sadd.s32 s5, s6  }
0xa: {  	s5 =	sadd.s32 $0x111000, s6;
	s7 =	sadd.s32 s7, s6;
	s6 =	sadd.s32 s8, s2  }
0xb: {  	[dreg:$0x8] =	wrdreg s0;
	s8 =	sadd.s32 $0xC000, s6  }
0xc: {  	s30 =	smul.u32 $0x19000, s1;
	s31 =	sadd.s32 $0xDF000, s10;
	[dreg:$0x3] =	wrdreg s8  }
0xd: {  	s10 =	sadd.s32 $0xF8000, s10;
	[dreg:$0x4] =	wrdreg s31  }
0xe: {  	s11 =	sadd.s32 s5, s30;
	[dreg:$0x5] =	wrdreg s10  }
0xf: {  	s12 =	sadd.s32 $0xA71000, s7;
	[dreg:$0x6] =	wrdreg s11  }
0x10: {  	s14 =	sadd.s32 $0x800, s6;
	[dreg:$0x7] =	wrdreg s12  }
0x11: {  	s15 =	sadd.s32 $0x1000, s6;
	[dreg:$0x9] =	wrdreg s14  }
0x12: {  	s16 =	sadd.s32 $0x1800, s6;
	[dreg:$0xa] =	wrdreg s15  }
0x13: {  	s17 =	sadd.s32 $0x2000, s6;
	[dreg:$0xb] =	wrdreg s16  }
0x14: {  	s18 =	sadd.s32 $0x2800, s6;
	[dreg:$0xc] =	wrdreg s17  }
0x15: {  	s19 =	sadd.s32 $0x3000, s6;
	[dreg:$0xd] =	wrdreg s18  }
0x16: {  	s20 =	sadd.s32 $0x3800, s6;
	[dreg:$0xe] =	wrdreg s19  }
0x17: {  	s21 =	sadd.s32 $0x4000, s6;
	[dreg:$0xf] =	wrdreg s20  }
0x18: {  	s22 =	sadd.s32 $0x4800, s6;
	[dreg:$0x10] =	wrdreg s21  }
0x19: {  	s23 =	sadd.s32 $0x5000, s6;
	[dreg:$0x11] =	wrdreg s22  }
0x1a: {  	s13 =	simm.s32 $0xC800;
	s24 =	sadd.s32 $0x5800, s6;
	[dreg:$0x12] =	wrdreg s23  }
0x1b: {  	s26 =	sadd.s32 $0x6000, s6;
	s28 =	sadd.s32 $0x6800, s6;
	[dreg:$0x13] =	wrdreg s24  }
0x1c: {  	s29 =	sadd.s32 $0x7000, s6;
	s30 =	sadd.s32 $0x7800, s6;
	[dreg:$0x15] =	wrdreg s26  }
0x1d: {  	s0 =	sadd.s32 $0x9000, s6;
	s7 =	sadd.s32 $0x9800, s6;
	[dreg:$0x16] =	wrdreg s28  }
0x1e: {  	s9 =	sadd.s32 $0xA000, s6;
	s8 =	smul.u32 $0xC8, s1;
	[dreg:$0x17] =	wrdreg s29  }
0x1f: {  	[dreg:$0x18] =	wrdreg s30;
	s31 =	sadd.s32 $0x8000, s6;
	s1 =	sadd.s32 $0x8800, s6  }
0x20: {  	s10 =	sadd.s32 $0xA800, s6;
	s11 =	sadd.s32 $0xB000, s6;
	s12 =	sadd.s32 $0xB800, s6  }
0x21: {  	s14 =	simm.s32 $0x5;
	s15 =	simm.s32 $0x80;
	s16 =	simm.s32 $0x1  }
0x22: {  	s17 =	simm.s32 $0x3;
	s18 =	simm.s32 $0xD000;
	s19 =	simm.s32 $0xE800  }
0x23: {  	v0 =	vimm.f32 $0.0e+00;
	s20 =	simm.s32 $0x2;
	s21 =	simm.s32 $0x4;
	[dreg:$0x19] =	wrdreg s31  }
.LBB2_1:
0x24: {  	s22 =	simm.s32 $0x40;
	s23 =	simm.s32 $0x0  }
.LBB2_2:
0x25: {  	p0 =	sne.s32 s22, $0x1FC0;
	[tilespmem:s23+$0xC800] =	vst v0;
	s23 =	smov.u32 s22;
	s22 =	sadd.s32 $0x40, s22  }
.Ltmp0:
0x26: {  	(pc) =	sbr.rel @p0 .LBB2_2-.Ltmp0, $2  }
0x27: {  	_ =	sdelay $0x2  }
0x28: {  	s23 =	sshra.s32 s23, $0x2  }
0x29: {  	[tilespmem:s23+$0xC800] =	vst v0  }
0x2a: {  	[spmem:s6] =	stream.linear.scatter [tilespmem:s13], [sflag:$0x5], $0x800, $0x38;
	[tilespmem:$0x1BB80] =	vst v63  }
0x2b: {  	_ =	swait.ge [sflag:s14], $0x800  }
0x2c: {  	[sflag:s14] =	ssyncset.done $0x0  }
0x2d: {  	s22 =	rddreg [dreg:$0x9];
	[sflag:s14] =	ssyncadd.s32 $0xFFFFF800  }
0x2e: {  	[spmem:s22] =	stream.linear.scatter [tilespmem:s13], [sflag:$0x5], $0x800, $0x38;
	[tilespmem:$0x1BB80] =	vst v63  }
0x2f: {  	_ =	swait.ge [sflag:s14], $0x800  }
0x30: {  	[sflag:s14] =	ssyncset.done $0x0  }
0x31: {  	s28 =	rddreg [dreg:$0xa];
	[sflag:s14] =	ssyncadd.s32 $0xFFFFF800  }
0x32: {  	[spmem:s28] =	stream.linear.scatter [tilespmem:s13], [sflag:$0x5], $0x800, $0x38;
	[tilespmem:$0x1BB80] =	vst v63  }
0x33: {  	_ =	swait.ge [sflag:s14], $0x800  }
0x34: {  	[sflag:s14] =	ssyncset.done $0x0  }
0x35: {  	s29 =	rddreg [dreg:$0xb];
	[sflag:s14] =	ssyncadd.s32 $0xFFFFF800  }
0x36: {  	[spmem:s29] =	stream.linear.scatter [tilespmem:s13], [sflag:$0x5], $0x800, $0x38;
	[tilespmem:$0x1BB80] =	vst v63  }
0x37: {  	_ =	swait.ge [sflag:s14], $0x800  }
0x38: {  	[sflag:s14] =	ssyncset.done $0x0  }
0x39: {  	s30 =	rddreg [dreg:$0xc];
	[sflag:s14] =	ssyncadd.s32 $0xFFFFF800  }
0x3a: {  	[spmem:s30] =	stream.linear.scatter [tilespmem:s13], [sflag:$0x5], $0x800, $0x38;
	[tilespmem:$0x1BB80] =	vst v63  }
0x3b: {  	_ =	swait.ge [sflag:s14], $0x800  }
0x3c: {  	[sflag:s14] =	ssyncset.done $0x0  }
0x3d: {  	s31 =	rddreg [dreg:$0xd];
	[sflag:s14] =	ssyncadd.s32 $0xFFFFF800  }
0x3e: {  	[spmem:s31] =	stream.linear.scatter [tilespmem:s13], [sflag:$0x5], $0x800, $0x38;
	[tilespmem:$0x1BB80] =	vst v63  }
0x3f: {  	_ =	swait.ge [sflag:s14], $0x800  }
0x40: {  	[sflag:s14] =	ssyncset.done $0x0  }
0x41: {  	s23 =	rddreg [dreg:$0xe];
	[sflag:s14] =	ssyncadd.s32 $0xFFFFF800  }
0x42: {  	[spmem:s23] =	stream.linear.scatter [tilespmem:s13], [sflag:$0x5], $0x800, $0x38;
	[tilespmem:$0x1BB80] =	vst v63  }
0x43: {  	_ =	swait.ge [sflag:s14], $0x800  }
0x44: {  	[sflag:s14] =	ssyncset.done $0x0  }
0x45: {  	s24 =	rddreg [dreg:$0xf];
	[sflag:s14] =	ssyncadd.s32 $0xFFFFF800  }
0x46: {  	[spmem:s24] =	stream.linear.scatter [tilespmem:s13], [sflag:$0x5], $0x800, $0x38;
	[tilespmem:$0x1BB80] =	vst v63  }
0x47: {  	_ =	swait.ge [sflag:s14], $0x800  }
0x48: {  	[sflag:s14] =	ssyncset.done $0x0  }
0x49: {  	s25 =	rddreg [dreg:$0x10];
	[sflag:s14] =	ssyncadd.s32 $0xFFFFF800  }
0x4a: {  	[spmem:s25] =	stream.linear.scatter [tilespmem:s13], [sflag:$0x5], $0x800, $0x38;
	[tilespmem:$0x1BB80] =	vst v63  }
0x4b: {  	_ =	swait.ge [sflag:s14], $0x800  }
0x4c: {  	[sflag:s14] =	ssyncset.done $0x0  }
0x4d: {  	s26 =	rddreg [dreg:$0x11];
	[sflag:s14] =	ssyncadd.s32 $0xFFFFF800  }
0x4e: {  	[spmem:s26] =	stream.linear.scatter [tilespmem:s13], [sflag:$0x5], $0x800, $0x38;
	[tilespmem:$0x1BB80] =	vst v63  }
0x4f: {  	_ =	swait.ge [sflag:s14], $0x800  }
0x50: {  	[sflag:s14] =	ssyncset.done $0x0  }
0x51: {  	s28 =	rddreg [dreg:$0x12];
	[sflag:s14] =	ssyncadd.s32 $0xFFFFF800  }
0x52: {  	[spmem:s28] =	stream.linear.scatter [tilespmem:s13], [sflag:$0x5], $0x800, $0x38;
	[tilespmem:$0x1BB80] =	vst v63  }
0x53: {  	_ =	swait.ge [sflag:s14], $0x800  }
0x54: {  	[sflag:s14] =	ssyncset.done $0x0  }
0x55: {  	s29 =	rddreg [dreg:$0x13];
	[sflag:s14] =	ssyncadd.s32 $0xFFFFF800  }
0x56: {  	[spmem:s29] =	stream.linear.scatter [tilespmem:s13], [sflag:$0x5], $0x800, $0x38;
	[tilespmem:$0x1BB80] =	vst v63  }
0x57: {  	_ =	swait.ge [sflag:s14], $0x800  }
0x58: {  	[sflag:s14] =	ssyncset.done $0x0  }
0x59: {  	s30 =	rddreg [dreg:$0x15];
	[sflag:s14] =	ssyncadd.s32 $0xFFFFF800  }
0x5a: {  	[spmem:s30] =	stream.linear.scatter [tilespmem:s13], [sflag:$0x5], $0x800, $0x38;
	[tilespmem:$0x1BB80] =	vst v63  }
0x5b: {  	_ =	swait.ge [sflag:s14], $0x800  }
0x5c: {  	[sflag:s14] =	ssyncset.done $0x0  }
0x5d: {  	s31 =	rddreg [dreg:$0x16];
	[sflag:s14] =	ssyncadd.s32 $0xFFFFF800  }
0x5e: {  	[spmem:s31] =	stream.linear.scatter [tilespmem:s13], [sflag:$0x5], $0x800, $0x38;
	[tilespmem:$0x1BB80] =	vst v63  }
0x5f: {  	_ =	swait.ge [sflag:s14], $0x800  }
0x60: {  	[sflag:s14] =	ssyncset.done $0x0  }
0x61: {  	s23 =	rddreg [dreg:$0x17];
	[sflag:s14] =	ssyncadd.s32 $0xFFFFF800  }
0x62: {  	[spmem:s23] =	stream.linear.scatter [tilespmem:s13], [sflag:$0x5], $0x800, $0x38;
	[tilespmem:$0x1BB80] =	vst v63  }
0x63: {  	_ =	swait.ge [sflag:s14], $0x800  }
0x64: {  	[sflag:s14] =	ssyncset.done $0x0  }
0x65: {  	s24 =	rddreg [dreg:$0x18];
	[sflag:s14] =	ssyncadd.s32 $0xFFFFF800  }
0x66: {  	[spmem:s24] =	stream.linear.scatter [tilespmem:s13], [sflag:$0x5], $0x800, $0x38;
	[tilespmem:$0x1BB80] =	vst v63  }
0x67: {  	_ =	swait.ge [sflag:s14], $0x800  }
0x68: {  	[sflag:s14] =	ssyncset.done $0x0  }
0x69: {  	s25 =	rddreg [dreg:$0x19];
	[sflag:s14] =	ssyncadd.s32 $0xFFFFF800  }
0x6a: {  	[spmem:s25] =	stream.linear.scatter [tilespmem:s13], [sflag:$0x5], $0x800, $0x38;
	[tilespmem:$0x1BB80] =	vst v63  }
0x6b: {  	_ =	swait.ge [sflag:s14], $0x800  }
0x6c: {  	[sflag:s14] =	ssyncset.done $0x0  }
0x6d: {  	[sflag:s14] =	ssyncadd.s32 $0xFFFFF800  }
0x6e: {  	[spmem:s1] =	stream.linear.scatter [tilespmem:s13], [sflag:$0x5], $0x800, $0x38;
	[tilespmem:$0x1BB80] =	vst v63  }
0x6f: {  	_ =	swait.ge [sflag:s14], $0x800  }
0x70: {  	[sflag:s14] =	ssyncset.done $0x0  }
0x71: {  	[sflag:s14] =	ssyncadd.s32 $0xFFFFF800  }
0x72: {  	[spmem:s0] =	stream.linear.scatter [tilespmem:s13], [sflag:$0x5], $0x800, $0x38;
	[tilespmem:$0x1BB80] =	vst v63  }
0x73: {  	_ =	swait.ge [sflag:s14], $0x800  }
0x74: {  	[sflag:s14] =	ssyncset.done $0x0  }
0x75: {  	[sflag:s14] =	ssyncadd.s32 $0xFFFFF800  }
0x76: {  	[spmem:s7] =	stream.linear.scatter [tilespmem:s13], [sflag:$0x5], $0x800, $0x38;
	[tilespmem:$0x1BB80] =	vst v63  }
0x77: {  	_ =	swait.ge [sflag:s14], $0x800  }
0x78: {  	[sflag:s14] =	ssyncset.done $0x0  }
0x79: {  	[sflag:s14] =	ssyncadd.s32 $0xFFFFF800  }
0x7a: {  	[spmem:s9] =	stream.linear.scatter [tilespmem:s13], [sflag:$0x5], $0x800, $0x38;
	[tilespmem:$0x1BB80] =	vst v63  }
0x7b: {  	_ =	swait.ge [sflag:s14], $0x800  }
0x7c: {  	[sflag:s14] =	ssyncset.done $0x0  }
0x7d: {  	[sflag:s14] =	ssyncadd.s32 $0xFFFFF800  }
0x7e: {  	[spmem:s10] =	stream.linear.scatter [tilespmem:s13], [sflag:$0x5], $0x800, $0x38;
	[tilespmem:$0x1BB80] =	vst v63  }
0x7f: {  	_ =	swait.ge [sflag:s14], $0x800  }
0x80: {  	[sflag:s14] =	ssyncset.done $0x0  }
0x81: {  	[sflag:s14] =	ssyncadd.s32 $0xFFFFF800  }
0x82: {  	[spmem:s11] =	stream.linear.scatter [tilespmem:s13], [sflag:$0x5], $0x800, $0x38;
	[tilespmem:$0x1BB80] =	vst v63  }
0x83: {  	_ =	swait.ge [sflag:s14], $0x800  }
0x84: {  	[sflag:s14] =	ssyncset.done $0x0  }
0x85: {  	[sflag:s14] =	ssyncadd.s32 $0xFFFFF800  }
0x86: {  	[spmem:s12] =	stream.linear.scatter [tilespmem:s13], [sflag:$0x5], $0x800, $0x38;
	[tilespmem:$0x1BB80] =	vst v63  }
0x87: {  	_ =	swait.ge [sflag:s14], $0x800  }
0x88: {  	[sflag:s14] =	ssyncset.done $0x0  }
0x89: {  	s26 =	rddreg [dreg:$0x3];
	[sflag:s14] =	ssyncadd.s32 $0xFFFFF800  }
0x8a: {  	[spmem:s26] =	stream.linear.scatter [tilespmem:s13], [sflag:$0x5], $0x380, $0x38;
	[tilespmem:$0x1BB80] =	vst v63  }
0x8b: {  	_ =	swait.ge [sflag:s14], $0x380  }
0x8c: {  	[sflag:s14] =	ssyncset.done $0x0  }
0x8d: {  	s22 =	simm.s32 $0x0;
	s28 =	rddreg [dreg:$0x4];
	[sflag:s14] =	ssyncadd.s32 $0xFFFFFC80  }
0x8e: {  	[tilespmem:s22], [sflag:$0x5] =	stream.linear.gather [hbm4b:s28+s22], $0x6400, $0x38;
	[tilespmem:$0x1BB80] =	vst v63  }
0x8f: {  	_ =	swait.ge [sflag:s14], $0x6400  }
0x90: {  	[sflag:s14] =	ssyncset.done $0x0  }
0x91: {  	s24 =	simm.s32 $0x6400;
	s29 =	rddreg [dreg:$0x5];
	[sflag:s14] =	ssyncadd.s32 $0xFFFF9C00  }
0x92: {  	[tilespmem:s24], [sflag:$0x5] =	stream.linear.gather [hbm4b:s29+s22], $0x6400, $0x38;
	[tilespmem:$0x1BB80] =	vst v63  }
0x93: {  	_ =	swait.ge [sflag:s14], $0x6400  }
0x94: {  	[sflag:s14] =	ssyncset.done $0x0  }
0x95: {  	[sflag:s14] =	ssyncadd.s32 $0xFFFF9C00  }
0x96: {  	[bflag:$0x0] =	sbarrier.arrive $0xFFFF  }
0x97: {  	[tilespmem:s13], [sflag:$0x1] =	stream.indirect.gather [hbm4b:s4+s15], $0x10, s22, s15, $0xb8;
	[tilespmem:$0x1BB80] =	vst v63  }
0x98: {  	s31 =	simm.s32 $0xD800;
	s23 =	simm.s32 $0x0;
	s30 =	rddreg [dreg:$0x6]  }
0x99: {  	[tilespmem:s31], [sflag:$0x3] =	stream.linear.gather [hbm4b:s30+s22], $0x1000, $0x38;
	[tilespmem:$0x1BB80] =	vst v63  }
.LBB2_4:
0x9a: {  	_ =	swait.ge [sflag:s16], $0x800  }
0x9b: {  	[sflag:s16] =	ssyncset.done $0x0  }
0x9c: {  	s25 =	sshllo.u32 s23, $0x1;
	[sflag:s16] =	ssyncadd.s32 $0xFFFFF800  }
0x9d: {  	s26 =	sadd.s32 s8, s25;
	_ =	swait.ge [sflag:s17], $0x1000  }
0x9e: {  	s24 =	sshll.u32 s25, $0x9;
	s26 =	sshll.u32 s26, $0x9;
	[sflag:s17] =	ssyncset.done $0x0  }
0x9f: {  	s24 =	sshrl.u32 s24, $0x2;
	s26 =	sand.u32 $0x1FFFFE00, s26;
	[sflag:s17] =	ssyncadd.s32 $0xFFFFF000  }
0xa0: {  	[tilespmem:s18], [sflag:$0x2] =	stream.indirect.gather [hbm4b:s4+s15], $0x10, s24, s15, $0xb8;
	[tilespmem:$0x1BB80] =	vst v63  }
0xa1: {  	s29 =	simm.s32 $0xC820;
	s30 =	simm.s32 $0x0;
	s26 =	sadd.s32 s5, s26  }
0xa2: {  	[tilespmem:s19], [sflag:$0x4] =	stream.linear.gather [hbm4b:s26+s22], $0x1000, $0x38;
	[tilespmem:$0x1BB80] =	vst v63  }
0xa3: {  	s31 =	simm.s32 $0x200;
	s28 =	simm.s32 $0xC820;
	s26 =	sshll.u32 s23, $0x1;
	v1 =	vld [tilespmem:s29+$0xFFFFFFE0]  }
.LBB2_5:
0xa4: {  	p0 =	sne.s32 s31, $0x3E00;
	v2 =	vld [tilespmem:s30+$0xD800];
	_ =	sdelay $0x4  }
0xa5: {  	v1 =	vadd.f32 v2, v1;
	_ =	sdelay $0x1  }
0xa6: {  	v1 =	vmax.f32 v1, $0.0e+00  }
0xa7: {  	[tilespmem:s29+$0xFFFFFFE0] =	vst v1;
	v1 =	vld [tilespmem:s29+$0xFFFFFFF0]  }
0xa8: {  	v2 =	vld [tilespmem:s30+$0xD810];
	_ =	sdelay $0x4  }
0xa9: {  	v1 =	vadd.f32 v2, v1;
	_ =	sdelay $0x1  }
0xaa: {  	v1 =	vmax.f32 v1, $0.0e+00  }
0xab: {  	[tilespmem:s29+$0xFFFFFFF0] =	vst v1;
	v1 =	vld [tilespmem:s29+$0x0]  }
0xac: {  	v2 =	vld [tilespmem:s30+$0xD820];
	_ =	sdelay $0x4  }
0xad: {  	v1 =	vadd.f32 v2, v1;
	_ =	sdelay $0x1  }
0xae: {  	v1 =	vmax.f32 v1, $0.0e+00  }
0xaf: {  	[tilespmem:s29+$0x0] =	vst v1;
	v1 =	vld [tilespmem:s29+$0x10]  }
0xb0: {  	v2 =	vld [tilespmem:s30+$0xD830];
	_ =	sdelay $0x3  }
.Ltmp1:
0xb1: {  	(pc) =	sbr.rel @p0 .LBB2_5-.Ltmp1, $3  }
0xb2: {  	v1 =	vadd.f32 v2, v1;
	_ =	sdelay $0x1  }
0xb3: {  	s29 =	sadd.s32 $0x40, s29;
	v2 =	vmax.f32 v1, $0.0e+00  }
0xb4: {  	s30 =	sshra.s32 s31, $0x2;
	s31 =	sadd.s32 $0x200, s31;
	v1 =	vld [tilespmem:s29+$0xFFFFFFE0];
	[tilespmem:s28+$0x10] =	vst v2;
	s28 =	smov.u32 s29  }
0xb5: {  	v2 =	vld [tilespmem:s30+$0xD800];
	_ =	sdelay $0x4  }
0xb6: {  	v1 =	vadd.f32 v2, v1;
	_ =	sdelay $0x1  }
0xb7: {  	v1 =	vmax.f32 v1, $0.0e+00  }
0xb8: {  	[tilespmem:s29+$0xFFFFFFE0] =	vst v1;
	v1 =	vld [tilespmem:s29+$0xFFFFFFF0]  }
0xb9: {  	v2 =	vld [tilespmem:s30+$0xD810];
	_ =	sdelay $0x4  }
0xba: {  	v1 =	vadd.f32 v2, v1;
	_ =	sdelay $0x1  }
0xbb: {  	v1 =	vmax.f32 v1, $0.0e+00  }
0xbc: {  	[tilespmem:s29+$0xFFFFFFF0] =	vst v1;
	v1 =	vld [tilespmem:s29+$0x0]  }
0xbd: {  	v2 =	vld [tilespmem:s30+$0xD820];
	_ =	sdelay $0x4  }
0xbe: {  	v1 =	vadd.f32 v2, v1;
	_ =	sdelay $0x1  }
0xbf: {  	v1 =	vmax.f32 v1, $0.0e+00  }
0xc0: {  	[tilespmem:s29+$0x0] =	vst v1;
	v1 =	vld [tilespmem:s29+$0x10]  }
0xc1: {  	v2 =	vld [tilespmem:s30+$0xD830];
	_ =	sdelay $0x4  }
0xc2: {  	v1 =	vadd.f32 v2, v1  }
0xc3: {  	s29 =	sshll.u32 s23, $0x8  }
0xc4: {  	s29 =	sand.u32 $0x3FFFFF00, s29;
	v1 =	vmax.f32 v1, $0.0e+00  }
0xc5: {  	[tilespmem:s28+$0x10] =	vst v1;
	s28 =	sadd.s32 $0x6400, s29  }
0xc6: {  	[spmem:s2] =	stream.indirect.scatter.add.f32 [tilespmem:s13], [sflag:$0x5], $0x10, s28, s15, $0xb8;
	[tilespmem:$0x1BB80] =	vst v63  }
0xc7: {  	_ =	swait.ge [sflag:s14], $0x800  }
0xc8: {  	[sflag:s14] =	ssyncset.done $0x0  }
0xc9: {  	[sflag:s14] =	ssyncadd.s32 $0xFFFFF800  }
0xca: {  	p0 =	sgt.u32 s25, $0xC6;
	_ =	swait.ge [sflag:s20], $0x800  }
0xcb: {  	s25 =	sadd.s32 @!p0 $0x2, s26;
	[sflag:s20] =	ssyncset.done $0x0  }
0xcc: {  	s26 =	sshll.u32 @!p0 s25, $0x7;
	s25 =	sadd.s32 @!p0 s8, s25;
	[sflag:s20] =	ssyncadd.s32 $0xFFFFF800  }
0xcd: {  	s25 =	sshll.u32 @!p0 s25, $0x9;
	_ =	swait.ge [sflag:s21], $0x1000  }
0xce: {  	s26 =	sand.u32 @!p0 $0x3FFFFF80, s26;
	s25 =	sand.u32 @!p0 $0x1FFFFC00, s25;
	[sflag:s21] =	ssyncset.done $0x0  }
0xcf: {  	s29 =	simm.s32 @!p0 $0xC800;
	s28 =	simm.s32 @!p0 $0x80;
	[sflag:s21] =	ssyncadd.s32 $0xFFFFF000  }
0xd0: {  	[tilespmem:s29], [sflag:$0x1] =	stream.indirect.gather @!p0 [hbm4b:s4+s28], $0x10, s26, s28, $0xb8;
	[tilespmem:$0x1BB80] =	vst v63  }
0xd1: {  	s25 =	sadd.s32 @!p0 s5, s25;
	s26 =	simm.s32 @!p0 $0x0;
	s28 =	simm.s32 @!p0 $0xD800  }
0xd2: {  	[tilespmem:s28], [sflag:$0x3] =	stream.linear.gather @!p0 [hbm4b:s25+s26], $0x1000, $0x38;
	[tilespmem:$0x1BB80] =	vst v63  }
0xd3: {  	s25 =	simm.s32 $0xD020  }
0xd4: {  	s29 =	simm.s32 $0x200;
	s28 =	simm.s32 $0x0;
	s26 =	simm.s32 $0xD020;
	v1 =	vld [tilespmem:s25+$0xFFFFFFE0]  }
.LBB2_7:
0xd5: {  	p0 =	sne.s32 s29, $0x3E00;
	v2 =	vld [tilespmem:s28+$0xE800];
	_ =	sdelay $0x4  }
0xd6: {  	v1 =	vadd.f32 v2, v1;
	_ =	sdelay $0x1  }
0xd7: {  	v1 =	vmax.f32 v1, $0.0e+00  }
0xd8: {  	[tilespmem:s25+$0xFFFFFFE0] =	vst v1;
	v1 =	vld [tilespmem:s25+$0xFFFFFFF0]  }
0xd9: {  	v2 =	vld [tilespmem:s28+$0xE810];
	_ =	sdelay $0x4  }
0xda: {  	v1 =	vadd.f32 v2, v1;
	_ =	sdelay $0x1  }
0xdb: {  	v1 =	vmax.f32 v1, $0.0e+00  }
0xdc: {  	[tilespmem:s25+$0xFFFFFFF0] =	vst v1;
	v1 =	vld [tilespmem:s25+$0x0]  }
0xdd: {  	v2 =	vld [tilespmem:s28+$0xE820];
	_ =	sdelay $0x4  }
0xde: {  	v1 =	vadd.f32 v2, v1;
	_ =	sdelay $0x1  }
0xdf: {  	v1 =	vmax.f32 v1, $0.0e+00  }
0xe0: {  	[tilespmem:s25+$0x0] =	vst v1;
	v1 =	vld [tilespmem:s25+$0x10]  }
0xe1: {  	v2 =	vld [tilespmem:s28+$0xE830];
	_ =	sdelay $0x3  }
.Ltmp2:
0xe2: {  	(pc) =	sbr.rel @p0 .LBB2_7-.Ltmp2, $3  }
0xe3: {  	v1 =	vadd.f32 v2, v1;
	_ =	sdelay $0x1  }
0xe4: {  	s25 =	sadd.s32 $0x40, s25;
	v2 =	vmax.f32 v1, $0.0e+00  }
0xe5: {  	s28 =	sshra.s32 s29, $0x2;
	s29 =	sadd.s32 $0x200, s29;
	v1 =	vld [tilespmem:s25+$0xFFFFFFE0];
	[tilespmem:s26+$0x10] =	vst v2;
	s26 =	smov.u32 s25  }
0xe6: {  	v2 =	vld [tilespmem:s28+$0xE800];
	_ =	sdelay $0x4  }
0xe7: {  	v1 =	vadd.f32 v2, v1;
	_ =	sdelay $0x1  }
0xe8: {  	v1 =	vmax.f32 v1, $0.0e+00  }
0xe9: {  	[tilespmem:s25+$0xFFFFFFE0] =	vst v1;
	v1 =	vld [tilespmem:s25+$0xFFFFFFF0]  }
0xea: {  	v2 =	vld [tilespmem:s28+$0xE810];
	_ =	sdelay $0x4  }
0xeb: {  	v1 =	vadd.f32 v2, v1;
	_ =	sdelay $0x1  }
0xec: {  	v1 =	vmax.f32 v1, $0.0e+00  }
0xed: {  	[tilespmem:s25+$0xFFFFFFF0] =	vst v1;
	v1 =	vld [tilespmem:s25+$0x0]  }
0xee: {  	v2 =	vld [tilespmem:s28+$0xE820];
	_ =	sdelay $0x4  }
0xef: {  	v1 =	vadd.f32 v2, v1;
	_ =	sdelay $0x1  }
0xf0: {  	v1 =	vmax.f32 v1, $0.0e+00  }
0xf1: {  	[tilespmem:s25+$0x0] =	vst v1;
	v1 =	vld [tilespmem:s25+$0x10]  }
0xf2: {  	v2 =	vld [tilespmem:s28+$0xE830];
	_ =	sdelay $0x4  }
0xf3: {  	v1 =	vadd.f32 v2, v1  }
0xf4: {  	s23 =	sadd.s32 $0x1, s23  }
0xf5: {  	p0 =	sne.s32 s23, $0x64;
	v1 =	vmax.f32 v1, $0.0e+00  }
.Ltmp3:
0xf6: {  	s24 =	sadd.s32 $0x6400, s24;
	[tilespmem:s26+$0x10] =	vst v1;
	(pc) =	sbr.rel @p0 .LBB2_4-.Ltmp3, $4  }
0xf7: {  	[spmem:s2] =	stream.indirect.scatter.add.f32 [tilespmem:s18], [sflag:$0x5], $0x10, s24, s15, $0xb8;
	[tilespmem:$0x1BB80] =	vst v63  }
0xf8: {  	_ =	swait.ge [sflag:s14], $0x800  }
0xf9: {  	[sflag:s14] =	ssyncset.done $0x0  }
0xfa: {  	[sflag:s14] =	ssyncadd.s32 $0xFFFFF800  }
0xfb: {  	s22 =	stileid.u32;
	[bflag:$0x0] =	sbarrier.arrive $0xFFFF  }
0xfc: {  	s22 =	sshll.u32 s22, $0x6;
	s23 =	rddreg [dreg:$0x7]  }
0xfd: {  	s24 =	rddreg [dreg:$0x14];
	s22 =	sor.u32 $0x1C05, s22  }
0xfe: {  	[hbm:s23], [sflag:s22] =	dma.local [spmem:s24], $0x1870  }
0xff: {  	_ =	swait.ge [sflag:s14], $0x1870  }
0x100: {  	s3 =	sadd.s32 $0x1, s3;
	s31 =	rddreg [dreg:$0x8]  }
0x101: {  	p0 =	sne.s32 s3, s31  }
.Ltmp4:
0x102: {  	_ = 	snop;
	(pc) =	sbr.rel @p0 .LBB2_1-.Ltmp4, $3  }
0x103: {  	_ =	sdelay $0x1  }
0x104: {  	[sflag:s14] =	ssyncset.done $0x0  }
0x105: {  	[sflag:s14] =	ssyncadd.s32 $0xFFFFE790  }
0x106: {  	_ =	sfence.sel $0x180000  }
0x107: {  	[bflag:$0x0] =	sbarrier.arrive $0xFFFF  }
0x108: {  	_ =	strace $0x90000047  }
0x109: {  	s0 =	stileid.u32;
	[bflag:$0x2] =	sbarrier.arrive $0xFFFF  }
0x10a: {  	p0 =	sne.s32 s0, $0x0;
	s0 =	rddreg [dreg:$0x2]  }
0x10b: {  	s0 =	sadd.s32 @!p0 $0x100000, s0  }
0x10c: {  	[sflag:s0] =	ssyncadd.tile.s32 @!p0 $0x1;
	_ =	shalt  }
.Lfunc_end2:
_tile_overlayer_lowered:
.L_overlay_start_2:
0x10d: {  	(tag) =	ssettag $0x2  }
0x10e: {  	s0 =	rddreg [dreg:$0x0];
	s2 =	stileid.u32  }
0x10f: {  	s1 =	rddreg [dreg:$0x1];
	p0 =	sne.s32 s2, $0x0  }
0x110: {  	s3 =	rddreg [dreg:$0x2];
	[bflag:$0x3] =	sbarrier.arrive $0xFFFF;
	s2 =	simm.s32 @!p0 $0x1C05  }
0x111: {  	[timem:s3], [sflag:s2] =	dma.local @!p0 [hbm:s0], s1  }
0x112: {  	s0 =	simm.s32 @!p0 $0x5  }
0x113: {  	_ =	swait.ge @!p0 [sflag:s0], s1  }
0x114: {  	s1 =	ssub.s32 @!p0 $0x0, s1;
	[sflag:s0] =	ssyncset.done @!p0 $0x0  }
0x115: {  	[sflag:s0] =	ssyncadd.s32 @!p0 s1  }
0x116: {  	[bflag:$0x3] =	sbarrier.arrive $0xFFFF  }
0x117: {  	_ =	shalt  }

</sc_bundles>
